<compile_context>
chip_gen: v7x
topology: tpu7x:2x2x1
jax: 0.10.2.dev20260603
libtpu: 0.0.44.dev20260713+nightly
codegen_flags: <defaults>
</compile_context>

<pallas_src>
import functools

import jax
import jax.numpy as jnp
from jax import lax
from jax.experimental import pallas as pl
from jax.experimental.pallas import tpu as pltpu
from jax.experimental.pallas import tpu_sc as plsc

_N = 10000
_E = 160000
_D = 256
_H = 512
_WC = 128
_NT = 16
_NC = 2
_B = 80
_EPT = _E // _NT
_NB = _EPT // _B
_NPAD = 10240
_RPT = _NPAD // _NT

_SC_MESH = dict(core_axis_name="c", subcore_axis_name="s",
                num_cores=_NC, num_subcores=_NT)



def _make_deg_kernel():

    @functools.partial(
        pl.kernel,
        out_type=jax.ShapeDtypeStruct((_NPAD, 16), jnp.float32),
        mesh=plsc.VectorSubcoreMesh(**_SC_MESH),
        scratch_types=[
            pltpu.VMEM((_NB, _B), jnp.int32),
            pltpu.VMEM((_B, 16), jnp.float32),
            pltpu.VMEM_SHARED((_NPAD, 16), jnp.float32),
            pltpu.SemaphoreType.DMA,
        ],
    )
    def deg_kernel(dstp_hbm, zeros_hbm, out_hbm, didx, ones, acc, sem):
        c = lax.axis_index("c")
        t = lax.axis_index("s")

        def fill(i, _):
            ones[i, :] = jnp.full((16,), 1.0, jnp.float32)
            return 0

        lax.fori_loop(0, _B, fill, 0)

        pltpu.sync_copy(zeros_hbm, acc.at[pl.ds(t * _RPT, _RPT)])
        pltpu.sync_copy(dstp_hbm.at[t], didx)
        plsc.subcore_barrier()

        def fire(i, _):
            pltpu.async_copy(ones, acc.at[didx.at[i]], sem, add=True)
            return 0

        lax.fori_loop(0, _NB, fire, 0)

        def drain(i, _):
            pltpu.make_async_copy(ones, acc.at[didx.at[0]], sem).wait()
            return 0

        lax.fori_loop(0, _NB, drain, 0)
        plsc.subcore_barrier()

        @pl.when(c == 0)
        def _():
            pltpu.sync_copy(acc.at[pl.ds(t * _RPT, _RPT)],
                            out_hbm.at[pl.ds(t * _RPT, _RPT)])

    return deg_kernel


def _make_agg_kernel(nch):
    npc = nch // _NC

    @functools.partial(
        pl.kernel,
        out_type=jax.ShapeDtypeStruct((nch * _NPAD, _WC), jnp.float32),
        mesh=plsc.VectorSubcoreMesh(**_SC_MESH),
        scratch_types=[
            pltpu.VMEM((_EPT,), jnp.int32),
            pltpu.VMEM((_NB, _B), jnp.int32),
            pltpu.VMEM((_B, _WC), jnp.float32),
            pltpu.VMEM_SHARED((_NPAD, _WC), jnp.float32),
            pltpu.SemaphoreType.DMA,
        ],
    )
    def agg_kernel(hp_hbm, srcp_hbm, dstp_hbm, zeros_hbm, out_hbm,
                   sidx, didx, rows0, acc, gsem0):
        c = lax.axis_index("c")
        t = lax.axis_index("s")
        pltpu.sync_copy(dstp_hbm.at[t], didx)

        def gat(i):
            return hp_hbm.at[sidx.at[pl.ds(i * _B, _B)]]

        for k in range(npc):
            cg = c * npc + k
            pltpu.sync_copy(zeros_hbm, acc.at[pl.ds(t * _RPT, _RPT)])
            pltpu.sync_copy(srcp_hbm.at[cg, t], sidx)
            plsc.subcore_barrier()

            def body(i, _):
                pltpu.async_copy(gat(i), rows0, gsem0).wait()
                pltpu.sync_copy(rows0, acc.at[didx.at[i]], add=True)
                return 0

            lax.fori_loop(0, _NB, body, 0)
            plsc.subcore_barrier()
            pltpu.sync_copy(
                acc.at[pl.ds(t * _RPT, _RPT)],
                out_hbm.at[pl.ds(cg * _NPAD + t * _RPT, _RPT)])

    return agg_kernel


_deg_call = _make_deg_kernel()
_agg_call_2 = _make_agg_kernel(2)
_agg_call_4 = _make_agg_kernel(4)



_R = 1000
_G = _N // _R

_SQRT_HALF = 0.7071067811865476


def _gelu(x):
    return 0.5 * x * (1.0 + lax.erf(x * _SQRT_HALF))


def _prep_body(degp_ref, x_ref, dinv_ref, cnt_ref, hp0_ref):
    d = jnp.sum(degp_ref[...], axis=-1, keepdims=True) * (1.0 / 16.0)
    dinv = lax.rsqrt(d + 1.0)
    dinv_ref[...] = dinv
    cnt_ref[...] = jnp.maximum(d, 1.0)
    xb = x_ref[...]
    for k in range(_D // _WC):
        hp0_ref[k] = xb[:, k * _WC:(k + 1) * _WC] * dinv


def _prep_call(degp, x):
    return pl.pallas_call(
        _prep_body,
        grid=(_G,),
        in_specs=[
            pl.BlockSpec((_R, 16), lambda i: (i, 0)),
            pl.BlockSpec((_R, _D), lambda i: (i, 0)),
        ],
        out_specs=[
            pl.BlockSpec((_R, 1), lambda i: (i, 0)),
            pl.BlockSpec((_R, 1), lambda i: (i, 0)),
            pl.BlockSpec((_D // _WC, _R, _WC), lambda i: (0, i, 0)),
        ],
        out_shape=[
            jax.ShapeDtypeStruct((_N, 1), jnp.float32),
            jax.ShapeDtypeStruct((_N, 1), jnp.float32),
            jax.ShapeDtypeStruct((_D // _WC, _N, _WC), jnp.float32),
        ],
    )(degp, x)


def _make_layer_call(nch_in, residual, scale_out):
    din = nch_in * _WC
    nch_out = _H // _WC

    def body(agg_ref, hin_ref, dinv_ref, w_ref, b_ref, g_ref, be_ref,
             hout_ref, hp_ref):
        aggv = agg_ref[...]
        zt = jnp.concatenate([aggv[k] for k in range(nch_in)], axis=-1)
        dv = dinv_ref[...]
        hin = hin_ref[...]
        z = dv * zt + (dv * dv) * hin
        y = lax.dot_general(z, w_ref[...], (((1,), (1,)), ((), ())),
                            preferred_element_type=jnp.float32) + b_ref[...]
        mu = jnp.mean(y, axis=-1, keepdims=True)
        yc = y - mu
        var = jnp.mean(yc * yc, axis=-1, keepdims=True)
        yn = yc * lax.rsqrt(var + 1e-5) * g_ref[...] + be_ref[...]
        a = _gelu(yn)
        hout = a + hin if residual else a
        hout_ref[...] = hout
        hp = hout * dv if scale_out else hout
        for k in range(nch_out):
            hp_ref[k] = hp[:, k * _WC:(k + 1) * _WC]

    def call(agg, hin, dinv, w, b, g, be):
        return pl.pallas_call(
            body,
            grid=(_G,),
            in_specs=[
                pl.BlockSpec((nch_in, _R, _WC), lambda i: (0, i, 0)),
                pl.BlockSpec((_R, din), lambda i: (i, 0)),
                pl.BlockSpec((_R, 1), lambda i: (i, 0)),
                pl.BlockSpec((_H, din), lambda i: (0, 0)),
                pl.BlockSpec((1, _H), lambda i: (0, 0)),
                pl.BlockSpec((1, _H), lambda i: (0, 0)),
                pl.BlockSpec((1, _H), lambda i: (0, 0)),
            ],
            out_specs=[
                pl.BlockSpec((_R, _H), lambda i: (i, 0)),
                pl.BlockSpec((nch_out, _R, _WC), lambda i: (0, i, 0)),
            ],
            out_shape=[
                jax.ShapeDtypeStruct((_N, _H), jnp.float32),
                jax.ShapeDtypeStruct((nch_out, _N, _WC), jnp.float32),
            ],
        )(agg, hin, dinv, w, b, g, be)

    return call


_layer0_call = _make_layer_call(_D // _WC, residual=False, scale_out=True)
_layer1_call = _make_layer_call(_H // _WC, residual=True, scale_out=True)
_layer2_call = _make_layer_call(_H // _WC, residual=True, scale_out=False)


def _colsum_body(agg_ref, h3_ref, cnt_ref, out_ref):
    @pl.when(pl.program_id(0) == 0)
    def _():
        out_ref[...] = jnp.zeros_like(out_ref)

    aggv = agg_ref[...]
    nch = aggv.shape[0]
    aggt = jnp.concatenate([aggv[k] for k in range(nch)], axis=-1)
    am = aggt / cnt_ref[...]
    s1 = jnp.sum(am, axis=0, keepdims=True)
    s2 = jnp.sum(h3_ref[...], axis=0, keepdims=True)
    out_ref[...] += jnp.concatenate([s1, s2], axis=0)


def _colsum_call(agg, h3, cnt):
    nch = _H // _WC
    return pl.pallas_call(
        _colsum_body,
        grid=(_G,),
        in_specs=[
            pl.BlockSpec((nch, _R, _WC), lambda i: (0, i, 0)),
            pl.BlockSpec((_R, _H), lambda i: (i, 0)),
            pl.BlockSpec((_R, 1), lambda i: (i, 0)),
        ],
        out_specs=pl.BlockSpec((2, _H), lambda i: (0, 0)),
        out_shape=jax.ShapeDtypeStruct((2, _H), jnp.float32),
    )(agg, h3, cnt)


def _final_body(u_ref, wl_ref, bl_ref, wr_ref, wc1_ref, bc1_ref, wc2_ref,
                bc2_ref, out_ref):
    u = u_ref[...] * (1.0 / _N)
    pooled = (
        lax.dot_general(u[0:1], wl_ref[...], (((1,), (1,)), ((), ())),
                        preferred_element_type=jnp.float32)
        + bl_ref[...]
        + lax.dot_general(u[1:2], wr_ref[...], (((1,), (1,)), ((), ())),
                          preferred_element_type=jnp.float32))
    tmp = lax.dot_general(pooled, wc1_ref[...], (((1,), (1,)), ((), ())),
                          preferred_element_type=jnp.float32) + bc1_ref[...]
    tmp = _gelu(tmp)
    out_ref[...] = lax.dot_general(tmp, wc2_ref[...], (((1,), (1,)), ((), ())),
                                   preferred_element_type=jnp.float32) + bc2_ref[...]


def _final_call(u, wl, bl, wr, wc1, bc1, wc2, bc2):
    return pl.pallas_call(
        _final_body,
        out_shape=jax.ShapeDtypeStruct((1, 2), jnp.float32),
    )(u, wl, bl, wr, wc1, bc1, wc2, bc2)



def kernel(x, edge_index, W0, b0, g0, be0, W1, b1, g1, be1, W2, b2, g2, be2,
           Wl, bl, Wr, Wc1, bc1, Wc2, bc2):
    src = edge_index[0]
    dst = edge_index[1]
    dstp = dst.reshape(_NT, _NB, _B)
    offs2 = (jnp.arange(2, dtype=jnp.int32) * _N)[:, None]
    offs4 = (jnp.arange(4, dtype=jnp.int32) * _N)[:, None]
    srcp2 = (src[None, :] + offs2).reshape(2, _NT, _EPT)
    srcp4 = (src[None, :] + offs4).reshape(4, _NT, _EPT)
    zeros16 = jnp.zeros((_RPT, 16), jnp.float32)
    zwc = jnp.zeros((_RPT, _WC), jnp.float32)

    degp = _deg_call(dstp, zeros16)
    dinv, cnt, hp0 = _prep_call(degp, x)

    agg0 = _agg_call_2(hp0.reshape(2 * _N, _WC), srcp2, dstp, zwc)
    h1, hp1 = _layer0_call(agg0.reshape(2, _NPAD, _WC), x, dinv, W0,
                           b0.reshape(1, _H), g0.reshape(1, _H),
                           be0.reshape(1, _H))

    agg1 = _agg_call_4(hp1.reshape(4 * _N, _WC), srcp4, dstp, zwc)
    h2, hp2 = _layer1_call(agg1.reshape(4, _NPAD, _WC), h1, dinv, W1,
                           b1.reshape(1, _H), g1.reshape(1, _H),
                           be1.reshape(1, _H))

    agg2 = _agg_call_4(hp2.reshape(4 * _N, _WC), srcp4, dstp, zwc)
    h3, hp3 = _layer2_call(agg2.reshape(4, _NPAD, _WC), h2, dinv, W2,
                           b2.reshape(1, _H), g2.reshape(1, _H),
                           be2.reshape(1, _H))

    aggs = _agg_call_4(hp3.reshape(4 * _N, _WC), srcp4, dstp, zwc)
    u = _colsum_call(aggs.reshape(4, _NPAD, _WC), h3, cnt)

    return _final_call(u, Wl, bl.reshape(1, _H), Wr, Wc1,
                       bc1.reshape(1, _H // 2), Wc2, bc2.reshape(1, 2))

# --- scband reference (transcript-rebuilt; emitter-appended) ---
"""Pipeline reference for scband-mpsoptimized-gnn-34127810134467 (READ-ONLY COPY).

The authoritative reference and input builder live on the scoring server;
editing this copy changes nothing except your own understanding.
"""

import jax, jax.numpy as jnp
import numpy as np

N = 10000
E = 160000
D = 256
H = 512
C = 2


def setup_inputs(seed: int = 0) -> dict:
    key = jax.random.key(seed)
    ks = jax.random.split(key, 20)

    def glorot(k, shape):
        lim = (6.0 / (shape[0] + shape[1])) ** 0.5
        return jax.random.uniform(k, shape, jnp.float32, -lim, lim)

    inp = {}
    inp["x"] = jax.random.normal(ks[0], (N, D), dtype=jnp.float32)
    inp["edge_index"] = jax.random.randint(ks[1], (2, E), 0, N, dtype=jnp.int32)
    dims = [(H, D), (H, H), (H, H)]
    for i, (o, ii) in enumerate(dims):
        inp[f"W{i}"] = glorot(ks[2 + i], (o, ii))
        inp[f"b{i}"] = jnp.zeros((o,), jnp.float32)
        inp[f"g{i}"] = jnp.ones((o,), jnp.float32)
        inp[f"be{i}"] = jnp.zeros((o,), jnp.float32)
    inp["Wl"] = glorot(ks[12], (H, H))
    inp["bl"] = jnp.zeros((H,), jnp.float32)
    inp["Wr"] = glorot(ks[13], (H, H))
    inp["Wc1"] = glorot(ks[14], (H // 2, H))
    inp["bc1"] = jnp.zeros((H // 2,), jnp.float32)
    inp["Wc2"] = glorot(ks[15], (C, H // 2))
    inp["bc2"] = jnp.zeros((C,), jnp.float32)
    return inp


def reference(x, edge_index, W0, b0, g0, be0, W1, b1, g1, be1, W2, b2, g2, be2, Wl, bl, Wr, Wc1, bc1, Wc2, bc2):
    n = x.shape[0]
    src, dst = edge_index[0], edge_index[1]
    loop = jnp.arange(n, dtype=src.dtype)
    s = jnp.concatenate([src, loop])
    d = jnp.concatenate([dst, loop])
    # GCN symmetric normalization with self-loops
    deg = jnp.zeros((n,), jnp.float32).at[d].add(1.0)
    dinv = deg ** -0.5
    norm = dinv[s] * dinv[d]

    def gcn(h, W, b):
        hw = h @ W.T
        out = jnp.zeros((n, hw.shape[1]), hw.dtype).at[d].add(norm[:, None] * hw[s])
        return out + b

    def ln(h, g, be):
        mu = h.mean(-1, keepdims=True)
        var = ((h - mu) ** 2).mean(-1, keepdims=True)
        return (h - mu) / jnp.sqrt(var + 1e-5) * g + be

    h = x
    for (W, b, g, be) in ((W0, b0, g0, be0), (W1, b1, g1, be1), (W2, b2, g2, be2)):
        hn = jax.nn.gelu(ln(gcn(h, W, b), g, be), approximate=False)
        h = h + hn if h.shape[-1] == hn.shape[-1] else hn
    # SAGEConv (mean aggregation, no self-loops)
    cnt = jnp.clip(jnp.zeros((n,), jnp.float32).at[dst].add(1.0), 1.0, None)
    agg = jnp.zeros_like(h).at[dst].add(h[src]) / cnt[:, None]
    h = agg @ Wl.T + bl + h @ Wr.T
    # global mean pool (batch=None path) + classifier (dropout in eval = identity)
    h = h.mean(axis=0, keepdims=True)
    h = jax.nn.gelu(h @ Wc1.T + bc1, approximate=False)
    return h @ Wc2.T + bc2

if __name__ == "__main__":
    import jax
    _d = setup_inputs()
    print(jax.jit(kernel)(*tuple(_d.values())))

</pallas_src>

<mosaic_0001>
#map = affine_map<(d0, d1) -> (0, 0, 0)>
#map1 = affine_map<(d0, d1) -> (0, 0)>
module attributes {stable_mosaic.version = 14 : i64} {
  func.func @deg_kernel(%arg0: i32, %arg1: i32, %arg2: memref<16x125x80xi32, #tpu.memory_space<hbm>>, %arg3: memref<640x16xf32, #tpu.memory_space<hbm>>, %arg4: memref<10240x16xf32, #tpu.memory_space<hbm>>, %arg5: memref<125x80xi32, #tpu.memory_space<vmem>>, %arg6: memref<80x16xf32, #tpu.memory_space<vmem>>, %arg7: memref<10240x16xf32, #tpu.memory_space<vmem_shared>>, %arg8: memref<!tpu.dma_semaphore, #tpu.memory_space<semaphore_mem>>) attributes {dimension_semantics = [#tpu.dimension_semantics<core_parallel>, #tpu.dimension_semantics<subcore_parallel>], iteration_bounds = array<i64: 2, 16>, scalar_prefetch = 0 : i64, scratch_operands = 4 : i64, tpu.core_type = #tpu.core_type<sc_vector_subcore>, window_params = [{transform_indices = #map}, {transform_indices = #map1}, {transform_indices = #map1}]} {
    %scan3A = arith.constant 0 : i32
    %scan3A_0 = arith.constant 0 : i32
    %scan3A_1 = arith.constant 80 : i32
    %scan3A_2 = arith.addi %scan3A_0, %scan3A_1 : i32
    %scan3A_3 = arith.constant 1 : i32
    %scan3A_4 = scf.for %scan3A_24 = %scan3A_0 to %scan3A_2 step %scan3A_3 iter_args(%scan3A_25 = %scan3A) -> (i32)  : i32 {
      %broadcast_in_dim3A = arith.constant 1.000000e+00 : f32
      %broadcast_in_dim3A_26 = vector.broadcast %broadcast_in_dim3A : f32 to vector<16xf32>
      %swap3A = arith.index_cast %scan3A_24 : i32 to index
      %swap3A_27 = arith.constant 0 : index
      %swap3A_28 = tpu.vector_load %arg6[%swap3A, %swap3A_27] {strides = array<i32>} : memref<80x16xf32, #tpu.memory_space<vmem>>, vector<1x16xf32>,
      %swap3A_29 = vector.shape_cast %swap3A_28 : vector<1x16xf32> to vector<16xf32>
      %swap3A_30 = vector.shape_cast %broadcast_in_dim3A_26 : vector<16xf32> to vector<1x16xf32>
      tpu.vector_store %arg6[%swap3A, %swap3A_27], %swap3A_30 {strides = array<i32>} : memref<80x16xf32, #tpu.memory_space<vmem>>, vector<1x16xf32>,
      %scan3A_31 = arith.constant 0 : i32
      scf.yield %scan3A_31 : i32
    }
    %scan3A_5 = arith.constant 80 : i32
    %mul3A = arith.constant 640 : i32
    %mul3A_6 = arith.muli %arg1, %mul3A : i32
    "tpu.region"() ({
      %run_scoped3A = tpu.sem_alloc : memref<!tpu.dma_semaphore, #tpu.memory_space<semaphore_mem>>
      %dma_start3A = arith.constant 0 : i32
      %dma_start3A_24 = tpu.memref_slice %arg7[%mul3A_6, %dma_start3A] : memref<10240x16xf32, #tpu.memory_space<vmem_shared>> -> memref<640x16xf32, #tpu.memory_space<vmem_shared>>
      tpu.enqueue_dma source(%arg3 : memref<640x16xf32, #tpu.memory_space<hbm>>) target(%dma_start3A_24 : memref<640x16xf32, #tpu.memory_space<vmem_shared>>) target_semaphore(%run_scoped3A : memref<!tpu.dma_semaphore, #tpu.memory_space<semaphore_mem>>)
      %dma_wait3A = arith.constant 0 : i32
      %dma_wait3A_25 = tpu.memref_slice %arg7[%mul3A_6, %dma_wait3A] : memref<10240x16xf32, #tpu.memory_space<vmem_shared>> -> memref<640x16xf32, #tpu.memory_space<vmem_shared>>
      tpu.wait_dma2 semaphore(%run_scoped3A : memref<!tpu.dma_semaphore, #tpu.memory_space<semaphore_mem>>) src(%arg3 : memref<640x16xf32, #tpu.memory_space<hbm>>) dst(%dma_wait3A_25 : memref<640x16xf32, #tpu.memory_space<vmem_shared>>)
      tpu.yield
    }) : () -> ()
    "tpu.region"() ({
      %run_scoped3A = tpu.sem_alloc : memref<!tpu.dma_semaphore, #tpu.memory_space<semaphore_mem>>
      %dma_start3A = arith.constant 0 : i32
      %dma_start3A_24 = arith.constant 0 : i32
      %dma_start3A_25 = tpu.memref_slice %arg2[%arg1, %dma_start3A, %dma_start3A_24] : memref<16x125x80xi32, #tpu.memory_space<hbm>> -> memref<1x125x80xi32, #tpu.memory_space<hbm>>
      %dma_start3A_26 = tpu.memref_squeeze %dma_start3A_25 : memref<1x125x80xi32, #tpu.memory_space<hbm>> -> memref<125x80xi32, #tpu.memory_space<hbm>>
      %dma_start3A_27 = arith.constant 0 : i32
      %dma_start3A_28 = arith.constant 0 : i32
      %dma_start3A_29 = tpu.memref_slice %arg2[%arg1, %dma_start3A_27, %dma_start3A_28] : memref<16x125x80xi32, #tpu.memory_space<hbm>> -> memref<1x125x80xi32, #tpu.memory_space<hbm>>
      %dma_start3A_30 = tpu.memref_squeeze %dma_start3A_29 : memref<1x125x80xi32, #tpu.memory_space<hbm>> -> memref<125x80xi32, #tpu.memory_space<hbm>>
      tpu.enqueue_dma source(%dma_start3A_30 : memref<125x80xi32, #tpu.memory_space<hbm>>) target(%arg5 : memref<125x80xi32, #tpu.memory_space<vmem>>) target_semaphore(%run_scoped3A : memref<!tpu.dma_semaphore, #tpu.memory_space<semaphore_mem>>)
      %dma_wait3A = arith.constant 0 : i32
      %dma_wait3A_31 = arith.constant 0 : i32
      %dma_wait3A_32 = tpu.memref_slice %arg2[%arg1, %dma_wait3A, %dma_wait3A_31] : memref<16x125x80xi32, #tpu.memory_space<hbm>> -> memref<1x125x80xi32, #tpu.memory_space<hbm>>
      %dma_wait3A_33 = tpu.memref_squeeze %dma_wait3A_32 : memref<1x125x80xi32, #tpu.memory_space<hbm>> -> memref<125x80xi32, #tpu.memory_space<hbm>>
      %dma_wait3A_34 = arith.constant 0 : i32
      %dma_wait3A_35 = arith.constant 0 : i32
      %dma_wait3A_36 = tpu.memref_slice %arg2[%arg1, %dma_wait3A_34, %dma_wait3A_35] : memref<16x125x80xi32, #tpu.memory_space<hbm>> -> memref<1x125x80xi32, #tpu.memory_space<hbm>>
      %dma_wait3A_37 = tpu.memref_squeeze %dma_wait3A_36 : memref<1x125x80xi32, #tpu.memory_space<hbm>> -> memref<125x80xi32, #tpu.memory_space<hbm>>
      tpu.wait_dma2 semaphore(%run_scoped3A : memref<!tpu.dma_semaphore, #tpu.memory_space<semaphore_mem>>) src(%dma_wait3A_37 : memref<125x80xi32, #tpu.memory_space<hbm>>) dst(%arg5 : memref<125x80xi32, #tpu.memory_space<vmem>>)
      tpu.yield
    }) : () -> ()
    %barrier3A = arith.constant 0 : index
    tpu.barrier barrier_id(%barrier3A)
    %scan3A_7 = arith.constant 0 : i32
    %scan3A_8 = arith.constant 0 : i32
    %scan3A_9 = arith.constant 125 : i32
    %scan3A_10 = arith.addi %scan3A_8, %scan3A_9 : i32
    %scan3A_11 = arith.constant 1 : i32
    %scan3A_12 = scf.for %scan3A_24 = %scan3A_8 to %scan3A_10 step %scan3A_11 iter_args(%scan3A_25 = %scan3A_7) -> (i32)  : i32 {
      %dma_start3A = arith.constant 0 : i32
      %dma_start3A_26 = tpu.memref_slice %arg5[%scan3A_24, %dma_start3A] : memref<125x80xi32, #tpu.memory_space<vmem>> -> memref<1x80xi32, #tpu.memory_space<vmem>>
      %dma_start3A_27 = tpu.memref_squeeze %dma_start3A_26 : memref<1x80xi32, #tpu.memory_space<vmem>> -> memref<80xi32, #tpu.memory_space<vmem>>
      %dma_start3A_28 = arith.constant 0 : i32
      %dma_start3A_29 = arith.constant 0 : i32
      %dma_start3A_30 = tpu.memref_slice %arg7[%dma_start3A_28, %dma_start3A_29] : memref<10240x16xf32, #tpu.memory_space<vmem_shared>> -> memref<10240x16xf32, #tpu.memory_space<vmem_shared>>
      tpu.enqueue_indirect_dma source(%arg6 : memref<80x16xf32, #tpu.memory_space<vmem>>) target(%dma_start3A_30 : memref<10240x16xf32, #tpu.memory_space<vmem_shared>>) offsets(%dma_start3A_27 : memref<80xi32, #tpu.memory_space<vmem>>) semaphore(%arg8 : memref<!tpu.dma_semaphore, #tpu.memory_space<semaphore_mem>>) {add = true}
      %scan3A_31 = arith.constant 0 : i32
      scf.yield %scan3A_31 : i32
    }
    %scan3A_13 = arith.constant 125 : i32
    %scan3A_14 = arith.constant 0 : i32
    %scan3A_15 = arith.constant 0 : i32
    %scan3A_16 = arith.constant 125 : i32
    %scan3A_17 = arith.addi %scan3A_15, %scan3A_16 : i32
    %scan3A_18 = arith.constant 1 : i32
    %scan3A_19 = scf.for %scan3A_24 = %scan3A_15 to %scan3A_17 step %scan3A_18 iter_args(%scan3A_25 = %scan3A_14) -> (i32)  : i32 {
      %dma_wait3A = arith.constant 0 : i32
      %dma_wait3A_26 = arith.constant 0 : i32
      %dma_wait3A_27 = tpu.memref_slice %arg5[%dma_wait3A, %dma_wait3A_26] : memref<125x80xi32, #tpu.memory_space<vmem>> -> memref<1x80xi32, #tpu.memory_space<vmem>>
      %dma_wait3A_28 = tpu.memref_squeeze %dma_wait3A_27 : memref<1x80xi32, #tpu.memory_space<vmem>> -> memref<80xi32, #tpu.memory_space<vmem>>
      %dma_wait3A_29 = arith.constant 0 : i32
      %dma_wait3A_30 = arith.constant 0 : i32
      %dma_wait3A_31 = tpu.memref_slice %arg7[%dma_wait3A_29, %dma_wait3A_30] : memref<10240x16xf32, #tpu.memory_space<vmem_shared>> -> memref<10240x16xf32, #tpu.memory_space<vmem_shared>>
      tpu.wait_indirect_dma semaphore(%arg8 : memref<!tpu.dma_semaphore, #tpu.memory_space<semaphore_mem>>) src(%arg6 : memref<80x16xf32, #tpu.memory_space<vmem>>) dst(%dma_wait3A_31 : memref<10240x16xf32, #tpu.memory_space<vmem_shared>>)
      %scan3A_32 = arith.constant 0 : i32
      scf.yield %scan3A_32 : i32
    }
    %scan3A_20 = arith.constant 125 : i32
    %barrier3A_21 = arith.constant 0 : index
    tpu.barrier barrier_id(%barrier3A_21)
    %eq3A = arith.constant 0 : i32
    %eq3A_22 = arith.cmpi eq, %arg0, %eq3A : i32
    %convert_element_type3A = arith.extui %eq3A_22 : i1 to i32
    %cond3A = arith.constant 0 : i32
    %cond3A_23 = arith.cmpi ne, %convert_element_type3A, %cond3A : i32
    scf.if %cond3A_23 {
      %mul3A_24 = arith.constant 640 : i32
      %mul3A_25 = arith.muli %arg1, %mul3A_24 : i32
      %mul3A_26 = arith.constant 640 : i32
      %mul3A_27 = arith.muli %arg1, %mul3A_26 : i32
      "tpu.region"() ({
        %run_scoped3A = tpu.sem_alloc : memref<!tpu.dma_semaphore, #tpu.memory_space<semaphore_mem>>
        %dma_start3A = arith.constant 0 : i32
        %dma_start3A_28 = tpu.memref_slice %arg4[%mul3A_27, %dma_start3A] : memref<10240x16xf32, #tpu.memory_space<hbm>> -> memref<640x16xf32, #tpu.memory_space<hbm>>
        %dma_start3A_29 = arith.constant 0 : i32
        %dma_start3A_30 = tpu.memref_slice %arg7[%mul3A_25, %dma_start3A_29] : memref<10240x16xf32, #tpu.memory_space<vmem_shared>> -> memref<640x16xf32, #tpu.memory_space<vmem_shared>>
        tpu.enqueue_dma source(%dma_start3A_30 : memref<640x16xf32, #tpu.memory_space<vmem_shared>>) target(%dma_start3A_28 : memref<640x16xf32, #tpu.memory_space<hbm>>) target_semaphore(%run_scoped3A : memref<!tpu.dma_semaphore, #tpu.memory_space<semaphore_mem>>)
        %dma_wait3A = arith.constant 0 : i32
        %dma_wait3A_31 = tpu.memref_slice %arg4[%mul3A_27, %dma_wait3A] : memref<10240x16xf32, #tpu.memory_space<hbm>> -> memref<640x16xf32, #tpu.memory_space<hbm>>
        %dma_wait3A_32 = arith.constant 0 : i32
        %dma_wait3A_33 = tpu.memref_slice %arg7[%mul3A_25, %dma_wait3A_32] : memref<10240x16xf32, #tpu.memory_space<vmem_shared>> -> memref<640x16xf32, #tpu.memory_space<vmem_shared>>
        tpu.wait_dma2 semaphore(%run_scoped3A : memref<!tpu.dma_semaphore, #tpu.memory_space<semaphore_mem>>) src(%dma_wait3A_33 : memref<640x16xf32, #tpu.memory_space<vmem_shared>>) dst(%dma_wait3A_31 : memref<640x16xf32, #tpu.memory_space<hbm>>)
        tpu.yield
      }) : () -> ()
    } else {
    }
    return
  }
}

#map = affine_map<(d0, d1) -> (0, 0)>
#map1 = affine_map<(d0, d1) -> (0, 0, 0)>
module attributes {stable_mosaic.version = 14 : i64} {
  func.func @agg_kernel(%arg0: i32, %arg1: i32, %arg2: memref<40000x128xf32, #tpu.memory_space<hbm>>, %arg3: memref<4x16x10000xi32, #tpu.memory_space<hbm>>, %arg4: memref<16x125x80xi32, #tpu.memory_space<hbm>>, %arg5: memref<640x128xf32, #tpu.memory_space<hbm>>, %arg6: memref<40960x128xf32, #tpu.memory_space<hbm>>, %arg7: memref<10000xi32, #tpu.memory_space<vmem>>, %arg8: memref<125x80xi32, #tpu.memory_space<vmem>>, %arg9: memref<80x128xf32, #tpu.memory_space<vmem>>, %arg10: memref<10240x128xf32, #tpu.memory_space<vmem_shared>>, %arg11: memref<!tpu.dma_semaphore, #tpu.memory_space<semaphore_mem>>) attributes {dimension_semantics = [#tpu.dimension_semantics<core_parallel>, #tpu.dimension_semantics<subcore_parallel>], iteration_bounds = array<i64: 2, 16>, scalar_prefetch = 0 : i64, scratch_operands = 5 : i64, tpu.core_type = #tpu.core_type<sc_vector_subcore>, window_params = [{transform_indices = #map}, {transform_indices = #map1}, {transform_indices = #map1}, {transform_indices = #map}, {transform_indices = #map}]} {
    "tpu.region"() ({
      %run_scoped3A = tpu.sem_alloc : memref<!tpu.dma_semaphore, #tpu.memory_space<semaphore_mem>>
      %dma_start3A = arith.constant 0 : i32
      %dma_start3A_40 = arith.constant 0 : i32
      %dma_start3A_41 = tpu.memref_slice %arg4[%arg1, %dma_start3A, %dma_start3A_40] : memref<16x125x80xi32, #tpu.memory_space<hbm>> -> memref<1x125x80xi32, #tpu.memory_space<hbm>>
      %dma_start3A_42 = tpu.memref_squeeze %dma_start3A_41 : memref<1x125x80xi32, #tpu.memory_space<hbm>> -> memref<125x80xi32, #tpu.memory_space<hbm>>
      %dma_start3A_43 = arith.constant 0 : i32
      %dma_start3A_44 = arith.constant 0 : i32
      %dma_start3A_45 = tpu.memref_slice %arg4[%arg1, %dma_start3A_43, %dma_start3A_44] : memref<16x125x80xi32, #tpu.memory_space<hbm>> -> memref<1x125x80xi32, #tpu.memory_space<hbm>>
      %dma_start3A_46 = tpu.memref_squeeze %dma_start3A_45 : memref<1x125x80xi32, #tpu.memory_space<hbm>> -> memref<125x80xi32, #tpu.memory_space<hbm>>
      tpu.enqueue_dma source(%dma_start3A_46 : memref<125x80xi32, #tpu.memory_space<hbm>>) target(%arg8 : memref<125x80xi32, #tpu.memory_space<vmem>>) target_semaphore(%run_scoped3A : memref<!tpu.dma_semaphore, #tpu.memory_space<semaphore_mem>>)
      %dma_wait3A = arith.constant 0 : i32
      %dma_wait3A_47 = arith.constant 0 : i32
      %dma_wait3A_48 = tpu.memref_slice %arg4[%arg1, %dma_wait3A, %dma_wait3A_47] : memref<16x125x80xi32, #tpu.memory_space<hbm>> -> memref<1x125x80xi32, #tpu.memory_space<hbm>>
      %dma_wait3A_49 = tpu.memref_squeeze %dma_wait3A_48 : memref<1x125x80xi32, #tpu.memory_space<hbm>> -> memref<125x80xi32, #tpu.memory_space<hbm>>
      %dma_wait3A_50 = arith.constant 0 : i32
      %dma_wait3A_51 = arith.constant 0 : i32
      %dma_wait3A_52 = tpu.memref_slice %arg4[%arg1, %dma_wait3A_50, %dma_wait3A_51] : memref<16x125x80xi32, #tpu.memory_space<hbm>> -> memref<1x125x80xi32, #tpu.memory_space<hbm>>
      %dma_wait3A_53 = tpu.memref_squeeze %dma_wait3A_52 : memref<1x125x80xi32, #tpu.memory_space<hbm>> -> memref<125x80xi32, #tpu.memory_space<hbm>>
      tpu.wait_dma2 semaphore(%run_scoped3A : memref<!tpu.dma_semaphore, #tpu.memory_space<semaphore_mem>>) src(%dma_wait3A_53 : memref<125x80xi32, #tpu.memory_space<hbm>>) dst(%arg8 : memref<125x80xi32, #tpu.memory_space<vmem>>)
      tpu.yield
    }) : () -> ()
    %mul3A = arith.constant 2 : i32
    %mul3A_0 = arith.muli %arg0, %mul3A : i32
    %add3A = arith.constant 0 : i32
    %add3A_1 = arith.addi %mul3A_0, %add3A : i32
    %mul3A_2 = arith.constant 640 : i32
    %mul3A_3 = arith.muli %arg1, %mul3A_2 : i32
    "tpu.region"() ({
      %run_scoped3A = tpu.sem_alloc : memref<!tpu.dma_semaphore, #tpu.memory_space<semaphore_mem>>
      %dma_start3A = arith.constant 0 : i32
      %dma_start3A_40 = tpu.memref_slice %arg10[%mul3A_3, %dma_start3A] : memref<10240x128xf32, #tpu.memory_space<vmem_shared>> -> memref<640x128xf32, #tpu.memory_space<vmem_shared>>
      tpu.enqueue_dma source(%arg5 : memref<640x128xf32, #tpu.memory_space<hbm>>) target(%dma_start3A_40 : memref<640x128xf32, #tpu.memory_space<vmem_shared>>) target_semaphore(%run_scoped3A : memref<!tpu.dma_semaphore, #tpu.memory_space<semaphore_mem>>)
      %dma_wait3A = arith.constant 0 : i32
      %dma_wait3A_41 = tpu.memref_slice %arg10[%mul3A_3, %dma_wait3A] : memref<10240x128xf32, #tpu.memory_space<vmem_shared>> -> memref<640x128xf32, #tpu.memory_space<vmem_shared>>
      tpu.wait_dma2 semaphore(%run_scoped3A : memref<!tpu.dma_semaphore, #tpu.memory_space<semaphore_mem>>) src(%arg5 : memref<640x128xf32, #tpu.memory_space<hbm>>) dst(%dma_wait3A_41 : memref<640x128xf32, #tpu.memory_space<vmem_shared>>)
      tpu.yield
    }) : () -> ()
    "tpu.region"() ({
      %run_scoped3A = tpu.sem_alloc : memref<!tpu.dma_semaphore, #tpu.memory_space<semaphore_mem>>
      %dma_start3A = arith.constant 0 : i32
      %dma_start3A_40 = tpu.memref_slice %arg3[%add3A_1, %arg1, %dma_start3A] : memref<4x16x10000xi32, #tpu.memory_space<hbm>> -> memref<1x1x10000xi32, #tpu.memory_space<hbm>>
      %dma_start3A_41 = tpu.memref_squeeze %dma_start3A_40 : memref<1x1x10000xi32, #tpu.memory_space<hbm>> -> memref<10000xi32, #tpu.memory_space<hbm>>
      %dma_start3A_42 = arith.constant 0 : i32
      %dma_start3A_43 = tpu.memref_slice %arg3[%add3A_1, %arg1, %dma_start3A_42] : memref<4x16x10000xi32, #tpu.memory_space<hbm>> -> memref<1x1x10000xi32, #tpu.memory_space<hbm>>
      %dma_start3A_44 = tpu.memref_squeeze %dma_start3A_43 : memref<1x1x10000xi32, #tpu.memory_space<hbm>> -> memref<10000xi32, #tpu.memory_space<hbm>>
      tpu.enqueue_dma source(%dma_start3A_44 : memref<10000xi32, #tpu.memory_space<hbm>>) target(%arg7 : memref<10000xi32, #tpu.memory_space<vmem>>) target_semaphore(%run_scoped3A : memref<!tpu.dma_semaphore, #tpu.memory_space<semaphore_mem>>)
      %dma_wait3A = arith.constant 0 : i32
      %dma_wait3A_45 = tpu.memref_slice %arg3[%add3A_1, %arg1, %dma_wait3A] : memref<4x16x10000xi32, #tpu.memory_space<hbm>> -> memref<1x1x10000xi32, #tpu.memory_space<hbm>>
      %dma_wait3A_46 = tpu.memref_squeeze %dma_wait3A_45 : memref<1x1x10000xi32, #tpu.memory_space<hbm>> -> memref<10000xi32, #tpu.memory_space<hbm>>
      %dma_wait3A_47 = arith.constant 0 : i32
      %dma_wait3A_48 = tpu.memref_slice %arg3[%add3A_1, %arg1, %dma_wait3A_47] : memref<4x16x10000xi32, #tpu.memory_space<hbm>> -> memref<1x1x10000xi32, #tpu.memory_space<hbm>>
      %dma_wait3A_49 = tpu.memref_squeeze %dma_wait3A_48 : memref<1x1x10000xi32, #tpu.memory_space<hbm>> -> memref<10000xi32, #tpu.memory_space<hbm>>
      tpu.wait_dma2 semaphore(%run_scoped3A : memref<!tpu.dma_semaphore, #tpu.memory_space<semaphore_mem>>) src(%dma_wait3A_49 : memref<10000xi32, #tpu.memory_space<hbm>>) dst(%arg7 : memref<10000xi32, #tpu.memory_space<vmem>>)
      tpu.yield
    }) : () -> ()
    %barrier3A = arith.constant 0 : index
    tpu.barrier barrier_id(%barrier3A)
    %scan3A = arith.constant 0 : i32
    %scan3A_4 = arith.constant 0 : i32
    %scan3A_5 = arith.constant 125 : i32
    %scan3A_6 = arith.addi %scan3A_4, %scan3A_5 : i32
    %scan3A_7 = arith.constant 1 : i32
    %scan3A_8 = scf.for %scan3A_40 = %scan3A_4 to %scan3A_6 step %scan3A_7 iter_args(%scan3A_41 = %scan3A) -> (i32)  : i32 {
      %mul3A_42 = arith.constant 80 : i32
      %mul3A_43 = arith.muli %scan3A_40, %mul3A_42 : i32
      %dma_start3A = tpu.memref_slice %arg7[%mul3A_43] : memref<10000xi32, #tpu.memory_space<vmem>> -> memref<80xi32, #tpu.memory_space<vmem>>
      %dma_start3A_44 = arith.constant 0 : i32
      %dma_start3A_45 = arith.constant 0 : i32
      %dma_start3A_46 = tpu.memref_slice %arg2[%dma_start3A_44, %dma_start3A_45] : memref<40000x128xf32, #tpu.memory_space<hbm>> -> memref<40000x128xf32, #tpu.memory_space<hbm>>
      tpu.enqueue_indirect_dma source(%dma_start3A_46 : memref<40000x128xf32, #tpu.memory_space<hbm>>) target(%arg9 : memref<80x128xf32, #tpu.memory_space<vmem>>) offsets(%dma_start3A : memref<80xi32, #tpu.memory_space<vmem>>) semaphore(%arg11 : memref<!tpu.dma_semaphore, #tpu.memory_space<semaphore_mem>>)
      %dma_wait3A = tpu.memref_slice %arg7[%mul3A_43] : memref<10000xi32, #tpu.memory_space<vmem>> -> memref<80xi32, #tpu.memory_space<vmem>>
      %dma_wait3A_47 = arith.constant 0 : i32
      %dma_wait3A_48 = arith.constant 0 : i32
      %dma_wait3A_49 = tpu.memref_slice %arg2[%dma_wait3A_47, %dma_wait3A_48] : memref<40000x128xf32, #tpu.memory_space<hbm>> -> memref<40000x128xf32, #tpu.memory_space<hbm>>
      tpu.wait_indirect_dma semaphore(%arg11 : memref<!tpu.dma_semaphore, #tpu.memory_space<semaphore_mem>>) src(%dma_wait3A_49 : memref<40000x128xf32, #tpu.memory_space<hbm>>) dst(%arg9 : memref<80x128xf32, #tpu.memory_space<vmem>>)
      "tpu.region"() ({
        %run_scoped3A = tpu.sem_alloc : memref<!tpu.dma_semaphore, #tpu.memory_space<semaphore_mem>>
        %dma_start3A_51 = arith.constant 0 : i32
        %dma_start3A_52 = tpu.memref_slice %arg8[%scan3A_40, %dma_start3A_51] : memref<125x80xi32, #tpu.memory_space<vmem>> -> memref<1x80xi32, #tpu.memory_space<vmem>>
        %dma_start3A_53 = tpu.memref_squeeze %dma_start3A_52 : memref<1x80xi32, #tpu.memory_space<vmem>> -> memref<80xi32, #tpu.memory_space<vmem>>
        %dma_start3A_54 = arith.constant 0 : i32
        %dma_start3A_55 = arith.constant 0 : i32
        %dma_start3A_56 = tpu.memref_slice %arg10[%dma_start3A_54, %dma_start3A_55] : memref<10240x128xf32, #tpu.memory_space<vmem_shared>> -> memref<10240x128xf32, #tpu.memory_space<vmem_shared>>
        tpu.enqueue_indirect_dma source(%arg9 : memref<80x128xf32, #tpu.memory_space<vmem>>) target(%dma_start3A_56 : memref<10240x128xf32, #tpu.memory_space<vmem_shared>>) offsets(%dma_start3A_53 : memref<80xi32, #tpu.memory_space<vmem>>) semaphore(%run_scoped3A : memref<!tpu.dma_semaphore, #tpu.memory_space<semaphore_mem>>) {add = true}
        %dma_wait3A_57 = arith.constant 0 : i32
        %dma_wait3A_58 = tpu.memref_slice %arg8[%scan3A_40, %dma_wait3A_57] : memref<125x80xi32, #tpu.memory_space<vmem>> -> memref<1x80xi32, #tpu.memory_space<vmem>>
        %dma_wait3A_59 = tpu.memref_squeeze %dma_wait3A_58 : memref<1x80xi32, #tpu.memory_space<vmem>> -> memref<80xi32, #tpu.memory_space<vmem>>
        %dma_wait3A_60 = arith.constant 0 : i32
        %dma_wait3A_61 = arith.constant 0 : i32
        %dma_wait3A_62 = tpu.memref_slice %arg10[%dma_wait3A_60, %dma_wait3A_61] : memref<10240x128xf32, #tpu.memory_space<vmem_shared>> -> memref<10240x128xf32, #tpu.memory_space<vmem_shared>>
        tpu.wait_indirect_dma semaphore(%run_scoped3A : memref<!tpu.dma_semaphore, #tpu.memory_space<semaphore_mem>>) src(%arg9 : memref<80x128xf32, #tpu.memory_space<vmem>>) dst(%dma_wait3A_62 : memref<10240x128xf32, #tpu.memory_space<vmem_shared>>)
        tpu.yield
      }) : () -> ()
      %scan3A_50 = arith.constant 0 : i32
      scf.yield %scan3A_50 : i32
    }
    %scan3A_9 = arith.constant 125 : i32
    %barrier3A_10 = arith.constant 0 : index
    tpu.barrier barrier_id(%barrier3A_10)
    %mul3A_11 = arith.constant 640 : i32
    %mul3A_12 = arith.muli %arg1, %mul3A_11 : i32
    %mul3A_13 = arith.constant 10240 : i32
    %mul3A_14 = arith.muli %add3A_1, %mul3A_13 : i32
    %mul3A_15 = arith.constant 640 : i32
    %mul3A_16 = arith.muli %arg1, %mul3A_15 : i32
    %add3A_17 = arith.addi %mul3A_14, %mul3A_16 : i32
    "tpu.region"() ({
      %run_scoped3A = tpu.sem_alloc : memref<!tpu.dma_semaphore, #tpu.memory_space<semaphore_mem>>
      %dma_start3A = arith.constant 0 : i32
      %dma_start3A_40 = tpu.memref_slice %arg6[%add3A_17, %dma_start3A] : memref<40960x128xf32, #tpu.memory_space<hbm>> -> memref<640x128xf32, #tpu.memory_space<hbm>>
      %dma_start3A_41 = arith.constant 0 : i32
      %dma_start3A_42 = tpu.memref_slice %arg10[%mul3A_12, %dma_start3A_41] : memref<10240x128xf32, #tpu.memory_space<vmem_shared>> -> memref<640x128xf32, #tpu.memory_space<vmem_shared>>
      tpu.enqueue_dma source(%dma_start3A_42 : memref<640x128xf32, #tpu.memory_space<vmem_shared>>) target(%dma_start3A_40 : memref<640x128xf32, #tpu.memory_space<hbm>>) target_semaphore(%run_scoped3A : memref<!tpu.dma_semaphore, #tpu.memory_space<semaphore_mem>>)
      %dma_wait3A = arith.constant 0 : i32
      %dma_wait3A_43 = tpu.memref_slice %arg6[%add3A_17, %dma_wait3A] : memref<40960x128xf32, #tpu.memory_space<hbm>> -> memref<640x128xf32, #tpu.memory_space<hbm>>
      %dma_wait3A_44 = arith.constant 0 : i32
      %dma_wait3A_45 = tpu.memref_slice %arg10[%mul3A_12, %dma_wait3A_44] : memref<10240x128xf32, #tpu.memory_space<vmem_shared>> -> memref<640x128xf32, #tpu.memory_space<vmem_shared>>
      tpu.wait_dma2 semaphore(%run_scoped3A : memref<!tpu.dma_semaphore, #tpu.memory_space<semaphore_mem>>) src(%dma_wait3A_45 : memref<640x128xf32, #tpu.memory_space<vmem_shared>>) dst(%dma_wait3A_43 : memref<640x128xf32, #tpu.memory_space<hbm>>)
      tpu.yield
    }) : () -> ()
    %mul3A_18 = arith.constant 2 : i32
    %mul3A_19 = arith.muli %arg0, %mul3A_18 : i32
    %add3A_20 = arith.constant 1 : i32
    %add3A_21 = arith.addi %mul3A_19, %add3A_20 : i32
    %mul3A_22 = arith.constant 640 : i32
    %mul3A_23 = arith.muli %arg1, %mul3A_22 : i32
    "tpu.region"() ({
      %run_scoped3A = tpu.sem_alloc : memref<!tpu.dma_semaphore, #tpu.memory_space<semaphore_mem>>
      %dma_start3A = arith.constant 0 : i32
      %dma_start3A_40 = tpu.memref_slice %arg10[%mul3A_23, %dma_start3A] : memref<10240x128xf32, #tpu.memory_space<vmem_shared>> -> memref<640x128xf32, #tpu.memory_space<vmem_shared>>
      tpu.enqueue_dma source(%arg5 : memref<640x128xf32, #tpu.memory_space<hbm>>) target(%dma_start3A_40 : memref<640x128xf32, #tpu.memory_space<vmem_shared>>) target_semaphore(%run_scoped3A : memref<!tpu.dma_semaphore, #tpu.memory_space<semaphore_mem>>)
      %dma_wait3A = arith.constant 0 : i32
      %dma_wait3A_41 = tpu.memref_slice %arg10[%mul3A_23, %dma_wait3A] : memref<10240x128xf32, #tpu.memory_space<vmem_shared>> -> memref<640x128xf32, #tpu.memory_space<vmem_shared>>
      tpu.wait_dma2 semaphore(%run_scoped3A : memref<!tpu.dma_semaphore, #tpu.memory_space<semaphore_mem>>) src(%arg5 : memref<640x128xf32, #tpu.memory_space<hbm>>) dst(%dma_wait3A_41 : memref<640x128xf32, #tpu.memory_space<vmem_shared>>)
      tpu.yield
    }) : () -> ()
    "tpu.region"() ({
      %run_scoped3A = tpu.sem_alloc : memref<!tpu.dma_semaphore, #tpu.memory_space<semaphore_mem>>
      %dma_start3A = arith.constant 0 : i32
      %dma_start3A_40 = tpu.memref_slice %arg3[%add3A_21, %arg1, %dma_start3A] : memref<4x16x10000xi32, #tpu.memory_space<hbm>> -> memref<1x1x10000xi32, #tpu.memory_space<hbm>>
      %dma_start3A_41 = tpu.memref_squeeze %dma_start3A_40 : memref<1x1x10000xi32, #tpu.memory_space<hbm>> -> memref<10000xi32, #tpu.memory_space<hbm>>
      %dma_start3A_42 = arith.constant 0 : i32
      %dma_start3A_43 = tpu.memref_slice %arg3[%add3A_21, %arg1, %dma_start3A_42] : memref<4x16x10000xi32, #tpu.memory_space<hbm>> -> memref<1x1x10000xi32, #tpu.memory_space<hbm>>
      %dma_start3A_44 = tpu.memref_squeeze %dma_start3A_43 : memref<1x1x10000xi32, #tpu.memory_space<hbm>> -> memref<10000xi32, #tpu.memory_space<hbm>>
      tpu.enqueue_dma source(%dma_start3A_44 : memref<10000xi32, #tpu.memory_space<hbm>>) target(%arg7 : memref<10000xi32, #tpu.memory_space<vmem>>) target_semaphore(%run_scoped3A : memref<!tpu.dma_semaphore, #tpu.memory_space<semaphore_mem>>)
      %dma_wait3A = arith.constant 0 : i32
      %dma_wait3A_45 = tpu.memref_slice %arg3[%add3A_21, %arg1, %dma_wait3A] : memref<4x16x10000xi32, #tpu.memory_space<hbm>> -> memref<1x1x10000xi32, #tpu.memory_space<hbm>>
      %dma_wait3A_46 = tpu.memref_squeeze %dma_wait3A_45 : memref<1x1x10000xi32, #tpu.memory_space<hbm>> -> memref<10000xi32, #tpu.memory_space<hbm>>
      %dma_wait3A_47 = arith.constant 0 : i32
      %dma_wait3A_48 = tpu.memref_slice %arg3[%add3A_21, %arg1, %dma_wait3A_47] : memref<4x16x10000xi32, #tpu.memory_space<hbm>> -> memref<1x1x10000xi32, #tpu.memory_space<hbm>>
      %dma_wait3A_49 = tpu.memref_squeeze %dma_wait3A_48 : memref<1x1x10000xi32, #tpu.memory_space<hbm>> -> memref<10000xi32, #tpu.memory_space<hbm>>
      tpu.wait_dma2 semaphore(%run_scoped3A : memref<!tpu.dma_semaphore, #tpu.memory_space<semaphore_mem>>) src(%dma_wait3A_49 : memref<10000xi32, #tpu.memory_space<hbm>>) dst(%arg7 : memref<10000xi32, #tpu.memory_space<vmem>>)
      tpu.yield
    }) : () -> ()
    %barrier3A_24 = arith.constant 0 : index
    tpu.barrier barrier_id(%barrier3A_24)
    %scan3A_25 = arith.constant 0 : i32
    %scan3A_26 = arith.constant 0 : i32
    %scan3A_27 = arith.constant 125 : i32
    %scan3A_28 = arith.addi %scan3A_26, %scan3A_27 : i32
    %scan3A_29 = arith.constant 1 : i32
    %scan3A_30 = scf.for %scan3A_40 = %scan3A_26 to %scan3A_28 step %scan3A_29 iter_args(%scan3A_41 = %scan3A_25) -> (i32)  : i32 {
      %mul3A_42 = arith.constant 80 : i32
      %mul3A_43 = arith.muli %scan3A_40, %mul3A_42 : i32
      %dma_start3A = tpu.memref_slice %arg7[%mul3A_43] : memref<10000xi32, #tpu.memory_space<vmem>> -> memref<80xi32, #tpu.memory_space<vmem>>
      %dma_start3A_44 = arith.constant 0 : i32
      %dma_start3A_45 = arith.constant 0 : i32
      %dma_start3A_46 = tpu.memref_slice %arg2[%dma_start3A_44, %dma_start3A_45] : memref<40000x128xf32, #tpu.memory_space<hbm>> -> memref<40000x128xf32, #tpu.memory_space<hbm>>
      tpu.enqueue_indirect_dma source(%dma_start3A_46 : memref<40000x128xf32, #tpu.memory_space<hbm>>) target(%arg9 : memref<80x128xf32, #tpu.memory_space<vmem>>) offsets(%dma_start3A : memref<80xi32, #tpu.memory_space<vmem>>) semaphore(%arg11 : memref<!tpu.dma_semaphore, #tpu.memory_space<semaphore_mem>>)
      %dma_wait3A = tpu.memref_slice %arg7[%mul3A_43] : memref<10000xi32, #tpu.memory_space<vmem>> -> memref<80xi32, #tpu.memory_space<vmem>>
      %dma_wait3A_47 = arith.constant 0 : i32
      %dma_wait3A_48 = arith.constant 0 : i32
      %dma_wait3A_49 = tpu.memref_slice %arg2[%dma_wait3A_47, %dma_wait3A_48] : memref<40000x128xf32, #tpu.memory_space<hbm>> -> memref<40000x128xf32, #tpu.memory_space<hbm>>
      tpu.wait_indirect_dma semaphore(%arg11 : memref<!tpu.dma_semaphore, #tpu.memory_space<semaphore_mem>>) src(%dma_wait3A_49 : memref<40000x128xf32, #tpu.memory_space<hbm>>) dst(%arg9 : memref<80x128xf32, #tpu.memory_space<vmem>>)
      "tpu.region"() ({
        %run_scoped3A = tpu.sem_alloc : memref<!tpu.dma_semaphore, #tpu.memory_space<semaphore_mem>>
        %dma_start3A_51 = arith.constant 0 : i32
        %dma_start3A_52 = tpu.memref_slice %arg8[%scan3A_40, %dma_start3A_51] : memref<125x80xi32, #tpu.memory_space<vmem>> -> memref<1x80xi32, #tpu.memory_space<vmem>>
        %dma_start3A_53 = tpu.memref_squeeze %dma_start3A_52 : memref<1x80xi32, #tpu.memory_space<vmem>> -> memref<80xi32, #tpu.memory_space<vmem>>
        %dma_start3A_54 = arith.constant 0 : i32
        %dma_start3A_55 = arith.constant 0 : i32
        %dma_start3A_56 = tpu.memref_slice %arg10[%dma_start3A_54, %dma_start3A_55] : memref<10240x128xf32, #tpu.memory_space<vmem_shared>> -> memref<10240x128xf32, #tpu.memory_space<vmem_shared>>
        tpu.enqueue_indirect_dma source(%arg9 : memref<80x128xf32, #tpu.memory_space<vmem>>) target(%dma_start3A_56 : memref<10240x128xf32, #tpu.memory_space<vmem_shared>>) offsets(%dma_start3A_53 : memref<80xi32, #tpu.memory_space<vmem>>) semaphore(%run_scoped3A : memref<!tpu.dma_semaphore, #tpu.memory_space<semaphore_mem>>) {add = true}
        %dma_wait3A_57 = arith.constant 0 : i32
        %dma_wait3A_58 = tpu.memref_slice %arg8[%scan3A_40, %dma_wait3A_57] : memref<125x80xi32, #tpu.memory_space<vmem>> -> memref<1x80xi32, #tpu.memory_space<vmem>>
        %dma_wait3A_59 = tpu.memref_squeeze %dma_wait3A_58 : memref<1x80xi32, #tpu.memory_space<vmem>> -> memref<80xi32, #tpu.memory_space<vmem>>
        %dma_wait3A_60 = arith.constant 0 : i32
        %dma_wait3A_61 = arith.constant 0 : i32
        %dma_wait3A_62 = tpu.memref_slice %arg10[%dma_wait3A_60, %dma_wait3A_61] : memref<10240x128xf32, #tpu.memory_space<vmem_shared>> -> memref<10240x128xf32, #tpu.memory_space<vmem_shared>>
        tpu.wait_indirect_dma semaphore(%run_scoped3A : memref<!tpu.dma_semaphore, #tpu.memory_space<semaphore_mem>>) src(%arg9 : memref<80x128xf32, #tpu.memory_space<vmem>>) dst(%dma_wait3A_62 : memref<10240x128xf32, #tpu.memory_space<vmem_shared>>)
        tpu.yield
      }) : () -> ()
      %scan3A_50 = arith.constant 0 : i32
      scf.yield %scan3A_50 : i32
    }
    %scan3A_31 = arith.constant 125 : i32
    %barrier3A_32 = arith.constant 0 : index
    tpu.barrier barrier_id(%barrier3A_32)
    %mul3A_33 = arith.constant 640 : i32
    %mul3A_34 = arith.muli %arg1, %mul3A_33 : i32
    %mul3A_35 = arith.constant 10240 : i32
    %mul3A_36 = arith.muli %add3A_21, %mul3A_35 : i32
    %mul3A_37 = arith.constant 640 : i32
    %mul3A_38 = arith.muli %arg1, %mul3A_37 : i32
    %add3A_39 = arith.addi %mul3A_36, %mul3A_38 : i32
    "tpu.region"() ({
      %run_scoped3A = tpu.sem_alloc : memref<!tpu.dma_semaphore, #tpu.memory_space<semaphore_mem>>
      %dma_start3A = arith.constant 0 : i32
      %dma_start3A_40 = tpu.memref_slice %arg6[%add3A_39, %dma_start3A] : memref<40960x128xf32, #tpu.memory_space<hbm>> -> memref<640x128xf32, #tpu.memory_space<hbm>>
      %dma_start3A_41 = arith.constant 0 : i32
      %dma_start3A_42 = tpu.memref_slice %arg10[%mul3A_34, %dma_start3A_41] : memref<10240x128xf32, #tpu.memory_space<vmem_shared>> -> memref<640x128xf32, #tpu.memory_space<vmem_shared>>
      tpu.enqueue_dma source(%dma_start3A_42 : memref<640x128xf32, #tpu.memory_space<vmem_shared>>) target(%dma_start3A_40 : memref<640x128xf32, #tpu.memory_space<hbm>>) target_semaphore(%run_scoped3A : memref<!tpu.dma_semaphore, #tpu.memory_space<semaphore_mem>>)
      %dma_wait3A = arith.constant 0 : i32
      %dma_wait3A_43 = tpu.memref_slice %arg6[%add3A_39, %dma_wait3A] : memref<40960x128xf32, #tpu.memory_space<hbm>> -> memref<640x128xf32, #tpu.memory_space<hbm>>
      %dma_wait3A_44 = arith.constant 0 : i32
      %dma_wait3A_45 = tpu.memref_slice %arg10[%mul3A_34, %dma_wait3A_44] : memref<10240x128xf32, #tpu.memory_space<vmem_shared>> -> memref<640x128xf32, #tpu.memory_space<vmem_shared>>
      tpu.wait_dma2 semaphore(%run_scoped3A : memref<!tpu.dma_semaphore, #tpu.memory_space<semaphore_mem>>) src(%dma_wait3A_45 : memref<640x128xf32, #tpu.memory_space<vmem_shared>>) dst(%dma_wait3A_43 : memref<640x128xf32, #tpu.memory_space<hbm>>)
      tpu.yield
    }) : () -> ()
    return
  }
}

#map = affine_map<(d0, d1) -> (0, 0)>
#map1 = affine_map<(d0, d1) -> (0, 0, 0)>
module attributes {stable_mosaic.version = 14 : i64} {
  func.func @agg_kernel(%arg0: i32, %arg1: i32, %arg2: memref<40000x128xf32, #tpu.memory_space<hbm>>, %arg3: memref<4x16x10000xi32, #tpu.memory_space<hbm>>, %arg4: memref<16x125x80xi32, #tpu.memory_space<hbm>>, %arg5: memref<640x128xf32, #tpu.memory_space<hbm>>, %arg6: memref<40960x128xf32, #tpu.memory_space<hbm>>, %arg7: memref<10000xi32, #tpu.memory_space<vmem>>, %arg8: memref<125x80xi32, #tpu.memory_space<vmem>>, %arg9: memref<80x128xf32, #tpu.memory_space<vmem>>, %arg10: memref<10240x128xf32, #tpu.memory_space<vmem_shared>>, %arg11: memref<!tpu.dma_semaphore, #tpu.memory_space<semaphore_mem>>) attributes {dimension_semantics = [#tpu.dimension_semantics<core_parallel>, #tpu.dimension_semantics<subcore_parallel>], iteration_bounds = array<i64: 2, 16>, scalar_prefetch = 0 : i64, scratch_operands = 5 : i64, tpu.core_type = #tpu.core_type<sc_vector_subcore>, window_params = [{transform_indices = #map}, {transform_indices = #map1}, {transform_indices = #map1}, {transform_indices = #map}, {transform_indices = #map}]} {
    "tpu.region"() ({
      %run_scoped3A = tpu.sem_alloc : memref<!tpu.dma_semaphore, #tpu.memory_space<semaphore_mem>>
      %dma_start3A = arith.constant 0 : i32
      %dma_start3A_40 = arith.constant 0 : i32
      %dma_start3A_41 = tpu.memref_slice %arg4[%arg1, %dma_start3A, %dma_start3A_40] : memref<16x125x80xi32, #tpu.memory_space<hbm>> -> memref<1x125x80xi32, #tpu.memory_space<hbm>>
      %dma_start3A_42 = tpu.memref_squeeze %dma_start3A_41 : memref<1x125x80xi32, #tpu.memory_space<hbm>> -> memref<125x80xi32, #tpu.memory_space<hbm>>
      %dma_start3A_43 = arith.constant 0 : i32
      %dma_start3A_44 = arith.constant 0 : i32
      %dma_start3A_45 = tpu.memref_slice %arg4[%arg1, %dma_start3A_43, %dma_start3A_44] : memref<16x125x80xi32, #tpu.memory_space<hbm>> -> memref<1x125x80xi32, #tpu.memory_space<hbm>>
      %dma_start3A_46 = tpu.memref_squeeze %dma_start3A_45 : memref<1x125x80xi32, #tpu.memory_space<hbm>> -> memref<125x80xi32, #tpu.memory_space<hbm>>
      tpu.enqueue_dma source(%dma_start3A_46 : memref<125x80xi32, #tpu.memory_space<hbm>>) target(%arg8 : memref<125x80xi32, #tpu.memory_space<vmem>>) target_semaphore(%run_scoped3A : memref<!tpu.dma_semaphore, #tpu.memory_space<semaphore_mem>>)
      %dma_wait3A = arith.constant 0 : i32
      %dma_wait3A_47 = arith.constant 0 : i32
      %dma_wait3A_48 = tpu.memref_slice %arg4[%arg1, %dma_wait3A, %dma_wait3A_47] : memref<16x125x80xi32, #tpu.memory_space<hbm>> -> memref<1x125x80xi32, #tpu.memory_space<hbm>>
      %dma_wait3A_49 = tpu.memref_squeeze %dma_wait3A_48 : memref<1x125x80xi32, #tpu.memory_space<hbm>> -> memref<125x80xi32, #tpu.memory_space<hbm>>
      %dma_wait3A_50 = arith.constant 0 : i32
      %dma_wait3A_51 = arith.constant 0 : i32
      %dma_wait3A_52 = tpu.memref_slice %arg4[%arg1, %dma_wait3A_50, %dma_wait3A_51] : memref<16x125x80xi32, #tpu.memory_space<hbm>> -> memref<1x125x80xi32, #tpu.memory_space<hbm>>
      %dma_wait3A_53 = tpu.memref_squeeze %dma_wait3A_52 : memref<1x125x80xi32, #tpu.memory_space<hbm>> -> memref<125x80xi32, #tpu.memory_space<hbm>>
      tpu.wait_dma2 semaphore(%run_scoped3A : memref<!tpu.dma_semaphore, #tpu.memory_space<semaphore_mem>>) src(%dma_wait3A_53 : memref<125x80xi32, #tpu.memory_space<hbm>>) dst(%arg8 : memref<125x80xi32, #tpu.memory_space<vmem>>)
      tpu.yield
    }) : () -> ()
    %mul3A = arith.constant 2 : i32
    %mul3A_0 = arith.muli %arg0, %mul3A : i32
    %add3A = arith.constant 0 : i32
    %add3A_1 = arith.addi %mul3A_0, %add3A : i32
    %mul3A_2 = arith.constant 640 : i32
    %mul3A_3 = arith.muli %arg1, %mul3A_2 : i32
    "tpu.region"() ({
      %run_scoped3A = tpu.sem_alloc : memref<!tpu.dma_semaphore, #tpu.memory_space<semaphore_mem>>
      %dma_start3A = arith.constant 0 : i32
      %dma_start3A_40 = tpu.memref_slice %arg10[%mul3A_3, %dma_start3A] : memref<10240x128xf32, #tpu.memory_space<vmem_shared>> -> memref<640x128xf32, #tpu.memory_space<vmem_shared>>
      tpu.enqueue_dma source(%arg5 : memref<640x128xf32, #tpu.memory_space<hbm>>) target(%dma_start3A_40 : memref<640x128xf32, #tpu.memory_space<vmem_shared>>) target_semaphore(%run_scoped3A : memref<!tpu.dma_semaphore, #tpu.memory_space<semaphore_mem>>)
      %dma_wait3A = arith.constant 0 : i32
      %dma_wait3A_41 = tpu.memref_slice %arg10[%mul3A_3, %dma_wait3A] : memref<10240x128xf32, #tpu.memory_space<vmem_shared>> -> memref<640x128xf32, #tpu.memory_space<vmem_shared>>
      tpu.wait_dma2 semaphore(%run_scoped3A : memref<!tpu.dma_semaphore, #tpu.memory_space<semaphore_mem>>) src(%arg5 : memref<640x128xf32, #tpu.memory_space<hbm>>) dst(%dma_wait3A_41 : memref<640x128xf32, #tpu.memory_space<vmem_shared>>)
      tpu.yield
    }) : () -> ()
    "tpu.region"() ({
      %run_scoped3A = tpu.sem_alloc : memref<!tpu.dma_semaphore, #tpu.memory_space<semaphore_mem>>
      %dma_start3A = arith.constant 0 : i32
      %dma_start3A_40 = tpu.memref_slice %arg3[%add3A_1, %arg1, %dma_start3A] : memref<4x16x10000xi32, #tpu.memory_space<hbm>> -> memref<1x1x10000xi32, #tpu.memory_space<hbm>>
      %dma_start3A_41 = tpu.memref_squeeze %dma_start3A_40 : memref<1x1x10000xi32, #tpu.memory_space<hbm>> -> memref<10000xi32, #tpu.memory_space<hbm>>
      %dma_start3A_42 = arith.constant 0 : i32
      %dma_start3A_43 = tpu.memref_slice %arg3[%add3A_1, %arg1, %dma_start3A_42] : memref<4x16x10000xi32, #tpu.memory_space<hbm>> -> memref<1x1x10000xi32, #tpu.memory_space<hbm>>
      %dma_start3A_44 = tpu.memref_squeeze %dma_start3A_43 : memref<1x1x10000xi32, #tpu.memory_space<hbm>> -> memref<10000xi32, #tpu.memory_space<hbm>>
      tpu.enqueue_dma source(%dma_start3A_44 : memref<10000xi32, #tpu.memory_space<hbm>>) target(%arg7 : memref<10000xi32, #tpu.memory_space<vmem>>) target_semaphore(%run_scoped3A : memref<!tpu.dma_semaphore, #tpu.memory_space<semaphore_mem>>)
      %dma_wait3A = arith.constant 0 : i32
      %dma_wait3A_45 = tpu.memref_slice %arg3[%add3A_1, %arg1, %dma_wait3A] : memref<4x16x10000xi32, #tpu.memory_space<hbm>> -> memref<1x1x10000xi32, #tpu.memory_space<hbm>>
      %dma_wait3A_46 = tpu.memref_squeeze %dma_wait3A_45 : memref<1x1x10000xi32, #tpu.memory_space<hbm>> -> memref<10000xi32, #tpu.memory_space<hbm>>
      %dma_wait3A_47 = arith.constant 0 : i32
      %dma_wait3A_48 = tpu.memref_slice %arg3[%add3A_1, %arg1, %dma_wait3A_47] : memref<4x16x10000xi32, #tpu.memory_space<hbm>> -> memref<1x1x10000xi32, #tpu.memory_space<hbm>>
      %dma_wait3A_49 = tpu.memref_squeeze %dma_wait3A_48 : memref<1x1x10000xi32, #tpu.memory_space<hbm>> -> memref<10000xi32, #tpu.memory_space<hbm>>
      tpu.wait_dma2 semaphore(%run_scoped3A : memref<!tpu.dma_semaphore, #tpu.memory_space<semaphore_mem>>) src(%dma_wait3A_49 : memref<10000xi32, #tpu.memory_space<hbm>>) dst(%arg7 : memref<10000xi32, #tpu.memory_space<vmem>>)
      tpu.yield
    }) : () -> ()
    %barrier3A = arith.constant 0 : index
    tpu.barrier barrier_id(%barrier3A)
    %scan3A = arith.constant 0 : i32
    %scan3A_4 = arith.constant 0 : i32
    %scan3A_5 = arith.constant 125 : i32
    %scan3A_6 = arith.addi %scan3A_4, %scan3A_5 : i32
    %scan3A_7 = arith.constant 1 : i32
    %scan3A_8 = scf.for %scan3A_40 = %scan3A_4 to %scan3A_6 step %scan3A_7 iter_args(%scan3A_41 = %scan3A) -> (i32)  : i32 {
      %mul3A_42 = arith.constant 80 : i32
      %mul3A_43 = arith.muli %scan3A_40, %mul3A_42 : i32
      %dma_start3A = tpu.memref_slice %arg7[%mul3A_43] : memref<10000xi32, #tpu.memory_space<vmem>> -> memref<80xi32, #tpu.memory_space<vmem>>
      %dma_start3A_44 = arith.constant 0 : i32
      %dma_start3A_45 = arith.constant 0 : i32
      %dma_start3A_46 = tpu.memref_slice %arg2[%dma_start3A_44, %dma_start3A_45] : memref<40000x128xf32, #tpu.memory_space<hbm>> -> memref<40000x128xf32, #tpu.memory_space<hbm>>
      tpu.enqueue_indirect_dma source(%dma_start3A_46 : memref<40000x128xf32, #tpu.memory_space<hbm>>) target(%arg9 : memref<80x128xf32, #tpu.memory_space<vmem>>) offsets(%dma_start3A : memref<80xi32, #tpu.memory_space<vmem>>) semaphore(%arg11 : memref<!tpu.dma_semaphore, #tpu.memory_space<semaphore_mem>>)
      %dma_wait3A = tpu.memref_slice %arg7[%mul3A_43] : memref<10000xi32, #tpu.memory_space<vmem>> -> memref<80xi32, #tpu.memory_space<vmem>>
      %dma_wait3A_47 = arith.constant 0 : i32
      %dma_wait3A_48 = arith.constant 0 : i32
      %dma_wait3A_49 = tpu.memref_slice %arg2[%dma_wait3A_47, %dma_wait3A_48] : memref<40000x128xf32, #tpu.memory_space<hbm>> -> memref<40000x128xf32, #tpu.memory_space<hbm>>
      tpu.wait_indirect_dma semaphore(%arg11 : memref<!tpu.dma_semaphore, #tpu.memory_space<semaphore_mem>>) src(%dma_wait3A_49 : memref<40000x128xf32, #tpu.memory_space<hbm>>) dst(%arg9 : memref<80x128xf32, #tpu.memory_space<vmem>>)
      "tpu.region"() ({
        %run_scoped3A = tpu.sem_alloc : memref<!tpu.dma_semaphore, #tpu.memory_space<semaphore_mem>>
        %dma_start3A_51 = arith.constant 0 : i32
        %dma_start3A_52 = tpu.memref_slice %arg8[%scan3A_40, %dma_start3A_51] : memref<125x80xi32, #tpu.memory_space<vmem>> -> memref<1x80xi32, #tpu.memory_space<vmem>>
        %dma_start3A_53 = tpu.memref_squeeze %dma_start3A_52 : memref<1x80xi32, #tpu.memory_space<vmem>> -> memref<80xi32, #tpu.memory_space<vmem>>
        %dma_start3A_54 = arith.constant 0 : i32
        %dma_start3A_55 = arith.constant 0 : i32
        %dma_start3A_56 = tpu.memref_slice %arg10[%dma_start3A_54, %dma_start3A_55] : memref<10240x128xf32, #tpu.memory_space<vmem_shared>> -> memref<10240x128xf32, #tpu.memory_space<vmem_shared>>
        tpu.enqueue_indirect_dma source(%arg9 : memref<80x128xf32, #tpu.memory_space<vmem>>) target(%dma_start3A_56 : memref<10240x128xf32, #tpu.memory_space<vmem_shared>>) offsets(%dma_start3A_53 : memref<80xi32, #tpu.memory_space<vmem>>) semaphore(%run_scoped3A : memref<!tpu.dma_semaphore, #tpu.memory_space<semaphore_mem>>) {add = true}
        %dma_wait3A_57 = arith.constant 0 : i32
        %dma_wait3A_58 = tpu.memref_slice %arg8[%scan3A_40, %dma_wait3A_57] : memref<125x80xi32, #tpu.memory_space<vmem>> -> memref<1x80xi32, #tpu.memory_space<vmem>>
        %dma_wait3A_59 = tpu.memref_squeeze %dma_wait3A_58 : memref<1x80xi32, #tpu.memory_space<vmem>> -> memref<80xi32, #tpu.memory_space<vmem>>
        %dma_wait3A_60 = arith.constant 0 : i32
        %dma_wait3A_61 = arith.constant 0 : i32
        %dma_wait3A_62 = tpu.memref_slice %arg10[%dma_wait3A_60, %dma_wait3A_61] : memref<10240x128xf32, #tpu.memory_space<vmem_shared>> -> memref<10240x128xf32, #tpu.memory_space<vmem_shared>>
        tpu.wait_indirect_dma semaphore(%run_scoped3A : memref<!tpu.dma_semaphore, #tpu.memory_space<semaphore_mem>>) src(%arg9 : memref<80x128xf32, #tpu.memory_space<vmem>>) dst(%dma_wait3A_62 : memref<10240x128xf32, #tpu.memory_space<vmem_shared>>)
        tpu.yield
      }) : () -> ()
      %scan3A_50 = arith.constant 0 : i32
      scf.yield %scan3A_50 : i32
    }
    %scan3A_9 = arith.constant 125 : i32
    %barrier3A_10 = arith.constant 0 : index
    tpu.barrier barrier_id(%barrier3A_10)
    %mul3A_11 = arith.constant 640 : i32
    %mul3A_12 = arith.muli %arg1, %mul3A_11 : i32
    %mul3A_13 = arith.constant 10240 : i32
    %mul3A_14 = arith.muli %add3A_1, %mul3A_13 : i32
    %mul3A_15 = arith.constant 640 : i32
    %mul3A_16 = arith.muli %arg1, %mul3A_15 : i32
    %add3A_17 = arith.addi %mul3A_14, %mul3A_16 : i32
    "tpu.region"() ({
      %run_scoped3A = tpu.sem_alloc : memref<!tpu.dma_semaphore, #tpu.memory_space<semaphore_mem>>
      %dma_start3A = arith.constant 0 : i32
      %dma_start3A_40 = tpu.memref_slice %arg6[%add3A_17, %dma_start3A] : memref<40960x128xf32, #tpu.memory_space<hbm>> -> memref<640x128xf32, #tpu.memory_space<hbm>>
      %dma_start3A_41 = arith.constant 0 : i32
      %dma_start3A_42 = tpu.memref_slice %arg10[%mul3A_12, %dma_start3A_41] : memref<10240x128xf32, #tpu.memory_space<vmem_shared>> -> memref<640x128xf32, #tpu.memory_space<vmem_shared>>
      tpu.enqueue_dma source(%dma_start3A_42 : memref<640x128xf32, #tpu.memory_space<vmem_shared>>) target(%dma_start3A_40 : memref<640x128xf32, #tpu.memory_space<hbm>>) target_semaphore(%run_scoped3A : memref<!tpu.dma_semaphore, #tpu.memory_space<semaphore_mem>>)
      %dma_wait3A = arith.constant 0 : i32
      %dma_wait3A_43 = tpu.memref_slice %arg6[%add3A_17, %dma_wait3A] : memref<40960x128xf32, #tpu.memory_space<hbm>> -> memref<640x128xf32, #tpu.memory_space<hbm>>
      %dma_wait3A_44 = arith.constant 0 : i32
      %dma_wait3A_45 = tpu.memref_slice %arg10[%mul3A_12, %dma_wait3A_44] : memref<10240x128xf32, #tpu.memory_space<vmem_shared>> -> memref<640x128xf32, #tpu.memory_space<vmem_shared>>
      tpu.wait_dma2 semaphore(%run_scoped3A : memref<!tpu.dma_semaphore, #tpu.memory_space<semaphore_mem>>) src(%dma_wait3A_45 : memref<640x128xf32, #tpu.memory_space<vmem_shared>>) dst(%dma_wait3A_43 : memref<640x128xf32, #tpu.memory_space<hbm>>)
      tpu.yield
    }) : () -> ()
    %mul3A_18 = arith.constant 2 : i32
    %mul3A_19 = arith.muli %arg0, %mul3A_18 : i32
    %add3A_20 = arith.constant 1 : i32
    %add3A_21 = arith.addi %mul3A_19, %add3A_20 : i32
    %mul3A_22 = arith.constant 640 : i32
    %mul3A_23 = arith.muli %arg1, %mul3A_22 : i32
    "tpu.region"() ({
      %run_scoped3A = tpu.sem_alloc : memref<!tpu.dma_semaphore, #tpu.memory_space<semaphore_mem>>
      %dma_start3A = arith.constant 0 : i32
      %dma_start3A_40 = tpu.memref_slice %arg10[%mul3A_23, %dma_start3A] : memref<10240x128xf32, #tpu.memory_space<vmem_shared>> -> memref<640x128xf32, #tpu.memory_space<vmem_shared>>
      tpu.enqueue_dma source(%arg5 : memref<640x128xf32, #tpu.memory_space<hbm>>) target(%dma_start3A_40 : memref<640x128xf32, #tpu.memory_space<vmem_shared>>) target_semaphore(%run_scoped3A : memref<!tpu.dma_semaphore, #tpu.memory_space<semaphore_mem>>)
      %dma_wait3A = arith.constant 0 : i32
      %dma_wait3A_41 = tpu.memref_slice %arg10[%mul3A_23, %dma_wait3A] : memref<10240x128xf32, #tpu.memory_space<vmem_shared>> -> memref<640x128xf32, #tpu.memory_space<vmem_shared>>
      tpu.wait_dma2 semaphore(%run_scoped3A : memref<!tpu.dma_semaphore, #tpu.memory_space<semaphore_mem>>) src(%arg5 : memref<640x128xf32, #tpu.memory_space<hbm>>) dst(%dma_wait3A_41 : memref<640x128xf32, #tpu.memory_space<vmem_shared>>)
      tpu.yield
    }) : () -> ()
    "tpu.region"() ({
      %run_scoped3A = tpu.sem_alloc : memref<!tpu.dma_semaphore, #tpu.memory_space<semaphore_mem>>
      %dma_start3A = arith.constant 0 : i32
      %dma_start3A_40 = tpu.memref_slice %arg3[%add3A_21, %arg1, %dma_start3A] : memref<4x16x10000xi32, #tpu.memory_space<hbm>> -> memref<1x1x10000xi32, #tpu.memory_space<hbm>>
      %dma_start3A_41 = tpu.memref_squeeze %dma_start3A_40 : memref<1x1x10000xi32, #tpu.memory_space<hbm>> -> memref<10000xi32, #tpu.memory_space<hbm>>
      %dma_start3A_42 = arith.constant 0 : i32
      %dma_start3A_43 = tpu.memref_slice %arg3[%add3A_21, %arg1, %dma_start3A_42] : memref<4x16x10000xi32, #tpu.memory_space<hbm>> -> memref<1x1x10000xi32, #tpu.memory_space<hbm>>
      %dma_start3A_44 = tpu.memref_squeeze %dma_start3A_43 : memref<1x1x10000xi32, #tpu.memory_space<hbm>> -> memref<10000xi32, #tpu.memory_space<hbm>>
      tpu.enqueue_dma source(%dma_start3A_44 : memref<10000xi32, #tpu.memory_space<hbm>>) target(%arg7 : memref<10000xi32, #tpu.memory_space<vmem>>) target_semaphore(%run_scoped3A : memref<!tpu.dma_semaphore, #tpu.memory_space<semaphore_mem>>)
      %dma_wait3A = arith.constant 0 : i32
      %dma_wait3A_45 = tpu.memref_slice %arg3[%add3A_21, %arg1, %dma_wait3A] : memref<4x16x10000xi32, #tpu.memory_space<hbm>> -> memref<1x1x10000xi32, #tpu.memory_space<hbm>>
      %dma_wait3A_46 = tpu.memref_squeeze %dma_wait3A_45 : memref<1x1x10000xi32, #tpu.memory_space<hbm>> -> memref<10000xi32, #tpu.memory_space<hbm>>
      %dma_wait3A_47 = arith.constant 0 : i32
      %dma_wait3A_48 = tpu.memref_slice %arg3[%add3A_21, %arg1, %dma_wait3A_47] : memref<4x16x10000xi32, #tpu.memory_space<hbm>> -> memref<1x1x10000xi32, #tpu.memory_space<hbm>>
      %dma_wait3A_49 = tpu.memref_squeeze %dma_wait3A_48 : memref<1x1x10000xi32, #tpu.memory_space<hbm>> -> memref<10000xi32, #tpu.memory_space<hbm>>
      tpu.wait_dma2 semaphore(%run_scoped3A : memref<!tpu.dma_semaphore, #tpu.memory_space<semaphore_mem>>) src(%dma_wait3A_49 : memref<10000xi32, #tpu.memory_space<hbm>>) dst(%arg7 : memref<10000xi32, #tpu.memory_space<vmem>>)
      tpu.yield
    }) : () -> ()
    %barrier3A_24 = arith.constant 0 : index
    tpu.barrier barrier_id(%barrier3A_24)
    %scan3A_25 = arith.constant 0 : i32
    %scan3A_26 = arith.constant 0 : i32
    %scan3A_27 = arith.constant 125 : i32
    %scan3A_28 = arith.addi %scan3A_26, %scan3A_27 : i32
    %scan3A_29 = arith.constant 1 : i32
    %scan3A_30 = scf.for %scan3A_40 = %scan3A_26 to %scan3A_28 step %scan3A_29 iter_args(%scan3A_41 = %scan3A_25) -> (i32)  : i32 {
      %mul3A_42 = arith.constant 80 : i32
      %mul3A_43 = arith.muli %scan3A_40, %mul3A_42 : i32
      %dma_start3A = tpu.memref_slice %arg7[%mul3A_43] : memref<10000xi32, #tpu.memory_space<vmem>> -> memref<80xi32, #tpu.memory_space<vmem>>
      %dma_start3A_44 = arith.constant 0 : i32
      %dma_start3A_45 = arith.constant 0 : i32
      %dma_start3A_46 = tpu.memref_slice %arg2[%dma_start3A_44, %dma_start3A_45] : memref<40000x128xf32, #tpu.memory_space<hbm>> -> memref<40000x128xf32, #tpu.memory_space<hbm>>
      tpu.enqueue_indirect_dma source(%dma_start3A_46 : memref<40000x128xf32, #tpu.memory_space<hbm>>) target(%arg9 : memref<80x128xf32, #tpu.memory_space<vmem>>) offsets(%dma_start3A : memref<80xi32, #tpu.memory_space<vmem>>) semaphore(%arg11 : memref<!tpu.dma_semaphore, #tpu.memory_space<semaphore_mem>>)
      %dma_wait3A = tpu.memref_slice %arg7[%mul3A_43] : memref<10000xi32, #tpu.memory_space<vmem>> -> memref<80xi32, #tpu.memory_space<vmem>>
      %dma_wait3A_47 = arith.constant 0 : i32
      %dma_wait3A_48 = arith.constant 0 : i32
      %dma_wait3A_49 = tpu.memref_slice %arg2[%dma_wait3A_47, %dma_wait3A_48] : memref<40000x128xf32, #tpu.memory_space<hbm>> -> memref<40000x128xf32, #tpu.memory_space<hbm>>
      tpu.wait_indirect_dma semaphore(%arg11 : memref<!tpu.dma_semaphore, #tpu.memory_space<semaphore_mem>>) src(%dma_wait3A_49 : memref<40000x128xf32, #tpu.memory_space<hbm>>) dst(%arg9 : memref<80x128xf32, #tpu.memory_space<vmem>>)
      "tpu.region"() ({
        %run_scoped3A = tpu.sem_alloc : memref<!tpu.dma_semaphore, #tpu.memory_space<semaphore_mem>>
        %dma_start3A_51 = arith.constant 0 : i32
        %dma_start3A_52 = tpu.memref_slice %arg8[%scan3A_40, %dma_start3A_51] : memref<125x80xi32, #tpu.memory_space<vmem>> -> memref<1x80xi32, #tpu.memory_space<vmem>>
        %dma_start3A_53 = tpu.memref_squeeze %dma_start3A_52 : memref<1x80xi32, #tpu.memory_space<vmem>> -> memref<80xi32, #tpu.memory_space<vmem>>
        %dma_start3A_54 = arith.constant 0 : i32
        %dma_start3A_55 = arith.constant 0 : i32
        %dma_start3A_56 = tpu.memref_slice %arg10[%dma_start3A_54, %dma_start3A_55] : memref<10240x128xf32, #tpu.memory_space<vmem_shared>> -> memref<10240x128xf32, #tpu.memory_space<vmem_shared>>
        tpu.enqueue_indirect_dma source(%arg9 : memref<80x128xf32, #tpu.memory_space<vmem>>) target(%dma_start3A_56 : memref<10240x128xf32, #tpu.memory_space<vmem_shared>>) offsets(%dma_start3A_53 : memref<80xi32, #tpu.memory_space<vmem>>) semaphore(%run_scoped3A : memref<!tpu.dma_semaphore, #tpu.memory_space<semaphore_mem>>) {add = true}
        %dma_wait3A_57 = arith.constant 0 : i32
        %dma_wait3A_58 = tpu.memref_slice %arg8[%scan3A_40, %dma_wait3A_57] : memref<125x80xi32, #tpu.memory_space<vmem>> -> memref<1x80xi32, #tpu.memory_space<vmem>>
        %dma_wait3A_59 = tpu.memref_squeeze %dma_wait3A_58 : memref<1x80xi32, #tpu.memory_space<vmem>> -> memref<80xi32, #tpu.memory_space<vmem>>
        %dma_wait3A_60 = arith.constant 0 : i32
        %dma_wait3A_61 = arith.constant 0 : i32
        %dma_wait3A_62 = tpu.memref_slice %arg10[%dma_wait3A_60, %dma_wait3A_61] : memref<10240x128xf32, #tpu.memory_space<vmem_shared>> -> memref<10240x128xf32, #tpu.memory_space<vmem_shared>>
        tpu.wait_indirect_dma semaphore(%run_scoped3A : memref<!tpu.dma_semaphore, #tpu.memory_space<semaphore_mem>>) src(%arg9 : memref<80x128xf32, #tpu.memory_space<vmem>>) dst(%dma_wait3A_62 : memref<10240x128xf32, #tpu.memory_space<vmem_shared>>)
        tpu.yield
      }) : () -> ()
      %scan3A_50 = arith.constant 0 : i32
      scf.yield %scan3A_50 : i32
    }
    %scan3A_31 = arith.constant 125 : i32
    %barrier3A_32 = arith.constant 0 : index
    tpu.barrier barrier_id(%barrier3A_32)
    %mul3A_33 = arith.constant 640 : i32
    %mul3A_34 = arith.muli %arg1, %mul3A_33 : i32
    %mul3A_35 = arith.constant 10240 : i32
    %mul3A_36 = arith.muli %add3A_21, %mul3A_35 : i32
    %mul3A_37 = arith.constant 640 : i32
    %mul3A_38 = arith.muli %arg1, %mul3A_37 : i32
    %add3A_39 = arith.addi %mul3A_36, %mul3A_38 : i32
    "tpu.region"() ({
      %run_scoped3A = tpu.sem_alloc : memref<!tpu.dma_semaphore, #tpu.memory_space<semaphore_mem>>
      %dma_start3A = arith.constant 0 : i32
      %dma_start3A_40 = tpu.memref_slice %arg6[%add3A_39, %dma_start3A] : memref<40960x128xf32, #tpu.memory_space<hbm>> -> memref<640x128xf32, #tpu.memory_space<hbm>>
      %dma_start3A_41 = arith.constant 0 : i32
      %dma_start3A_42 = tpu.memref_slice %arg10[%mul3A_34, %dma_start3A_41] : memref<10240x128xf32, #tpu.memory_space<vmem_shared>> -> memref<640x128xf32, #tpu.memory_space<vmem_shared>>
      tpu.enqueue_dma source(%dma_start3A_42 : memref<640x128xf32, #tpu.memory_space<vmem_shared>>) target(%dma_start3A_40 : memref<640x128xf32, #tpu.memory_space<hbm>>) target_semaphore(%run_scoped3A : memref<!tpu.dma_semaphore, #tpu.memory_space<semaphore_mem>>)
      %dma_wait3A = arith.constant 0 : i32
      %dma_wait3A_43 = tpu.memref_slice %arg6[%add3A_39, %dma_wait3A] : memref<40960x128xf32, #tpu.memory_space<hbm>> -> memref<640x128xf32, #tpu.memory_space<hbm>>
      %dma_wait3A_44 = arith.constant 0 : i32
      %dma_wait3A_45 = tpu.memref_slice %arg10[%mul3A_34, %dma_wait3A_44] : memref<10240x128xf32, #tpu.memory_space<vmem_shared>> -> memref<640x128xf32, #tpu.memory_space<vmem_shared>>
      tpu.wait_dma2 semaphore(%run_scoped3A : memref<!tpu.dma_semaphore, #tpu.memory_space<semaphore_mem>>) src(%dma_wait3A_45 : memref<640x128xf32, #tpu.memory_space<vmem_shared>>) dst(%dma_wait3A_43 : memref<640x128xf32, #tpu.memory_space<hbm>>)
      tpu.yield
    }) : () -> ()
    return
  }
}

#map = affine_map<(d0, d1) -> (0, 0)>
#map1 = affine_map<(d0, d1) -> (0, 0, 0)>
module attributes {stable_mosaic.version = 14 : i64} {
  func.func @agg_kernel(%arg0: i32, %arg1: i32, %arg2: memref<20000x128xf32, #tpu.memory_space<hbm>>, %arg3: memref<2x16x10000xi32, #tpu.memory_space<hbm>>, %arg4: memref<16x125x80xi32, #tpu.memory_space<hbm>>, %arg5: memref<640x128xf32, #tpu.memory_space<hbm>>, %arg6: memref<20480x128xf32, #tpu.memory_space<hbm>>, %arg7: memref<10000xi32, #tpu.memory_space<vmem>>, %arg8: memref<125x80xi32, #tpu.memory_space<vmem>>, %arg9: memref<80x128xf32, #tpu.memory_space<vmem>>, %arg10: memref<10240x128xf32, #tpu.memory_space<vmem_shared>>, %arg11: memref<!tpu.dma_semaphore, #tpu.memory_space<semaphore_mem>>) attributes {dimension_semantics = [#tpu.dimension_semantics<core_parallel>, #tpu.dimension_semantics<subcore_parallel>], iteration_bounds = array<i64: 2, 16>, scalar_prefetch = 0 : i64, scratch_operands = 5 : i64, tpu.core_type = #tpu.core_type<sc_vector_subcore>, window_params = [{transform_indices = #map}, {transform_indices = #map1}, {transform_indices = #map1}, {transform_indices = #map}, {transform_indices = #map}]} {
    "tpu.region"() ({
      %run_scoped3A = tpu.sem_alloc : memref<!tpu.dma_semaphore, #tpu.memory_space<semaphore_mem>>
      %dma_start3A = arith.constant 0 : i32
      %dma_start3A_18 = arith.constant 0 : i32
      %dma_start3A_19 = tpu.memref_slice %arg4[%arg1, %dma_start3A, %dma_start3A_18] : memref<16x125x80xi32, #tpu.memory_space<hbm>> -> memref<1x125x80xi32, #tpu.memory_space<hbm>>
      %dma_start3A_20 = tpu.memref_squeeze %dma_start3A_19 : memref<1x125x80xi32, #tpu.memory_space<hbm>> -> memref<125x80xi32, #tpu.memory_space<hbm>>
      %dma_start3A_21 = arith.constant 0 : i32
      %dma_start3A_22 = arith.constant 0 : i32
      %dma_start3A_23 = tpu.memref_slice %arg4[%arg1, %dma_start3A_21, %dma_start3A_22] : memref<16x125x80xi32, #tpu.memory_space<hbm>> -> memref<1x125x80xi32, #tpu.memory_space<hbm>>
      %dma_start3A_24 = tpu.memref_squeeze %dma_start3A_23 : memref<1x125x80xi32, #tpu.memory_space<hbm>> -> memref<125x80xi32, #tpu.memory_space<hbm>>
      tpu.enqueue_dma source(%dma_start3A_24 : memref<125x80xi32, #tpu.memory_space<hbm>>) target(%arg8 : memref<125x80xi32, #tpu.memory_space<vmem>>) target_semaphore(%run_scoped3A : memref<!tpu.dma_semaphore, #tpu.memory_space<semaphore_mem>>)
      %dma_wait3A = arith.constant 0 : i32
      %dma_wait3A_25 = arith.constant 0 : i32
      %dma_wait3A_26 = tpu.memref_slice %arg4[%arg1, %dma_wait3A, %dma_wait3A_25] : memref<16x125x80xi32, #tpu.memory_space<hbm>> -> memref<1x125x80xi32, #tpu.memory_space<hbm>>
      %dma_wait3A_27 = tpu.memref_squeeze %dma_wait3A_26 : memref<1x125x80xi32, #tpu.memory_space<hbm>> -> memref<125x80xi32, #tpu.memory_space<hbm>>
      %dma_wait3A_28 = arith.constant 0 : i32
      %dma_wait3A_29 = arith.constant 0 : i32
      %dma_wait3A_30 = tpu.memref_slice %arg4[%arg1, %dma_wait3A_28, %dma_wait3A_29] : memref<16x125x80xi32, #tpu.memory_space<hbm>> -> memref<1x125x80xi32, #tpu.memory_space<hbm>>
      %dma_wait3A_31 = tpu.memref_squeeze %dma_wait3A_30 : memref<1x125x80xi32, #tpu.memory_space<hbm>> -> memref<125x80xi32, #tpu.memory_space<hbm>>
      tpu.wait_dma2 semaphore(%run_scoped3A : memref<!tpu.dma_semaphore, #tpu.memory_space<semaphore_mem>>) src(%dma_wait3A_31 : memref<125x80xi32, #tpu.memory_space<hbm>>) dst(%arg8 : memref<125x80xi32, #tpu.memory_space<vmem>>)
      tpu.yield
    }) : () -> ()
    %mul3A = arith.constant 1 : i32
    %mul3A_0 = arith.muli %arg0, %mul3A : i32
    %add3A = arith.constant 0 : i32
    %add3A_1 = arith.addi %mul3A_0, %add3A : i32
    %mul3A_2 = arith.constant 640 : i32
    %mul3A_3 = arith.muli %arg1, %mul3A_2 : i32
    "tpu.region"() ({
      %run_scoped3A = tpu.sem_alloc : memref<!tpu.dma_semaphore, #tpu.memory_space<semaphore_mem>>
      %dma_start3A = arith.constant 0 : i32
      %dma_start3A_18 = tpu.memref_slice %arg10[%mul3A_3, %dma_start3A] : memref<10240x128xf32, #tpu.memory_space<vmem_shared>> -> memref<640x128xf32, #tpu.memory_space<vmem_shared>>
      tpu.enqueue_dma source(%arg5 : memref<640x128xf32, #tpu.memory_space<hbm>>) target(%dma_start3A_18 : memref<640x128xf32, #tpu.memory_space<vmem_shared>>) target_semaphore(%run_scoped3A : memref<!tpu.dma_semaphore, #tpu.memory_space<semaphore_mem>>)
      %dma_wait3A = arith.constant 0 : i32
      %dma_wait3A_19 = tpu.memref_slice %arg10[%mul3A_3, %dma_wait3A] : memref<10240x128xf32, #tpu.memory_space<vmem_shared>> -> memref<640x128xf32, #tpu.memory_space<vmem_shared>>
      tpu.wait_dma2 semaphore(%run_scoped3A : memref<!tpu.dma_semaphore, #tpu.memory_space<semaphore_mem>>) src(%arg5 : memref<640x128xf32, #tpu.memory_space<hbm>>) dst(%dma_wait3A_19 : memref<640x128xf32, #tpu.memory_space<vmem_shared>>)
      tpu.yield
    }) : () -> ()
    "tpu.region"() ({
      %run_scoped3A = tpu.sem_alloc : memref<!tpu.dma_semaphore, #tpu.memory_space<semaphore_mem>>
      %dma_start3A = arith.constant 0 : i32
      %dma_start3A_18 = tpu.memref_slice %arg3[%add3A_1, %arg1, %dma_start3A] : memref<2x16x10000xi32, #tpu.memory_space<hbm>> -> memref<1x1x10000xi32, #tpu.memory_space<hbm>>
      %dma_start3A_19 = tpu.memref_squeeze %dma_start3A_18 : memref<1x1x10000xi32, #tpu.memory_space<hbm>> -> memref<10000xi32, #tpu.memory_space<hbm>>
      %dma_start3A_20 = arith.constant 0 : i32
      %dma_start3A_21 = tpu.memref_slice %arg3[%add3A_1, %arg1, %dma_start3A_20] : memref<2x16x10000xi32, #tpu.memory_space<hbm>> -> memref<1x1x10000xi32, #tpu.memory_space<hbm>>
      %dma_start3A_22 = tpu.memref_squeeze %dma_start3A_21 : memref<1x1x10000xi32, #tpu.memory_space<hbm>> -> memref<10000xi32, #tpu.memory_space<hbm>>
      tpu.enqueue_dma source(%dma_start3A_22 : memref<10000xi32, #tpu.memory_space<hbm>>) target(%arg7 : memref<10000xi32, #tpu.memory_space<vmem>>) target_semaphore(%run_scoped3A : memref<!tpu.dma_semaphore, #tpu.memory_space<semaphore_mem>>)
      %dma_wait3A = arith.constant 0 : i32
      %dma_wait3A_23 = tpu.memref_slice %arg3[%add3A_1, %arg1, %dma_wait3A] : memref<2x16x10000xi32, #tpu.memory_space<hbm>> -> memref<1x1x10000xi32, #tpu.memory_space<hbm>>
      %dma_wait3A_24 = tpu.memref_squeeze %dma_wait3A_23 : memref<1x1x10000xi32, #tpu.memory_space<hbm>> -> memref<10000xi32, #tpu.memory_space<hbm>>
      %dma_wait3A_25 = arith.constant 0 : i32
      %dma_wait3A_26 = tpu.memref_slice %arg3[%add3A_1, %arg1, %dma_wait3A_25] : memref<2x16x10000xi32, #tpu.memory_space<hbm>> -> memref<1x1x10000xi32, #tpu.memory_space<hbm>>
      %dma_wait3A_27 = tpu.memref_squeeze %dma_wait3A_26 : memref<1x1x10000xi32, #tpu.memory_space<hbm>> -> memref<10000xi32, #tpu.memory_space<hbm>>
      tpu.wait_dma2 semaphore(%run_scoped3A : memref<!tpu.dma_semaphore, #tpu.memory_space<semaphore_mem>>) src(%dma_wait3A_27 : memref<10000xi32, #tpu.memory_space<hbm>>) dst(%arg7 : memref<10000xi32, #tpu.memory_space<vmem>>)
      tpu.yield
    }) : () -> ()
    %barrier3A = arith.constant 0 : index
    tpu.barrier barrier_id(%barrier3A)
    %scan3A = arith.constant 0 : i32
    %scan3A_4 = arith.constant 0 : i32
    %scan3A_5 = arith.constant 125 : i32
    %scan3A_6 = arith.addi %scan3A_4, %scan3A_5 : i32
    %scan3A_7 = arith.constant 1 : i32
    %scan3A_8 = scf.for %scan3A_18 = %scan3A_4 to %scan3A_6 step %scan3A_7 iter_args(%scan3A_19 = %scan3A) -> (i32)  : i32 {
      %mul3A_20 = arith.constant 80 : i32
      %mul3A_21 = arith.muli %scan3A_18, %mul3A_20 : i32
      %dma_start3A = tpu.memref_slice %arg7[%mul3A_21] : memref<10000xi32, #tpu.memory_space<vmem>> -> memref<80xi32, #tpu.memory_space<vmem>>
      %dma_start3A_22 = arith.constant 0 : i32
      %dma_start3A_23 = arith.constant 0 : i32
      %dma_start3A_24 = tpu.memref_slice %arg2[%dma_start3A_22, %dma_start3A_23] : memref<20000x128xf32, #tpu.memory_space<hbm>> -> memref<20000x128xf32, #tpu.memory_space<hbm>>
      tpu.enqueue_indirect_dma source(%dma_start3A_24 : memref<20000x128xf32, #tpu.memory_space<hbm>>) target(%arg9 : memref<80x128xf32, #tpu.memory_space<vmem>>) offsets(%dma_start3A : memref<80xi32, #tpu.memory_space<vmem>>) semaphore(%arg11 : memref<!tpu.dma_semaphore, #tpu.memory_space<semaphore_mem>>)
      %dma_wait3A = tpu.memref_slice %arg7[%mul3A_21] : memref<10000xi32, #tpu.memory_space<vmem>> -> memref<80xi32, #tpu.memory_space<vmem>>
      %dma_wait3A_25 = arith.constant 0 : i32
      %dma_wait3A_26 = arith.constant 0 : i32
      %dma_wait3A_27 = tpu.memref_slice %arg2[%dma_wait3A_25, %dma_wait3A_26] : memref<20000x128xf32, #tpu.memory_space<hbm>> -> memref<20000x128xf32, #tpu.memory_space<hbm>>
      tpu.wait_indirect_dma semaphore(%arg11 : memref<!tpu.dma_semaphore, #tpu.memory_space<semaphore_mem>>) src(%dma_wait3A_27 : memref<20000x128xf32, #tpu.memory_space<hbm>>) dst(%arg9 : memref<80x128xf32, #tpu.memory_space<vmem>>)
      "tpu.region"() ({
        %run_scoped3A = tpu.sem_alloc : memref<!tpu.dma_semaphore, #tpu.memory_space<semaphore_mem>>
        %dma_start3A_29 = arith.constant 0 : i32
        %dma_start3A_30 = tpu.memref_slice %arg8[%scan3A_18, %dma_start3A_29] : memref<125x80xi32, #tpu.memory_space<vmem>> -> memref<1x80xi32, #tpu.memory_space<vmem>>
        %dma_start3A_31 = tpu.memref_squeeze %dma_start3A_30 : memref<1x80xi32, #tpu.memory_space<vmem>> -> memref<80xi32, #tpu.memory_space<vmem>>
        %dma_start3A_32 = arith.constant 0 : i32
        %dma_start3A_33 = arith.constant 0 : i32
        %dma_start3A_34 = tpu.memref_slice %arg10[%dma_start3A_32, %dma_start3A_33] : memref<10240x128xf32, #tpu.memory_space<vmem_shared>> -> memref<10240x128xf32, #tpu.memory_space<vmem_shared>>
        tpu.enqueue_indirect_dma source(%arg9 : memref<80x128xf32, #tpu.memory_space<vmem>>) target(%dma_start3A_34 : memref<10240x128xf32, #tpu.memory_space<vmem_shared>>) offsets(%dma_start3A_31 : memref<80xi32, #tpu.memory_space<vmem>>) semaphore(%run_scoped3A : memref<!tpu.dma_semaphore, #tpu.memory_space<semaphore_mem>>) {add = true}
        %dma_wait3A_35 = arith.constant 0 : i32
        %dma_wait3A_36 = tpu.memref_slice %arg8[%scan3A_18, %dma_wait3A_35] : memref<125x80xi32, #tpu.memory_space<vmem>> -> memref<1x80xi32, #tpu.memory_space<vmem>>
        %dma_wait3A_37 = tpu.memref_squeeze %dma_wait3A_36 : memref<1x80xi32, #tpu.memory_space<vmem>> -> memref<80xi32, #tpu.memory_space<vmem>>
        %dma_wait3A_38 = arith.constant 0 : i32
        %dma_wait3A_39 = arith.constant 0 : i32
        %dma_wait3A_40 = tpu.memref_slice %arg10[%dma_wait3A_38, %dma_wait3A_39] : memref<10240x128xf32, #tpu.memory_space<vmem_shared>> -> memref<10240x128xf32, #tpu.memory_space<vmem_shared>>
        tpu.wait_indirect_dma semaphore(%run_scoped3A : memref<!tpu.dma_semaphore, #tpu.memory_space<semaphore_mem>>) src(%arg9 : memref<80x128xf32, #tpu.memory_space<vmem>>) dst(%dma_wait3A_40 : memref<10240x128xf32, #tpu.memory_space<vmem_shared>>)
        tpu.yield
      }) : () -> ()
      %scan3A_28 = arith.constant 0 : i32
      scf.yield %scan3A_28 : i32
    }
    %scan3A_9 = arith.constant 125 : i32
    %barrier3A_10 = arith.constant 0 : index
    tpu.barrier barrier_id(%barrier3A_10)
    %mul3A_11 = arith.constant 640 : i32
    %mul3A_12 = arith.muli %arg1, %mul3A_11 : i32
    %mul3A_13 = arith.constant 10240 : i32
    %mul3A_14 = arith.muli %add3A_1, %mul3A_13 : i32
    %mul3A_15 = arith.constant 640 : i32
    %mul3A_16 = arith.muli %arg1, %mul3A_15 : i32
    %add3A_17 = arith.addi %mul3A_14, %mul3A_16 : i32
    "tpu.region"() ({
      %run_scoped3A = tpu.sem_alloc : memref<!tpu.dma_semaphore, #tpu.memory_space<semaphore_mem>>
      %dma_start3A = arith.constant 0 : i32
      %dma_start3A_18 = tpu.memref_slice %arg6[%add3A_17, %dma_start3A] : memref<20480x128xf32, #tpu.memory_space<hbm>> -> memref<640x128xf32, #tpu.memory_space<hbm>>
      %dma_start3A_19 = arith.constant 0 : i32
      %dma_start3A_20 = tpu.memref_slice %arg10[%mul3A_12, %dma_start3A_19] : memref<10240x128xf32, #tpu.memory_space<vmem_shared>> -> memref<640x128xf32, #tpu.memory_space<vmem_shared>>
      tpu.enqueue_dma source(%dma_start3A_20 : memref<640x128xf32, #tpu.memory_space<vmem_shared>>) target(%dma_start3A_18 : memref<640x128xf32, #tpu.memory_space<hbm>>) target_semaphore(%run_scoped3A : memref<!tpu.dma_semaphore, #tpu.memory_space<semaphore_mem>>)
      %dma_wait3A = arith.constant 0 : i32
      %dma_wait3A_21 = tpu.memref_slice %arg6[%add3A_17, %dma_wait3A] : memref<20480x128xf32, #tpu.memory_space<hbm>> -> memref<640x128xf32, #tpu.memory_space<hbm>>
      %dma_wait3A_22 = arith.constant 0 : i32
      %dma_wait3A_23 = tpu.memref_slice %arg10[%mul3A_12, %dma_wait3A_22] : memref<10240x128xf32, #tpu.memory_space<vmem_shared>> -> memref<640x128xf32, #tpu.memory_space<vmem_shared>>
      tpu.wait_dma2 semaphore(%run_scoped3A : memref<!tpu.dma_semaphore, #tpu.memory_space<semaphore_mem>>) src(%dma_wait3A_23 : memref<640x128xf32, #tpu.memory_space<vmem_shared>>) dst(%dma_wait3A_21 : memref<640x128xf32, #tpu.memory_space<hbm>>)
      tpu.yield
    }) : () -> ()
    return
  }
}

#map = affine_map<(d0, d1) -> (0, 0)>
#map1 = affine_map<(d0, d1) -> (0, 0, 0)>
module attributes {stable_mosaic.version = 14 : i64} {
  func.func @agg_kernel(%arg0: i32, %arg1: i32, %arg2: memref<40000x128xf32, #tpu.memory_space<hbm>>, %arg3: memref<4x16x10000xi32, #tpu.memory_space<hbm>>, %arg4: memref<16x125x80xi32, #tpu.memory_space<hbm>>, %arg5: memref<640x128xf32, #tpu.memory_space<hbm>>, %arg6: memref<40960x128xf32, #tpu.memory_space<hbm>>, %arg7: memref<10000xi32, #tpu.memory_space<vmem>>, %arg8: memref<125x80xi32, #tpu.memory_space<vmem>>, %arg9: memref<80x128xf32, #tpu.memory_space<vmem>>, %arg10: memref<10240x128xf32, #tpu.memory_space<vmem_shared>>, %arg11: memref<!tpu.dma_semaphore, #tpu.memory_space<semaphore_mem>>) attributes {dimension_semantics = [#tpu.dimension_semantics<core_parallel>, #tpu.dimension_semantics<subcore_parallel>], iteration_bounds = array<i64: 2, 16>, scalar_prefetch = 0 : i64, scratch_operands = 5 : i64, tpu.core_type = #tpu.core_type<sc_vector_subcore>, window_params = [{transform_indices = #map}, {transform_indices = #map1}, {transform_indices = #map1}, {transform_indices = #map}, {transform_indices = #map}]} {
    "tpu.region"() ({
      %run_scoped3A = tpu.sem_alloc : memref<!tpu.dma_semaphore, #tpu.memory_space<semaphore_mem>>
      %dma_start3A = arith.constant 0 : i32
      %dma_start3A_40 = arith.constant 0 : i32
      %dma_start3A_41 = tpu.memref_slice %arg4[%arg1, %dma_start3A, %dma_start3A_40] : memref<16x125x80xi32, #tpu.memory_space<hbm>> -> memref<1x125x80xi32, #tpu.memory_space<hbm>>
      %dma_start3A_42 = tpu.memref_squeeze %dma_start3A_41 : memref<1x125x80xi32, #tpu.memory_space<hbm>> -> memref<125x80xi32, #tpu.memory_space<hbm>>
      %dma_start3A_43 = arith.constant 0 : i32
      %dma_start3A_44 = arith.constant 0 : i32
      %dma_start3A_45 = tpu.memref_slice %arg4[%arg1, %dma_start3A_43, %dma_start3A_44] : memref<16x125x80xi32, #tpu.memory_space<hbm>> -> memref<1x125x80xi32, #tpu.memory_space<hbm>>
      %dma_start3A_46 = tpu.memref_squeeze %dma_start3A_45 : memref<1x125x80xi32, #tpu.memory_space<hbm>> -> memref<125x80xi32, #tpu.memory_space<hbm>>
      tpu.enqueue_dma source(%dma_start3A_46 : memref<125x80xi32, #tpu.memory_space<hbm>>) target(%arg8 : memref<125x80xi32, #tpu.memory_space<vmem>>) target_semaphore(%run_scoped3A : memref<!tpu.dma_semaphore, #tpu.memory_space<semaphore_mem>>)
      %dma_wait3A = arith.constant 0 : i32
      %dma_wait3A_47 = arith.constant 0 : i32
      %dma_wait3A_48 = tpu.memref_slice %arg4[%arg1, %dma_wait3A, %dma_wait3A_47] : memref<16x125x80xi32, #tpu.memory_space<hbm>> -> memref<1x125x80xi32, #tpu.memory_space<hbm>>
      %dma_wait3A_49 = tpu.memref_squeeze %dma_wait3A_48 : memref<1x125x80xi32, #tpu.memory_space<hbm>> -> memref<125x80xi32, #tpu.memory_space<hbm>>
      %dma_wait3A_50 = arith.constant 0 : i32
      %dma_wait3A_51 = arith.constant 0 : i32
      %dma_wait3A_52 = tpu.memref_slice %arg4[%arg1, %dma_wait3A_50, %dma_wait3A_51] : memref<16x125x80xi32, #tpu.memory_space<hbm>> -> memref<1x125x80xi32, #tpu.memory_space<hbm>>
      %dma_wait3A_53 = tpu.memref_squeeze %dma_wait3A_52 : memref<1x125x80xi32, #tpu.memory_space<hbm>> -> memref<125x80xi32, #tpu.memory_space<hbm>>
      tpu.wait_dma2 semaphore(%run_scoped3A : memref<!tpu.dma_semaphore, #tpu.memory_space<semaphore_mem>>) src(%dma_wait3A_53 : memref<125x80xi32, #tpu.memory_space<hbm>>) dst(%arg8 : memref<125x80xi32, #tpu.memory_space<vmem>>)
      tpu.yield
    }) : () -> ()
    %mul3A = arith.constant 2 : i32
    %mul3A_0 = arith.muli %arg0, %mul3A : i32
    %add3A = arith.constant 0 : i32
    %add3A_1 = arith.addi %mul3A_0, %add3A : i32
    %mul3A_2 = arith.constant 640 : i32
    %mul3A_3 = arith.muli %arg1, %mul3A_2 : i32
    "tpu.region"() ({
      %run_scoped3A = tpu.sem_alloc : memref<!tpu.dma_semaphore, #tpu.memory_space<semaphore_mem>>
      %dma_start3A = arith.constant 0 : i32
      %dma_start3A_40 = tpu.memref_slice %arg10[%mul3A_3, %dma_start3A] : memref<10240x128xf32, #tpu.memory_space<vmem_shared>> -> memref<640x128xf32, #tpu.memory_space<vmem_shared>>
      tpu.enqueue_dma source(%arg5 : memref<640x128xf32, #tpu.memory_space<hbm>>) target(%dma_start3A_40 : memref<640x128xf32, #tpu.memory_space<vmem_shared>>) target_semaphore(%run_scoped3A : memref<!tpu.dma_semaphore, #tpu.memory_space<semaphore_mem>>)
      %dma_wait3A = arith.constant 0 : i32
      %dma_wait3A_41 = tpu.memref_slice %arg10[%mul3A_3, %dma_wait3A] : memref<10240x128xf32, #tpu.memory_space<vmem_shared>> -> memref<640x128xf32, #tpu.memory_space<vmem_shared>>
      tpu.wait_dma2 semaphore(%run_scoped3A : memref<!tpu.dma_semaphore, #tpu.memory_space<semaphore_mem>>) src(%arg5 : memref<640x128xf32, #tpu.memory_space<hbm>>) dst(%dma_wait3A_41 : memref<640x128xf32, #tpu.memory_space<vmem_shared>>)
      tpu.yield
    }) : () -> ()
    "tpu.region"() ({
      %run_scoped3A = tpu.sem_alloc : memref<!tpu.dma_semaphore, #tpu.memory_space<semaphore_mem>>
      %dma_start3A = arith.constant 0 : i32
      %dma_start3A_40 = tpu.memref_slice %arg3[%add3A_1, %arg1, %dma_start3A] : memref<4x16x10000xi32, #tpu.memory_space<hbm>> -> memref<1x1x10000xi32, #tpu.memory_space<hbm>>
      %dma_start3A_41 = tpu.memref_squeeze %dma_start3A_40 : memref<1x1x10000xi32, #tpu.memory_space<hbm>> -> memref<10000xi32, #tpu.memory_space<hbm>>
      %dma_start3A_42 = arith.constant 0 : i32
      %dma_start3A_43 = tpu.memref_slice %arg3[%add3A_1, %arg1, %dma_start3A_42] : memref<4x16x10000xi32, #tpu.memory_space<hbm>> -> memref<1x1x10000xi32, #tpu.memory_space<hbm>>
      %dma_start3A_44 = tpu.memref_squeeze %dma_start3A_43 : memref<1x1x10000xi32, #tpu.memory_space<hbm>> -> memref<10000xi32, #tpu.memory_space<hbm>>
      tpu.enqueue_dma source(%dma_start3A_44 : memref<10000xi32, #tpu.memory_space<hbm>>) target(%arg7 : memref<10000xi32, #tpu.memory_space<vmem>>) target_semaphore(%run_scoped3A : memref<!tpu.dma_semaphore, #tpu.memory_space<semaphore_mem>>)
      %dma_wait3A = arith.constant 0 : i32
      %dma_wait3A_45 = tpu.memref_slice %arg3[%add3A_1, %arg1, %dma_wait3A] : memref<4x16x10000xi32, #tpu.memory_space<hbm>> -> memref<1x1x10000xi32, #tpu.memory_space<hbm>>
      %dma_wait3A_46 = tpu.memref_squeeze %dma_wait3A_45 : memref<1x1x10000xi32, #tpu.memory_space<hbm>> -> memref<10000xi32, #tpu.memory_space<hbm>>
      %dma_wait3A_47 = arith.constant 0 : i32
      %dma_wait3A_48 = tpu.memref_slice %arg3[%add3A_1, %arg1, %dma_wait3A_47] : memref<4x16x10000xi32, #tpu.memory_space<hbm>> -> memref<1x1x10000xi32, #tpu.memory_space<hbm>>
      %dma_wait3A_49 = tpu.memref_squeeze %dma_wait3A_48 : memref<1x1x10000xi32, #tpu.memory_space<hbm>> -> memref<10000xi32, #tpu.memory_space<hbm>>
      tpu.wait_dma2 semaphore(%run_scoped3A : memref<!tpu.dma_semaphore, #tpu.memory_space<semaphore_mem>>) src(%dma_wait3A_49 : memref<10000xi32, #tpu.memory_space<hbm>>) dst(%arg7 : memref<10000xi32, #tpu.memory_space<vmem>>)
      tpu.yield
    }) : () -> ()
    %barrier3A = arith.constant 0 : index
    tpu.barrier barrier_id(%barrier3A)
    %scan3A = arith.constant 0 : i32
    %scan3A_4 = arith.constant 0 : i32
    %scan3A_5 = arith.constant 125 : i32
    %scan3A_6 = arith.addi %scan3A_4, %scan3A_5 : i32
    %scan3A_7 = arith.constant 1 : i32
    %scan3A_8 = scf.for %scan3A_40 = %scan3A_4 to %scan3A_6 step %scan3A_7 iter_args(%scan3A_41 = %scan3A) -> (i32)  : i32 {
      %mul3A_42 = arith.constant 80 : i32
      %mul3A_43 = arith.muli %scan3A_40, %mul3A_42 : i32
      %dma_start3A = tpu.memref_slice %arg7[%mul3A_43] : memref<10000xi32, #tpu.memory_space<vmem>> -> memref<80xi32, #tpu.memory_space<vmem>>
      %dma_start3A_44 = arith.constant 0 : i32
      %dma_start3A_45 = arith.constant 0 : i32
      %dma_start3A_46 = tpu.memref_slice %arg2[%dma_start3A_44, %dma_start3A_45] : memref<40000x128xf32, #tpu.memory_space<hbm>> -> memref<40000x128xf32, #tpu.memory_space<hbm>>
      tpu.enqueue_indirect_dma source(%dma_start3A_46 : memref<40000x128xf32, #tpu.memory_space<hbm>>) target(%arg9 : memref<80x128xf32, #tpu.memory_space<vmem>>) offsets(%dma_start3A : memref<80xi32, #tpu.memory_space<vmem>>) semaphore(%arg11 : memref<!tpu.dma_semaphore, #tpu.memory_space<semaphore_mem>>)
      %dma_wait3A = tpu.memref_slice %arg7[%mul3A_43] : memref<10000xi32, #tpu.memory_space<vmem>> -> memref<80xi32, #tpu.memory_space<vmem>>
      %dma_wait3A_47 = arith.constant 0 : i32
      %dma_wait3A_48 = arith.constant 0 : i32
      %dma_wait3A_49 = tpu.memref_slice %arg2[%dma_wait3A_47, %dma_wait3A_48] : memref<40000x128xf32, #tpu.memory_space<hbm>> -> memref<40000x128xf32, #tpu.memory_space<hbm>>
      tpu.wait_indirect_dma semaphore(%arg11 : memref<!tpu.dma_semaphore, #tpu.memory_space<semaphore_mem>>) src(%dma_wait3A_49 : memref<40000x128xf32, #tpu.memory_space<hbm>>) dst(%arg9 : memref<80x128xf32, #tpu.memory_space<vmem>>)
      "tpu.region"() ({
        %run_scoped3A = tpu.sem_alloc : memref<!tpu.dma_semaphore, #tpu.memory_space<semaphore_mem>>
        %dma_start3A_51 = arith.constant 0 : i32
        %dma_start3A_52 = tpu.memref_slice %arg8[%scan3A_40, %dma_start3A_51] : memref<125x80xi32, #tpu.memory_space<vmem>> -> memref<1x80xi32, #tpu.memory_space<vmem>>
        %dma_start3A_53 = tpu.memref_squeeze %dma_start3A_52 : memref<1x80xi32, #tpu.memory_space<vmem>> -> memref<80xi32, #tpu.memory_space<vmem>>
        %dma_start3A_54 = arith.constant 0 : i32
        %dma_start3A_55 = arith.constant 0 : i32
        %dma_start3A_56 = tpu.memref_slice %arg10[%dma_start3A_54, %dma_start3A_55] : memref<10240x128xf32, #tpu.memory_space<vmem_shared>> -> memref<10240x128xf32, #tpu.memory_space<vmem_shared>>
        tpu.enqueue_indirect_dma source(%arg9 : memref<80x128xf32, #tpu.memory_space<vmem>>) target(%dma_start3A_56 : memref<10240x128xf32, #tpu.memory_space<vmem_shared>>) offsets(%dma_start3A_53 : memref<80xi32, #tpu.memory_space<vmem>>) semaphore(%run_scoped3A : memref<!tpu.dma_semaphore, #tpu.memory_space<semaphore_mem>>) {add = true}
        %dma_wait3A_57 = arith.constant 0 : i32
        %dma_wait3A_58 = tpu.memref_slice %arg8[%scan3A_40, %dma_wait3A_57] : memref<125x80xi32, #tpu.memory_space<vmem>> -> memref<1x80xi32, #tpu.memory_space<vmem>>
        %dma_wait3A_59 = tpu.memref_squeeze %dma_wait3A_58 : memref<1x80xi32, #tpu.memory_space<vmem>> -> memref<80xi32, #tpu.memory_space<vmem>>
        %dma_wait3A_60 = arith.constant 0 : i32
        %dma_wait3A_61 = arith.constant 0 : i32
        %dma_wait3A_62 = tpu.memref_slice %arg10[%dma_wait3A_60, %dma_wait3A_61] : memref<10240x128xf32, #tpu.memory_space<vmem_shared>> -> memref<10240x128xf32, #tpu.memory_space<vmem_shared>>
        tpu.wait_indirect_dma semaphore(%run_scoped3A : memref<!tpu.dma_semaphore, #tpu.memory_space<semaphore_mem>>) src(%arg9 : memref<80x128xf32, #tpu.memory_space<vmem>>) dst(%dma_wait3A_62 : memref<10240x128xf32, #tpu.memory_space<vmem_shared>>)
        tpu.yield
      }) : () -> ()
      %scan3A_50 = arith.constant 0 : i32
      scf.yield %scan3A_50 : i32
    }
    %scan3A_9 = arith.constant 125 : i32
    %barrier3A_10 = arith.constant 0 : index
    tpu.barrier barrier_id(%barrier3A_10)
    %mul3A_11 = arith.constant 640 : i32
    %mul3A_12 = arith.muli %arg1, %mul3A_11 : i32
    %mul3A_13 = arith.constant 10240 : i32
    %mul3A_14 = arith.muli %add3A_1, %mul3A_13 : i32
    %mul3A_15 = arith.constant 640 : i32
    %mul3A_16 = arith.muli %arg1, %mul3A_15 : i32
    %add3A_17 = arith.addi %mul3A_14, %mul3A_16 : i32
    "tpu.region"() ({
      %run_scoped3A = tpu.sem_alloc : memref<!tpu.dma_semaphore, #tpu.memory_space<semaphore_mem>>
      %dma_start3A = arith.constant 0 : i32
      %dma_start3A_40 = tpu.memref_slice %arg6[%add3A_17, %dma_start3A] : memref<40960x128xf32, #tpu.memory_space<hbm>> -> memref<640x128xf32, #tpu.memory_space<hbm>>
      %dma_start3A_41 = arith.constant 0 : i32
      %dma_start3A_42 = tpu.memref_slice %arg10[%mul3A_12, %dma_start3A_41] : memref<10240x128xf32, #tpu.memory_space<vmem_shared>> -> memref<640x128xf32, #tpu.memory_space<vmem_shared>>
      tpu.enqueue_dma source(%dma_start3A_42 : memref<640x128xf32, #tpu.memory_space<vmem_shared>>) target(%dma_start3A_40 : memref<640x128xf32, #tpu.memory_space<hbm>>) target_semaphore(%run_scoped3A : memref<!tpu.dma_semaphore, #tpu.memory_space<semaphore_mem>>)
      %dma_wait3A = arith.constant 0 : i32
      %dma_wait3A_43 = tpu.memref_slice %arg6[%add3A_17, %dma_wait3A] : memref<40960x128xf32, #tpu.memory_space<hbm>> -> memref<640x128xf32, #tpu.memory_space<hbm>>
      %dma_wait3A_44 = arith.constant 0 : i32
      %dma_wait3A_45 = tpu.memref_slice %arg10[%mul3A_12, %dma_wait3A_44] : memref<10240x128xf32, #tpu.memory_space<vmem_shared>> -> memref<640x128xf32, #tpu.memory_space<vmem_shared>>
      tpu.wait_dma2 semaphore(%run_scoped3A : memref<!tpu.dma_semaphore, #tpu.memory_space<semaphore_mem>>) src(%dma_wait3A_45 : memref<640x128xf32, #tpu.memory_space<vmem_shared>>) dst(%dma_wait3A_43 : memref<640x128xf32, #tpu.memory_space<hbm>>)
      tpu.yield
    }) : () -> ()
    %mul3A_18 = arith.constant 2 : i32
    %mul3A_19 = arith.muli %arg0, %mul3A_18 : i32
    %add3A_20 = arith.constant 1 : i32
    %add3A_21 = arith.addi %mul3A_19, %add3A_20 : i32
    %mul3A_22 = arith.constant 640 : i32
    %mul3A_23 = arith.muli %arg1, %mul3A_22 : i32
    "tpu.region"() ({
      %run_scoped3A = tpu.sem_alloc : memref<!tpu.dma_semaphore, #tpu.memory_space<semaphore_mem>>
      %dma_start3A = arith.constant 0 : i32
      %dma_start3A_40 = tpu.memref_slice %arg10[%mul3A_23, %dma_start3A] : memref<10240x128xf32, #tpu.memory_space<vmem_shared>> -> memref<640x128xf32, #tpu.memory_space<vmem_shared>>
      tpu.enqueue_dma source(%arg5 : memref<640x128xf32, #tpu.memory_space<hbm>>) target(%dma_start3A_40 : memref<640x128xf32, #tpu.memory_space<vmem_shared>>) target_semaphore(%run_scoped3A : memref<!tpu.dma_semaphore, #tpu.memory_space<semaphore_mem>>)
      %dma_wait3A = arith.constant 0 : i32
      %dma_wait3A_41 = tpu.memref_slice %arg10[%mul3A_23, %dma_wait3A] : memref<10240x128xf32, #tpu.memory_space<vmem_shared>> -> memref<640x128xf32, #tpu.memory_space<vmem_shared>>
      tpu.wait_dma2 semaphore(%run_scoped3A : memref<!tpu.dma_semaphore, #tpu.memory_space<semaphore_mem>>) src(%arg5 : memref<640x128xf32, #tpu.memory_space<hbm>>) dst(%dma_wait3A_41 : memref<640x128xf32, #tpu.memory_space<vmem_shared>>)
      tpu.yield
    }) : () -> ()
    "tpu.region"() ({
      %run_scoped3A = tpu.sem_alloc : memref<!tpu.dma_semaphore, #tpu.memory_space<semaphore_mem>>
      %dma_start3A = arith.constant 0 : i32
      %dma_start3A_40 = tpu.memref_slice %arg3[%add3A_21, %arg1, %dma_start3A] : memref<4x16x10000xi32, #tpu.memory_space<hbm>> -> memref<1x1x10000xi32, #tpu.memory_space<hbm>>
      %dma_start3A_41 = tpu.memref_squeeze %dma_start3A_40 : memref<1x1x10000xi32, #tpu.memory_space<hbm>> -> memref<10000xi32, #tpu.memory_space<hbm>>
      %dma_start3A_42 = arith.constant 0 : i32
      %dma_start3A_43 = tpu.memref_slice %arg3[%add3A_21, %arg1, %dma_start3A_42] : memref<4x16x10000xi32, #tpu.memory_space<hbm>> -> memref<1x1x10000xi32, #tpu.memory_space<hbm>>
      %dma_start3A_44 = tpu.memref_squeeze %dma_start3A_43 : memref<1x1x10000xi32, #tpu.memory_space<hbm>> -> memref<10000xi32, #tpu.memory_space<hbm>>
      tpu.enqueue_dma source(%dma_start3A_44 : memref<10000xi32, #tpu.memory_space<hbm>>) target(%arg7 : memref<10000xi32, #tpu.memory_space<vmem>>) target_semaphore(%run_scoped3A : memref<!tpu.dma_semaphore, #tpu.memory_space<semaphore_mem>>)
      %dma_wait3A = arith.constant 0 : i32
      %dma_wait3A_45 = tpu.memref_slice %arg3[%add3A_21, %arg1, %dma_wait3A] : memref<4x16x10000xi32, #tpu.memory_space<hbm>> -> memref<1x1x10000xi32, #tpu.memory_space<hbm>>
      %dma_wait3A_46 = tpu.memref_squeeze %dma_wait3A_45 : memref<1x1x10000xi32, #tpu.memory_space<hbm>> -> memref<10000xi32, #tpu.memory_space<hbm>>
      %dma_wait3A_47 = arith.constant 0 : i32
      %dma_wait3A_48 = tpu.memref_slice %arg3[%add3A_21, %arg1, %dma_wait3A_47] : memref<4x16x10000xi32, #tpu.memory_space<hbm>> -> memref<1x1x10000xi32, #tpu.memory_space<hbm>>
      %dma_wait3A_49 = tpu.memref_squeeze %dma_wait3A_48 : memref<1x1x10000xi32, #tpu.memory_space<hbm>> -> memref<10000xi32, #tpu.memory_space<hbm>>
      tpu.wait_dma2 semaphore(%run_scoped3A : memref<!tpu.dma_semaphore, #tpu.memory_space<semaphore_mem>>) src(%dma_wait3A_49 : memref<10000xi32, #tpu.memory_space<hbm>>) dst(%arg7 : memref<10000xi32, #tpu.memory_space<vmem>>)
      tpu.yield
    }) : () -> ()
    %barrier3A_24 = arith.constant 0 : index
    tpu.barrier barrier_id(%barrier3A_24)
    %scan3A_25 = arith.constant 0 : i32
    %scan3A_26 = arith.constant 0 : i32
    %scan3A_27 = arith.constant 125 : i32
    %scan3A_28 = arith.addi %scan3A_26, %scan3A_27 : i32
    %scan3A_29 = arith.constant 1 : i32
    %scan3A_30 = scf.for %scan3A_40 = %scan3A_26 to %scan3A_28 step %scan3A_29 iter_args(%scan3A_41 = %scan3A_25) -> (i32)  : i32 {
      %mul3A_42 = arith.constant 80 : i32
      %mul3A_43 = arith.muli %scan3A_40, %mul3A_42 : i32
      %dma_start3A = tpu.memref_slice %arg7[%mul3A_43] : memref<10000xi32, #tpu.memory_space<vmem>> -> memref<80xi32, #tpu.memory_space<vmem>>
      %dma_start3A_44 = arith.constant 0 : i32
      %dma_start3A_45 = arith.constant 0 : i32
      %dma_start3A_46 = tpu.memref_slice %arg2[%dma_start3A_44, %dma_start3A_45] : memref<40000x128xf32, #tpu.memory_space<hbm>> -> memref<40000x128xf32, #tpu.memory_space<hbm>>
      tpu.enqueue_indirect_dma source(%dma_start3A_46 : memref<40000x128xf32, #tpu.memory_space<hbm>>) target(%arg9 : memref<80x128xf32, #tpu.memory_space<vmem>>) offsets(%dma_start3A : memref<80xi32, #tpu.memory_space<vmem>>) semaphore(%arg11 : memref<!tpu.dma_semaphore, #tpu.memory_space<semaphore_mem>>)
      %dma_wait3A = tpu.memref_slice %arg7[%mul3A_43] : memref<10000xi32, #tpu.memory_space<vmem>> -> memref<80xi32, #tpu.memory_space<vmem>>
      %dma_wait3A_47 = arith.constant 0 : i32
      %dma_wait3A_48 = arith.constant 0 : i32
      %dma_wait3A_49 = tpu.memref_slice %arg2[%dma_wait3A_47, %dma_wait3A_48] : memref<40000x128xf32, #tpu.memory_space<hbm>> -> memref<40000x128xf32, #tpu.memory_space<hbm>>
      tpu.wait_indirect_dma semaphore(%arg11 : memref<!tpu.dma_semaphore, #tpu.memory_space<semaphore_mem>>) src(%dma_wait3A_49 : memref<40000x128xf32, #tpu.memory_space<hbm>>) dst(%arg9 : memref<80x128xf32, #tpu.memory_space<vmem>>)
      "tpu.region"() ({
        %run_scoped3A = tpu.sem_alloc : memref<!tpu.dma_semaphore, #tpu.memory_space<semaphore_mem>>
        %dma_start3A_51 = arith.constant 0 : i32
        %dma_start3A_52 = tpu.memref_slice %arg8[%scan3A_40, %dma_start3A_51] : memref<125x80xi32, #tpu.memory_space<vmem>> -> memref<1x80xi32, #tpu.memory_space<vmem>>
        %dma_start3A_53 = tpu.memref_squeeze %dma_start3A_52 : memref<1x80xi32, #tpu.memory_space<vmem>> -> memref<80xi32, #tpu.memory_space<vmem>>
        %dma_start3A_54 = arith.constant 0 : i32
        %dma_start3A_55 = arith.constant 0 : i32
        %dma_start3A_56 = tpu.memref_slice %arg10[%dma_start3A_54, %dma_start3A_55] : memref<10240x128xf32, #tpu.memory_space<vmem_shared>> -> memref<10240x128xf32, #tpu.memory_space<vmem_shared>>
        tpu.enqueue_indirect_dma source(%arg9 : memref<80x128xf32, #tpu.memory_space<vmem>>) target(%dma_start3A_56 : memref<10240x128xf32, #tpu.memory_space<vmem_shared>>) offsets(%dma_start3A_53 : memref<80xi32, #tpu.memory_space<vmem>>) semaphore(%run_scoped3A : memref<!tpu.dma_semaphore, #tpu.memory_space<semaphore_mem>>) {add = true}
        %dma_wait3A_57 = arith.constant 0 : i32
        %dma_wait3A_58 = tpu.memref_slice %arg8[%scan3A_40, %dma_wait3A_57] : memref<125x80xi32, #tpu.memory_space<vmem>> -> memref<1x80xi32, #tpu.memory_space<vmem>>
        %dma_wait3A_59 = tpu.memref_squeeze %dma_wait3A_58 : memref<1x80xi32, #tpu.memory_space<vmem>> -> memref<80xi32, #tpu.memory_space<vmem>>
        %dma_wait3A_60 = arith.constant 0 : i32
        %dma_wait3A_61 = arith.constant 0 : i32
        %dma_wait3A_62 = tpu.memref_slice %arg10[%dma_wait3A_60, %dma_wait3A_61] : memref<10240x128xf32, #tpu.memory_space<vmem_shared>> -> memref<10240x128xf32, #tpu.memory_space<vmem_shared>>
        tpu.wait_indirect_dma semaphore(%run_scoped3A : memref<!tpu.dma_semaphore, #tpu.memory_space<semaphore_mem>>) src(%arg9 : memref<80x128xf32, #tpu.memory_space<vmem>>) dst(%dma_wait3A_62 : memref<10240x128xf32, #tpu.memory_space<vmem_shared>>)
        tpu.yield
      }) : () -> ()
      %scan3A_50 = arith.constant 0 : i32
      scf.yield %scan3A_50 : i32
    }
    %scan3A_31 = arith.constant 125 : i32
    %barrier3A_32 = arith.constant 0 : index
    tpu.barrier barrier_id(%barrier3A_32)
    %mul3A_33 = arith.constant 640 : i32
    %mul3A_34 = arith.muli %arg1, %mul3A_33 : i32
    %mul3A_35 = arith.constant 10240 : i32
    %mul3A_36 = arith.muli %add3A_21, %mul3A_35 : i32
    %mul3A_37 = arith.constant 640 : i32
    %mul3A_38 = arith.muli %arg1, %mul3A_37 : i32
    %add3A_39 = arith.addi %mul3A_36, %mul3A_38 : i32
    "tpu.region"() ({
      %run_scoped3A = tpu.sem_alloc : memref<!tpu.dma_semaphore, #tpu.memory_space<semaphore_mem>>
      %dma_start3A = arith.constant 0 : i32
      %dma_start3A_40 = tpu.memref_slice %arg6[%add3A_39, %dma_start3A] : memref<40960x128xf32, #tpu.memory_space<hbm>> -> memref<640x128xf32, #tpu.memory_space<hbm>>
      %dma_start3A_41 = arith.constant 0 : i32
      %dma_start3A_42 = tpu.memref_slice %arg10[%mul3A_34, %dma_start3A_41] : memref<10240x128xf32, #tpu.memory_space<vmem_shared>> -> memref<640x128xf32, #tpu.memory_space<vmem_shared>>
      tpu.enqueue_dma source(%dma_start3A_42 : memref<640x128xf32, #tpu.memory_space<vmem_shared>>) target(%dma_start3A_40 : memref<640x128xf32, #tpu.memory_space<hbm>>) target_semaphore(%run_scoped3A : memref<!tpu.dma_semaphore, #tpu.memory_space<semaphore_mem>>)
      %dma_wait3A = arith.constant 0 : i32
      %dma_wait3A_43 = tpu.memref_slice %arg6[%add3A_39, %dma_wait3A] : memref<40960x128xf32, #tpu.memory_space<hbm>> -> memref<640x128xf32, #tpu.memory_space<hbm>>
      %dma_wait3A_44 = arith.constant 0 : i32
      %dma_wait3A_45 = tpu.memref_slice %arg10[%mul3A_34, %dma_wait3A_44] : memref<10240x128xf32, #tpu.memory_space<vmem_shared>> -> memref<640x128xf32, #tpu.memory_space<vmem_shared>>
      tpu.wait_dma2 semaphore(%run_scoped3A : memref<!tpu.dma_semaphore, #tpu.memory_space<semaphore_mem>>) src(%dma_wait3A_45 : memref<640x128xf32, #tpu.memory_space<vmem_shared>>) dst(%dma_wait3A_43 : memref<640x128xf32, #tpu.memory_space<hbm>>)
      tpu.yield
    }) : () -> ()
    return
  }
}

module attributes {stable_mosaic.version = 14 : i64} {
  func.func @_prep_body(%arg0: i32, %arg1: memref<1000x16xf32, #tpu.memory_space<vmem>>, %arg2: memref<1000x256xf32, #tpu.memory_space<vmem>>, %arg3: memref<1000x1xf32, #tpu.memory_space<vmem>>, %arg4: memref<1000x1xf32, #tpu.memory_space<vmem>>, %arg5: memref<2x1000x128xf32, #tpu.memory_space<vmem>>) attributes {dimension_semantics = [#tpu.dimension_semantics<arbitrary>], iteration_bounds = array<i64: 10>, scalar_prefetch = 0 : i64, scratch_operands = 0 : i64, tpu.core_type = #tpu.core_type<tc>, window_params = [{transform_indices = @transform_0, window_bounds = array<i64: 1000, 16>}, {transform_indices = @transform_1, window_bounds = array<i64: 1000, 256>}, {transform_indices = @transform_2, window_bounds = array<i64: 1000, 1>}, {transform_indices = @transform_3, window_bounds = array<i64: 1000, 1>}, {transform_indices = @transform_4, window_bounds = array<i64: 2, 1000, 128>}]} {
    %get3A = arith.constant 0 : index
    %get3A_0 = arith.constant 0 : index
    %get3A_1 = vector.load %arg1[%get3A, %get3A_0] : memref<1000x16xf32, #tpu.memory_space<vmem>>, vector<1000x16xf32>
    %reduce_sum3A = arith.constant dense<0.000000e+00> : vector<1000xf32>
    %reduce_sum3A_2 = vector.multi_reduction <add>, %get3A_1, %reduce_sum3A [1] : vector<1000x16xf32> to vector<1000xf32>
    %broadcast_in_dim3A = vector.shape_cast %reduce_sum3A_2 : vector<1000xf32> to vector<1000x1xf32>
    %mul3A = arith.constant 6.250000e-02 : f32
    %mul3A_3 = vector.broadcast %mul3A : f32 to vector<1000x1xf32>
    %mul3A_4 = arith.mulf %broadcast_in_dim3A, %mul3A_3 : vector<1000x1xf32>
    %add3A = arith.constant 1.000000e+00 : f32
    %add3A_5 = vector.broadcast %add3A : f32 to vector<1000x1xf32>
    %add3A_6 = arith.addf %mul3A_4, %add3A_5 : vector<1000x1xf32>
    %rsqrt3A = math.rsqrt %add3A_6 : vector<1000x1xf32>
    %swap3A = arith.constant 0 : index
    %swap3A_7 = arith.constant 0 : index
    %swap3A_8 = vector.load %arg3[%swap3A, %swap3A_7] : memref<1000x1xf32, #tpu.memory_space<vmem>>, vector<1000x1xf32>
    tpu.vector_store %arg3[%swap3A, %swap3A_7], %rsqrt3A {strides = array<i32>} : memref<1000x1xf32, #tpu.memory_space<vmem>>, vector<1000x1xf32>,
    %max3A = arith.constant 1.000000e+00 : f32
    %max3A_9 = vector.broadcast %max3A : f32 to vector<1000x1xf32>
    %max3A_10 = arith.maximumf %mul3A_4, %max3A_9 : vector<1000x1xf32>
    %swap3A_11 = arith.constant 0 : index
    %swap3A_12 = arith.constant 0 : index
    %swap3A_13 = vector.load %arg4[%swap3A_11, %swap3A_12] : memref<1000x1xf32, #tpu.memory_space<vmem>>, vector<1000x1xf32>
    tpu.vector_store %arg4[%swap3A_11, %swap3A_12], %max3A_10 {strides = array<i32>} : memref<1000x1xf32, #tpu.memory_space<vmem>>, vector<1000x1xf32>,
    %get3A_14 = arith.constant 0 : index
    %get3A_15 = arith.constant 0 : index
    %get3A_16 = vector.load %arg2[%get3A_14, %get3A_15] : memref<1000x256xf32, #tpu.memory_space<vmem>>, vector<1000x256xf32>
    %slice3A = vector.extract_strided_slice %get3A_16 {offsets = [0, 0], sizes = [1000, 128], strides = [1, 1]} : vector<1000x256xf32> to vector<1000x128xf32>
    %mul3A_17 = vector.broadcast %rsqrt3A : vector<1000x1xf32> to vector<1000x128xf32>
    %mul3A_18 = arith.mulf %slice3A, %mul3A_17 : vector<1000x128xf32>
    %swap3A_19 = arith.constant 0 : index
    %swap3A_20 = arith.constant 0 : index
    %swap3A_21 = arith.constant 0 : index
    %swap3A_22 = vector.load %arg5[%swap3A_19, %swap3A_20, %swap3A_21] : memref<2x1000x128xf32, #tpu.memory_space<vmem>>, vector<1x1000x128xf32>
    %swap3A_23 = vector.shape_cast %swap3A_22 : vector<1x1000x128xf32> to vector<1000x128xf32>
    %swap3A_24 = vector.shape_cast %mul3A_18 : vector<1000x128xf32> to vector<1x1000x128xf32>
    tpu.vector_store %arg5[%swap3A_19, %swap3A_20, %swap3A_21], %swap3A_24 {strides = array<i32>} : memref<2x1000x128xf32, #tpu.memory_space<vmem>>, vector<1x1000x128xf32>,
    %slice3A_25 = vector.extract_strided_slice %get3A_16 {offsets = [0, 128], sizes = [1000, 128], strides = [1, 1]} : vector<1000x256xf32> to vector<1000x128xf32>
    %mul3A_26 = vector.broadcast %rsqrt3A : vector<1000x1xf32> to vector<1000x128xf32>
    %mul3A_27 = arith.mulf %slice3A_25, %mul3A_26 : vector<1000x128xf32>
    %swap3A_28 = arith.constant 1 : index
    %swap3A_29 = arith.constant 0 : index
    %swap3A_30 = arith.constant 0 : index
    %swap3A_31 = vector.load %arg5[%swap3A_28, %swap3A_29, %swap3A_30] : memref<2x1000x128xf32, #tpu.memory_space<vmem>>, vector<1x1000x128xf32>
    %swap3A_32 = vector.shape_cast %swap3A_31 : vector<1x1000x128xf32> to vector<1000x128xf32>
    %swap3A_33 = vector.shape_cast %mul3A_27 : vector<1000x128xf32> to vector<1x1000x128xf32>
    tpu.vector_store %arg5[%swap3A_28, %swap3A_29, %swap3A_30], %swap3A_33 {strides = array<i32>} : memref<2x1000x128xf32, #tpu.memory_space<vmem>>, vector<1x1000x128xf32>,
    return
  }
  func.func @transform_0(%arg0: i32) -> (i32, i32) {
    %c0_i32 = arith.constant 0 : i32
    %c0_i32_0 = arith.constant 0 : i32
    return %arg0, %c0_i32 : i32, i32
  }
  func.func @transform_1(%arg0: i32) -> (i32, i32) {
    %c0_i32 = arith.constant 0 : i32
    %c0_i32_0 = arith.constant 0 : i32
    return %arg0, %c0_i32 : i32, i32
  }
  func.func @transform_2(%arg0: i32) -> (i32, i32) {
    %c0_i32 = arith.constant 0 : i32
    %c0_i32_0 = arith.constant 0 : i32
    return %arg0, %c0_i32 : i32, i32
  }
  func.func @transform_3(%arg0: i32) -> (i32, i32) {
    %c0_i32 = arith.constant 0 : i32
    %c0_i32_0 = arith.constant 0 : i32
    return %arg0, %c0_i32 : i32, i32
  }
  func.func @transform_4(%arg0: i32) -> (i32, i32, i32) {
    %c0_i32 = arith.constant 0 : i32
    %c0_i32_0 = arith.constant 0 : i32
    %c0_i32_1 = arith.constant 0 : i32
    return %c0_i32, %arg0, %c0_i32_0 : i32, i32, i32
  }
}

module attributes {stable_mosaic.version = 14 : i64} {
  func.func @body(%arg0: i32, %arg1: memref<4x1000x128xf32, #tpu.memory_space<vmem>>, %arg2: memref<1000x512xf32, #tpu.memory_space<vmem>>, %arg3: memref<1000x1xf32, #tpu.memory_space<vmem>>, %arg4: memref<512x512xf32, #tpu.memory_space<vmem>>, %arg5: memref<1x512xf32, #tpu.memory_space<vmem>>, %arg6: memref<1x512xf32, #tpu.memory_space<vmem>>, %arg7: memref<1x512xf32, #tpu.memory_space<vmem>>, %arg8: memref<1000x512xf32, #tpu.memory_space<vmem>>, %arg9: memref<4x1000x128xf32, #tpu.memory_space<vmem>>) attributes {dimension_semantics = [#tpu.dimension_semantics<arbitrary>], iteration_bounds = array<i64: 10>, scalar_prefetch = 0 : i64, scratch_operands = 0 : i64, tpu.core_type = #tpu.core_type<tc>, window_params = [{transform_indices = @transform_0, window_bounds = array<i64: 4, 1000, 128>}, {transform_indices = @transform_1, window_bounds = array<i64: 1000, 512>}, {transform_indices = @transform_2, window_bounds = array<i64: 1000, 1>}, {pipeline_mode = #tpu.pipeline_mode<synchronous>, transform_indices = @transform_3, window_bounds = array<i64: 512, 512>}, {pipeline_mode = #tpu.pipeline_mode<synchronous>, transform_indices = @transform_4, window_bounds = array<i64: 1, 512>}, {pipeline_mode = #tpu.pipeline_mode<synchronous>, transform_indices = @transform_5, window_bounds = array<i64: 1, 512>}, {pipeline_mode = #tpu.pipeline_mode<synchronous>, transform_indices = @transform_6, window_bounds = array<i64: 1, 512>}, {transform_indices = @transform_7, window_bounds = array<i64: 1000, 512>}, {transform_indices = @transform_8, window_bounds = array<i64: 4, 1000, 128>}]} {
    %get3A = arith.constant 0 : index
    %get3A_0 = arith.constant 0 : index
    %get3A_1 = arith.constant 0 : index
    %get3A_2 = vector.load %arg1[%get3A, %get3A_0, %get3A_1] : memref<4x1000x128xf32, #tpu.memory_space<vmem>>, vector<4x1000x128xf32>
    %slice3A = vector.extract_strided_slice %get3A_2 {offsets = [0, 0, 0], sizes = [1, 1000, 128], strides = [1, 1, 1]} : vector<4x1000x128xf32> to vector<1x1000x128xf32>
    %squeeze3A = vector.shape_cast %slice3A : vector<1x1000x128xf32> to vector<1000x128xf32>
    %slice3A_3 = vector.extract_strided_slice %get3A_2 {offsets = [1, 0, 0], sizes = [1, 1000, 128], strides = [1, 1, 1]} : vector<4x1000x128xf32> to vector<1x1000x128xf32>
    %squeeze3A_4 = vector.shape_cast %slice3A_3 : vector<1x1000x128xf32> to vector<1000x128xf32>
    %slice3A_5 = vector.extract_strided_slice %get3A_2 {offsets = [2, 0, 0], sizes = [1, 1000, 128], strides = [1, 1, 1]} : vector<4x1000x128xf32> to vector<1x1000x128xf32>
    %squeeze3A_6 = vector.shape_cast %slice3A_5 : vector<1x1000x128xf32> to vector<1000x128xf32>
    %slice3A_7 = vector.extract_strided_slice %get3A_2 {offsets = [3, 0, 0], sizes = [1, 1000, 128], strides = [1, 1, 1]} : vector<4x1000x128xf32> to vector<1x1000x128xf32>
    %squeeze3A_8 = vector.shape_cast %slice3A_7 : vector<1x1000x128xf32> to vector<1000x128xf32>
    %concatenate3A = tpu.concatenate %squeeze3A, %squeeze3A_4, %squeeze3A_6, %squeeze3A_8 in 1 : vector<1000x128xf32>, vector<1000x128xf32>, vector<1000x128xf32>, vector<1000x128xf32> -> vector<1000x512xf32>
    %get3A_9 = arith.constant 0 : index
    %get3A_10 = arith.constant 0 : index
    %get3A_11 = vector.load %arg3[%get3A_9, %get3A_10] : memref<1000x1xf32, #tpu.memory_space<vmem>>, vector<1000x1xf32>
    %get3A_12 = arith.constant 0 : index
    %get3A_13 = arith.constant 0 : index
    %get3A_14 = vector.load %arg2[%get3A_12, %get3A_13] : memref<1000x512xf32, #tpu.memory_space<vmem>>, vector<1000x512xf32>
    %mul3A = vector.broadcast %get3A_11 : vector<1000x1xf32> to vector<1000x512xf32>
    %mul3A_15 = arith.mulf %mul3A, %concatenate3A : vector<1000x512xf32>
    %mul3A_16 = arith.mulf %get3A_11, %get3A_11 : vector<1000x1xf32>
    %mul3A_17 = vector.broadcast %mul3A_16 : vector<1000x1xf32> to vector<1000x512xf32>
    %mul3A_18 = arith.mulf %mul3A_17, %get3A_14 : vector<1000x512xf32>
    %add3A = arith.addf %mul3A_15, %mul3A_18 : vector<1000x512xf32>
    %get3A_19 = arith.constant 0 : index
    %get3A_20 = arith.constant 0 : index
    %get3A_21 = vector.load %arg4[%get3A_19, %get3A_20] : memref<512x512xf32, #tpu.memory_space<vmem>>, vector<512x512xf32>
    %dot_general3A = arith.constant dense<0.000000e+00> : vector<1000x512xf32>
    %dot_general3A_22 = tpu.matmul %add3A, %get3A_21, %dot_general3A {dimension_numbers = #tpu.dot_dimension_numbers<[1], [1], [0], [0], [0, 0, 1, 0], [], []>, transpose_lhs_hint = false} : vector<1000x512xf32>, vector<512x512xf32>, vector<1000x512xf32> -> vector<1000x512xf32>
    %get3A_23 = arith.constant 0 : index
    %get3A_24 = arith.constant 0 : index
    %get3A_25 = vector.load %arg5[%get3A_23, %get3A_24] : memref<1x512xf32, #tpu.memory_space<vmem>>, vector<1x512xf32>
    %add3A_26 = vector.broadcast %get3A_25 : vector<1x512xf32> to vector<1000x512xf32>
    %add3A_27 = arith.addf %dot_general3A_22, %add3A_26 : vector<1000x512xf32>
    %reduce_sum3A = arith.constant dense<0.000000e+00> : vector<1000xf32>
    %reduce_sum3A_28 = vector.multi_reduction <add>, %add3A_27, %reduce_sum3A [1] : vector<1000x512xf32> to vector<1000xf32>
    %broadcast_in_dim3A = vector.shape_cast %reduce_sum3A_28 : vector<1000xf32> to vector<1000x1xf32>
    %div3A = arith.constant 5.120000e+02 : f32
    %div3A_29 = vector.broadcast %div3A : f32 to vector<1000x1xf32>
    %div3A_30 = arith.divf %broadcast_in_dim3A, %div3A_29 : vector<1000x1xf32>
    %sub3A = vector.broadcast %div3A_30 : vector<1000x1xf32> to vector<1000x512xf32>
    %sub3A_31 = arith.subf %add3A_27, %sub3A : vector<1000x512xf32>
    %mul3A_32 = arith.mulf %sub3A_31, %sub3A_31 : vector<1000x512xf32>
    %reduce_sum3A_33 = arith.constant dense<0.000000e+00> : vector<1000xf32>
    %reduce_sum3A_34 = vector.multi_reduction <add>, %mul3A_32, %reduce_sum3A_33 [1] : vector<1000x512xf32> to vector<1000xf32>
    %broadcast_in_dim3A_35 = vector.shape_cast %reduce_sum3A_34 : vector<1000xf32> to vector<1000x1xf32>
    %div3A_36 = arith.constant 5.120000e+02 : f32
    %div3A_37 = vector.broadcast %div3A_36 : f32 to vector<1000x1xf32>
    %div3A_38 = arith.divf %broadcast_in_dim3A_35, %div3A_37 : vector<1000x1xf32>
    %add3A_39 = arith.constant 9.99999974E-6 : f32
    %add3A_40 = vector.broadcast %add3A_39 : f32 to vector<1000x1xf32>
    %add3A_41 = arith.addf %div3A_38, %add3A_40 : vector<1000x1xf32>
    %rsqrt3A = math.rsqrt %add3A_41 : vector<1000x1xf32>
    %mul3A_42 = vector.broadcast %rsqrt3A : vector<1000x1xf32> to vector<1000x512xf32>
    %mul3A_43 = arith.mulf %sub3A_31, %mul3A_42 : vector<1000x512xf32>
    %get3A_44 = arith.constant 0 : index
    %get3A_45 = arith.constant 0 : index
    %get3A_46 = vector.load %arg6[%get3A_44, %get3A_45] : memref<1x512xf32, #tpu.memory_space<vmem>>, vector<1x512xf32>
    %mul3A_47 = vector.broadcast %get3A_46 : vector<1x512xf32> to vector<1000x512xf32>
    %mul3A_48 = arith.mulf %mul3A_43, %mul3A_47 : vector<1000x512xf32>
    %get3A_49 = arith.constant 0 : index
    %get3A_50 = arith.constant 0 : index
    %get3A_51 = vector.load %arg7[%get3A_49, %get3A_50] : memref<1x512xf32, #tpu.memory_space<vmem>>, vector<1x512xf32>
    %add3A_52 = vector.broadcast %get3A_51 : vector<1x512xf32> to vector<1000x512xf32>
    %add3A_53 = arith.addf %mul3A_48, %add3A_52 : vector<1000x512xf32>
    %mul3A_54 = arith.constant 5.000000e-01 : f32
    %mul3A_55 = vector.broadcast %mul3A_54 : f32 to vector<1000x512xf32>
    %mul3A_56 = arith.mulf %mul3A_55, %add3A_53 : vector<1000x512xf32>
    %mul3A_57 = arith.constant 0.707106769 : f32
    %mul3A_58 = vector.broadcast %mul3A_57 : f32 to vector<1000x512xf32>
    %mul3A_59 = arith.mulf %add3A_53, %mul3A_58 : vector<1000x512xf32>
    %erf3A = math.erf %mul3A_59 : vector<1000x512xf32>
    %add3A_60 = arith.constant 1.000000e+00 : f32
    %add3A_61 = vector.broadcast %add3A_60 : f32 to vector<1000x512xf32>
    %add3A_62 = arith.addf %add3A_61, %erf3A : vector<1000x512xf32>
    %mul3A_63 = arith.mulf %mul3A_56, %add3A_62 : vector<1000x512xf32>
    %add3A_64 = arith.addf %mul3A_63, %get3A_14 : vector<1000x512xf32>
    %swap3A = arith.constant 0 : index
    %swap3A_65 = arith.constant 0 : index
    %swap3A_66 = vector.load %arg8[%swap3A, %swap3A_65] : memref<1000x512xf32, #tpu.memory_space<vmem>>, vector<1000x512xf32>
    tpu.vector_store %arg8[%swap3A, %swap3A_65], %add3A_64 {strides = array<i32>} : memref<1000x512xf32, #tpu.memory_space<vmem>>, vector<1000x512xf32>,
    %mul3A_67 = vector.broadcast %get3A_11 : vector<1000x1xf32> to vector<1000x512xf32>
    %mul3A_68 = arith.mulf %add3A_64, %mul3A_67 : vector<1000x512xf32>
    %slice3A_69 = vector.extract_strided_slice %mul3A_68 {offsets = [0, 0], sizes = [1000, 128], strides = [1, 1]} : vector<1000x512xf32> to vector<1000x128xf32>
    %swap3A_70 = arith.constant 0 : index
    %swap3A_71 = arith.constant 0 : index
    %swap3A_72 = arith.constant 0 : index
    %swap3A_73 = vector.load %arg9[%swap3A_70, %swap3A_71, %swap3A_72] : memref<4x1000x128xf32, #tpu.memory_space<vmem>>, vector<1x1000x128xf32>
    %swap3A_74 = vector.shape_cast %swap3A_73 : vector<1x1000x128xf32> to vector<1000x128xf32>
    %swap3A_75 = vector.shape_cast %slice3A_69 : vector<1000x128xf32> to vector<1x1000x128xf32>
    tpu.vector_store %arg9[%swap3A_70, %swap3A_71, %swap3A_72], %swap3A_75 {strides = array<i32>} : memref<4x1000x128xf32, #tpu.memory_space<vmem>>, vector<1x1000x128xf32>,
    %slice3A_76 = vector.extract_strided_slice %mul3A_68 {offsets = [0, 128], sizes = [1000, 128], strides = [1, 1]} : vector<1000x512xf32> to vector<1000x128xf32>
    %swap3A_77 = arith.constant 1 : index
    %swap3A_78 = arith.constant 0 : index
    %swap3A_79 = arith.constant 0 : index
    %swap3A_80 = vector.load %arg9[%swap3A_77, %swap3A_78, %swap3A_79] : memref<4x1000x128xf32, #tpu.memory_space<vmem>>, vector<1x1000x128xf32>
    %swap3A_81 = vector.shape_cast %swap3A_80 : vector<1x1000x128xf32> to vector<1000x128xf32>
    %swap3A_82 = vector.shape_cast %slice3A_76 : vector<1000x128xf32> to vector<1x1000x128xf32>
    tpu.vector_store %arg9[%swap3A_77, %swap3A_78, %swap3A_79], %swap3A_82 {strides = array<i32>} : memref<4x1000x128xf32, #tpu.memory_space<vmem>>, vector<1x1000x128xf32>,
    %slice3A_83 = vector.extract_strided_slice %mul3A_68 {offsets = [0, 256], sizes = [1000, 128], strides = [1, 1]} : vector<1000x512xf32> to vector<1000x128xf32>
    %swap3A_84 = arith.constant 2 : index
    %swap3A_85 = arith.constant 0 : index
    %swap3A_86 = arith.constant 0 : index
    %swap3A_87 = vector.load %arg9[%swap3A_84, %swap3A_85, %swap3A_86] : memref<4x1000x128xf32, #tpu.memory_space<vmem>>, vector<1x1000x128xf32>
    %swap3A_88 = vector.shape_cast %swap3A_87 : vector<1x1000x128xf32> to vector<1000x128xf32>
    %swap3A_89 = vector.shape_cast %slice3A_83 : vector<1000x128xf32> to vector<1x1000x128xf32>
    tpu.vector_store %arg9[%swap3A_84, %swap3A_85, %swap3A_86], %swap3A_89 {strides = array<i32>} : memref<4x1000x128xf32, #tpu.memory_space<vmem>>, vector<1x1000x128xf32>,
    %slice3A_90 = vector.extract_strided_slice %mul3A_68 {offsets = [0, 384], sizes = [1000, 128], strides = [1, 1]} : vector<1000x512xf32> to vector<1000x128xf32>
    %swap3A_91 = arith.constant 3 : index
    %swap3A_92 = arith.constant 0 : index
    %swap3A_93 = arith.constant 0 : index
    %swap3A_94 = vector.load %arg9[%swap3A_91, %swap3A_92, %swap3A_93] : memref<4x1000x128xf32, #tpu.memory_space<vmem>>, vector<1x1000x128xf32>
    %swap3A_95 = vector.shape_cast %swap3A_94 : vector<1x1000x128xf32> to vector<1000x128xf32>
    %swap3A_96 = vector.shape_cast %slice3A_90 : vector<1000x128xf32> to vector<1x1000x128xf32>
    tpu.vector_store %arg9[%swap3A_91, %swap3A_92, %swap3A_93], %swap3A_96 {strides = array<i32>} : memref<4x1000x128xf32, #tpu.memory_space<vmem>>, vector<1x1000x128xf32>,
    return
  }
  func.func @transform_0(%arg0: i32) -> (i32, i32, i32) {
    %c0_i32 = arith.constant 0 : i32
    %c0_i32_0 = arith.constant 0 : i32
    %c0_i32_1 = arith.constant 0 : i32
    return %c0_i32, %arg0, %c0_i32_0 : i32, i32, i32
  }
  func.func @transform_1(%arg0: i32) -> (i32, i32) {
    %c0_i32 = arith.constant 0 : i32
    %c0_i32_0 = arith.constant 0 : i32
    return %arg0, %c0_i32 : i32, i32
  }
  func.func @transform_2(%arg0: i32) -> (i32, i32) {
    %c0_i32 = arith.constant 0 : i32
    %c0_i32_0 = arith.constant 0 : i32
    return %arg0, %c0_i32 : i32, i32
  }
  func.func @transform_3(%arg0: i32) -> (i32, i32) {
    %c0_i32 = arith.constant 0 : i32
    %c0_i32_0 = arith.constant 0 : i32
    %c0_i32_1 = arith.constant 0 : i32
    return %c0_i32, %c0_i32_0 : i32, i32
  }
  func.func @transform_4(%arg0: i32) -> (i32, i32) {
    %c0_i32 = arith.constant 0 : i32
    %c0_i32_0 = arith.constant 0 : i32
    %c0_i32_1 = arith.constant 0 : i32
    return %c0_i32, %c0_i32_0 : i32, i32
  }
  func.func @transform_5(%arg0: i32) -> (i32, i32) {
    %c0_i32 = arith.constant 0 : i32
    %c0_i32_0 = arith.constant 0 : i32
    %c0_i32_1 = arith.constant 0 : i32
    return %c0_i32, %c0_i32_0 : i32, i32
  }
  func.func @transform_6(%arg0: i32) -> (i32, i32) {
    %c0_i32 = arith.constant 0 : i32
    %c0_i32_0 = arith.constant 0 : i32
    %c0_i32_1 = arith.constant 0 : i32
    return %c0_i32, %c0_i32_0 : i32, i32
  }
  func.func @transform_7(%arg0: i32) -> (i32, i32) {
    %c0_i32 = arith.constant 0 : i32
    %c0_i32_0 = arith.constant 0 : i32
    return %arg0, %c0_i32 : i32, i32
  }
  func.func @transform_8(%arg0: i32) -> (i32, i32, i32) {
    %c0_i32 = arith.constant 0 : i32
    %c0_i32_0 = arith.constant 0 : i32
    %c0_i32_1 = arith.constant 0 : i32
    return %c0_i32, %arg0, %c0_i32_0 : i32, i32, i32
  }
}

module attributes {stable_mosaic.version = 14 : i64} {
  func.func @body(%arg0: i32, %arg1: memref<2x1000x128xf32, #tpu.memory_space<vmem>>, %arg2: memref<1000x256xf32, #tpu.memory_space<vmem>>, %arg3: memref<1000x1xf32, #tpu.memory_space<vmem>>, %arg4: memref<512x256xf32, #tpu.memory_space<vmem>>, %arg5: memref<1x512xf32, #tpu.memory_space<vmem>>, %arg6: memref<1x512xf32, #tpu.memory_space<vmem>>, %arg7: memref<1x512xf32, #tpu.memory_space<vmem>>, %arg8: memref<1000x512xf32, #tpu.memory_space<vmem>>, %arg9: memref<4x1000x128xf32, #tpu.memory_space<vmem>>) attributes {dimension_semantics = [#tpu.dimension_semantics<arbitrary>], iteration_bounds = array<i64: 10>, scalar_prefetch = 0 : i64, scratch_operands = 0 : i64, tpu.core_type = #tpu.core_type<tc>, window_params = [{transform_indices = @transform_0, window_bounds = array<i64: 2, 1000, 128>}, {transform_indices = @transform_1, window_bounds = array<i64: 1000, 256>}, {transform_indices = @transform_2, window_bounds = array<i64: 1000, 1>}, {pipeline_mode = #tpu.pipeline_mode<synchronous>, transform_indices = @transform_3, window_bounds = array<i64: 512, 256>}, {pipeline_mode = #tpu.pipeline_mode<synchronous>, transform_indices = @transform_4, window_bounds = array<i64: 1, 512>}, {pipeline_mode = #tpu.pipeline_mode<synchronous>, transform_indices = @transform_5, window_bounds = array<i64: 1, 512>}, {pipeline_mode = #tpu.pipeline_mode<synchronous>, transform_indices = @transform_6, window_bounds = array<i64: 1, 512>}, {transform_indices = @transform_7, window_bounds = array<i64: 1000, 512>}, {transform_indices = @transform_8, window_bounds = array<i64: 4, 1000, 128>}]} {
    %get3A = arith.constant 0 : index
    %get3A_0 = arith.constant 0 : index
    %get3A_1 = arith.constant 0 : index
    %get3A_2 = vector.load %arg1[%get3A, %get3A_0, %get3A_1] : memref<2x1000x128xf32, #tpu.memory_space<vmem>>, vector<2x1000x128xf32>
    %slice3A = vector.extract_strided_slice %get3A_2 {offsets = [0, 0, 0], sizes = [1, 1000, 128], strides = [1, 1, 1]} : vector<2x1000x128xf32> to vector<1x1000x128xf32>
    %squeeze3A = vector.shape_cast %slice3A : vector<1x1000x128xf32> to vector<1000x128xf32>
    %slice3A_3 = vector.extract_strided_slice %get3A_2 {offsets = [1, 0, 0], sizes = [1, 1000, 128], strides = [1, 1, 1]} : vector<2x1000x128xf32> to vector<1x1000x128xf32>
    %squeeze3A_4 = vector.shape_cast %slice3A_3 : vector<1x1000x128xf32> to vector<1000x128xf32>
    %concatenate3A = tpu.concatenate %squeeze3A, %squeeze3A_4 in 1 : vector<1000x128xf32>, vector<1000x128xf32> -> vector<1000x256xf32>
    %get3A_5 = arith.constant 0 : index
    %get3A_6 = arith.constant 0 : index
    %get3A_7 = vector.load %arg3[%get3A_5, %get3A_6] : memref<1000x1xf32, #tpu.memory_space<vmem>>, vector<1000x1xf32>
    %get3A_8 = arith.constant 0 : index
    %get3A_9 = arith.constant 0 : index
    %get3A_10 = vector.load %arg2[%get3A_8, %get3A_9] : memref<1000x256xf32, #tpu.memory_space<vmem>>, vector<1000x256xf32>
    %mul3A = vector.broadcast %get3A_7 : vector<1000x1xf32> to vector<1000x256xf32>
    %mul3A_11 = arith.mulf %mul3A, %concatenate3A : vector<1000x256xf32>
    %mul3A_12 = arith.mulf %get3A_7, %get3A_7 : vector<1000x1xf32>
    %mul3A_13 = vector.broadcast %mul3A_12 : vector<1000x1xf32> to vector<1000x256xf32>
    %mul3A_14 = arith.mulf %mul3A_13, %get3A_10 : vector<1000x256xf32>
    %add3A = arith.addf %mul3A_11, %mul3A_14 : vector<1000x256xf32>
    %get3A_15 = arith.constant 0 : index
    %get3A_16 = arith.constant 0 : index
    %get3A_17 = vector.load %arg4[%get3A_15, %get3A_16] : memref<512x256xf32, #tpu.memory_space<vmem>>, vector<512x256xf32>
    %dot_general3A = arith.constant dense<0.000000e+00> : vector<1000x512xf32>
    %dot_general3A_18 = tpu.matmul %add3A, %get3A_17, %dot_general3A {dimension_numbers = #tpu.dot_dimension_numbers<[1], [1], [0], [0], [0, 0, 1, 0], [], []>, transpose_lhs_hint = false} : vector<1000x256xf32>, vector<512x256xf32>, vector<1000x512xf32> -> vector<1000x512xf32>
    %get3A_19 = arith.constant 0 : index
    %get3A_20 = arith.constant 0 : index
    %get3A_21 = vector.load %arg5[%get3A_19, %get3A_20] : memref<1x512xf32, #tpu.memory_space<vmem>>, vector<1x512xf32>
    %add3A_22 = vector.broadcast %get3A_21 : vector<1x512xf32> to vector<1000x512xf32>
    %add3A_23 = arith.addf %dot_general3A_18, %add3A_22 : vector<1000x512xf32>
    %reduce_sum3A = arith.constant dense<0.000000e+00> : vector<1000xf32>
    %reduce_sum3A_24 = vector.multi_reduction <add>, %add3A_23, %reduce_sum3A [1] : vector<1000x512xf32> to vector<1000xf32>
    %broadcast_in_dim3A = vector.shape_cast %reduce_sum3A_24 : vector<1000xf32> to vector<1000x1xf32>
    %div3A = arith.constant 5.120000e+02 : f32
    %div3A_25 = vector.broadcast %div3A : f32 to vector<1000x1xf32>
    %div3A_26 = arith.divf %broadcast_in_dim3A, %div3A_25 : vector<1000x1xf32>
    %sub3A = vector.broadcast %div3A_26 : vector<1000x1xf32> to vector<1000x512xf32>
    %sub3A_27 = arith.subf %add3A_23, %sub3A : vector<1000x512xf32>
    %mul3A_28 = arith.mulf %sub3A_27, %sub3A_27 : vector<1000x512xf32>
    %reduce_sum3A_29 = arith.constant dense<0.000000e+00> : vector<1000xf32>
    %reduce_sum3A_30 = vector.multi_reduction <add>, %mul3A_28, %reduce_sum3A_29 [1] : vector<1000x512xf32> to vector<1000xf32>
    %broadcast_in_dim3A_31 = vector.shape_cast %reduce_sum3A_30 : vector<1000xf32> to vector<1000x1xf32>
    %div3A_32 = arith.constant 5.120000e+02 : f32
    %div3A_33 = vector.broadcast %div3A_32 : f32 to vector<1000x1xf32>
    %div3A_34 = arith.divf %broadcast_in_dim3A_31, %div3A_33 : vector<1000x1xf32>
    %add3A_35 = arith.constant 9.99999974E-6 : f32
    %add3A_36 = vector.broadcast %add3A_35 : f32 to vector<1000x1xf32>
    %add3A_37 = arith.addf %div3A_34, %add3A_36 : vector<1000x1xf32>
    %rsqrt3A = math.rsqrt %add3A_37 : vector<1000x1xf32>
    %mul3A_38 = vector.broadcast %rsqrt3A : vector<1000x1xf32> to vector<1000x512xf32>
    %mul3A_39 = arith.mulf %sub3A_27, %mul3A_38 : vector<1000x512xf32>
    %get3A_40 = arith.constant 0 : index
    %get3A_41 = arith.constant 0 : index
    %get3A_42 = vector.load %arg6[%get3A_40, %get3A_41] : memref<1x512xf32, #tpu.memory_space<vmem>>, vector<1x512xf32>
    %mul3A_43 = vector.broadcast %get3A_42 : vector<1x512xf32> to vector<1000x512xf32>
    %mul3A_44 = arith.mulf %mul3A_39, %mul3A_43 : vector<1000x512xf32>
    %get3A_45 = arith.constant 0 : index
    %get3A_46 = arith.constant 0 : index
    %get3A_47 = vector.load %arg7[%get3A_45, %get3A_46] : memref<1x512xf32, #tpu.memory_space<vmem>>, vector<1x512xf32>
    %add3A_48 = vector.broadcast %get3A_47 : vector<1x512xf32> to vector<1000x512xf32>
    %add3A_49 = arith.addf %mul3A_44, %add3A_48 : vector<1000x512xf32>
    %mul3A_50 = arith.constant 5.000000e-01 : f32
    %mul3A_51 = vector.broadcast %mul3A_50 : f32 to vector<1000x512xf32>
    %mul3A_52 = arith.mulf %mul3A_51, %add3A_49 : vector<1000x512xf32>
    %mul3A_53 = arith.constant 0.707106769 : f32
    %mul3A_54 = vector.broadcast %mul3A_53 : f32 to vector<1000x512xf32>
    %mul3A_55 = arith.mulf %add3A_49, %mul3A_54 : vector<1000x512xf32>
    %erf3A = math.erf %mul3A_55 : vector<1000x512xf32>
    %add3A_56 = arith.constant 1.000000e+00 : f32
    %add3A_57 = vector.broadcast %add3A_56 : f32 to vector<1000x512xf32>
    %add3A_58 = arith.addf %add3A_57, %erf3A : vector<1000x512xf32>
    %mul3A_59 = arith.mulf %mul3A_52, %add3A_58 : vector<1000x512xf32>
    %swap3A = arith.constant 0 : index
    %swap3A_60 = arith.constant 0 : index
    %swap3A_61 = vector.load %arg8[%swap3A, %swap3A_60] : memref<1000x512xf32, #tpu.memory_space<vmem>>, vector<1000x512xf32>
    tpu.vector_store %arg8[%swap3A, %swap3A_60], %mul3A_59 {strides = array<i32>} : memref<1000x512xf32, #tpu.memory_space<vmem>>, vector<1000x512xf32>,
    %mul3A_62 = vector.broadcast %get3A_7 : vector<1000x1xf32> to vector<1000x512xf32>
    %mul3A_63 = arith.mulf %mul3A_59, %mul3A_62 : vector<1000x512xf32>
    %slice3A_64 = vector.extract_strided_slice %mul3A_63 {offsets = [0, 0], sizes = [1000, 128], strides = [1, 1]} : vector<1000x512xf32> to vector<1000x128xf32>
    %swap3A_65 = arith.constant 0 : index
    %swap3A_66 = arith.constant 0 : index
    %swap3A_67 = arith.constant 0 : index
    %swap3A_68 = vector.load %arg9[%swap3A_65, %swap3A_66, %swap3A_67] : memref<4x1000x128xf32, #tpu.memory_space<vmem>>, vector<1x1000x128xf32>
    %swap3A_69 = vector.shape_cast %swap3A_68 : vector<1x1000x128xf32> to vector<1000x128xf32>
    %swap3A_70 = vector.shape_cast %slice3A_64 : vector<1000x128xf32> to vector<1x1000x128xf32>
    tpu.vector_store %arg9[%swap3A_65, %swap3A_66, %swap3A_67], %swap3A_70 {strides = array<i32>} : memref<4x1000x128xf32, #tpu.memory_space<vmem>>, vector<1x1000x128xf32>,
    %slice3A_71 = vector.extract_strided_slice %mul3A_63 {offsets = [0, 128], sizes = [1000, 128], strides = [1, 1]} : vector<1000x512xf32> to vector<1000x128xf32>
    %swap3A_72 = arith.constant 1 : index
    %swap3A_73 = arith.constant 0 : index
    %swap3A_74 = arith.constant 0 : index
    %swap3A_75 = vector.load %arg9[%swap3A_72, %swap3A_73, %swap3A_74] : memref<4x1000x128xf32, #tpu.memory_space<vmem>>, vector<1x1000x128xf32>
    %swap3A_76 = vector.shape_cast %swap3A_75 : vector<1x1000x128xf32> to vector<1000x128xf32>
    %swap3A_77 = vector.shape_cast %slice3A_71 : vector<1000x128xf32> to vector<1x1000x128xf32>
    tpu.vector_store %arg9[%swap3A_72, %swap3A_73, %swap3A_74], %swap3A_77 {strides = array<i32>} : memref<4x1000x128xf32, #tpu.memory_space<vmem>>, vector<1x1000x128xf32>,
    %slice3A_78 = vector.extract_strided_slice %mul3A_63 {offsets = [0, 256], sizes = [1000, 128], strides = [1, 1]} : vector<1000x512xf32> to vector<1000x128xf32>
    %swap3A_79 = arith.constant 2 : index
    %swap3A_80 = arith.constant 0 : index
    %swap3A_81 = arith.constant 0 : index
    %swap3A_82 = vector.load %arg9[%swap3A_79, %swap3A_80, %swap3A_81] : memref<4x1000x128xf32, #tpu.memory_space<vmem>>, vector<1x1000x128xf32>
    %swap3A_83 = vector.shape_cast %swap3A_82 : vector<1x1000x128xf32> to vector<1000x128xf32>
    %swap3A_84 = vector.shape_cast %slice3A_78 : vector<1000x128xf32> to vector<1x1000x128xf32>
    tpu.vector_store %arg9[%swap3A_79, %swap3A_80, %swap3A_81], %swap3A_84 {strides = array<i32>} : memref<4x1000x128xf32, #tpu.memory_space<vmem>>, vector<1x1000x128xf32>,
    %slice3A_85 = vector.extract_strided_slice %mul3A_63 {offsets = [0, 384], sizes = [1000, 128], strides = [1, 1]} : vector<1000x512xf32> to vector<1000x128xf32>
    %swap3A_86 = arith.constant 3 : index
    %swap3A_87 = arith.constant 0 : index
    %swap3A_88 = arith.constant 0 : index
    %swap3A_89 = vector.load %arg9[%swap3A_86, %swap3A_87, %swap3A_88] : memref<4x1000x128xf32, #tpu.memory_space<vmem>>, vector<1x1000x128xf32>
    %swap3A_90 = vector.shape_cast %swap3A_89 : vector<1x1000x128xf32> to vector<1000x128xf32>
    %swap3A_91 = vector.shape_cast %slice3A_85 : vector<1000x128xf32> to vector<1x1000x128xf32>
    tpu.vector_store %arg9[%swap3A_86, %swap3A_87, %swap3A_88], %swap3A_91 {strides = array<i32>} : memref<4x1000x128xf32, #tpu.memory_space<vmem>>, vector<1x1000x128xf32>,
    return
  }
  func.func @transform_0(%arg0: i32) -> (i32, i32, i32) {
    %c0_i32 = arith.constant 0 : i32
    %c0_i32_0 = arith.constant 0 : i32
    %c0_i32_1 = arith.constant 0 : i32
    return %c0_i32, %arg0, %c0_i32_0 : i32, i32, i32
  }
  func.func @transform_1(%arg0: i32) -> (i32, i32) {
    %c0_i32 = arith.constant 0 : i32
    %c0_i32_0 = arith.constant 0 : i32
    return %arg0, %c0_i32 : i32, i32
  }
  func.func @transform_2(%arg0: i32) -> (i32, i32) {
    %c0_i32 = arith.constant 0 : i32
    %c0_i32_0 = arith.constant 0 : i32
    return %arg0, %c0_i32 : i32, i32
  }
  func.func @transform_3(%arg0: i32) -> (i32, i32) {
    %c0_i32 = arith.constant 0 : i32
    %c0_i32_0 = arith.constant 0 : i32
    %c0_i32_1 = arith.constant 0 : i32
    return %c0_i32, %c0_i32_0 : i32, i32
  }
  func.func @transform_4(%arg0: i32) -> (i32, i32) {
    %c0_i32 = arith.constant 0 : i32
    %c0_i32_0 = arith.constant 0 : i32
    %c0_i32_1 = arith.constant 0 : i32
    return %c0_i32, %c0_i32_0 : i32, i32
  }
  func.func @transform_5(%arg0: i32) -> (i32, i32) {
    %c0_i32 = arith.constant 0 : i32
    %c0_i32_0 = arith.constant 0 : i32
    %c0_i32_1 = arith.constant 0 : i32
    return %c0_i32, %c0_i32_0 : i32, i32
  }
  func.func @transform_6(%arg0: i32) -> (i32, i32) {
    %c0_i32 = arith.constant 0 : i32
    %c0_i32_0 = arith.constant 0 : i32
    %c0_i32_1 = arith.constant 0 : i32
    return %c0_i32, %c0_i32_0 : i32, i32
  }
  func.func @transform_7(%arg0: i32) -> (i32, i32) {
    %c0_i32 = arith.constant 0 : i32
    %c0_i32_0 = arith.constant 0 : i32
    return %arg0, %c0_i32 : i32, i32
  }
  func.func @transform_8(%arg0: i32) -> (i32, i32, i32) {
    %c0_i32 = arith.constant 0 : i32
    %c0_i32_0 = arith.constant 0 : i32
    %c0_i32_1 = arith.constant 0 : i32
    return %c0_i32, %arg0, %c0_i32_0 : i32, i32, i32
  }
}

module attributes {stable_mosaic.version = 14 : i64} {
  func.func @body(%arg0: i32, %arg1: memref<4x1000x128xf32, #tpu.memory_space<vmem>>, %arg2: memref<1000x512xf32, #tpu.memory_space<vmem>>, %arg3: memref<1000x1xf32, #tpu.memory_space<vmem>>, %arg4: memref<512x512xf32, #tpu.memory_space<vmem>>, %arg5: memref<1x512xf32, #tpu.memory_space<vmem>>, %arg6: memref<1x512xf32, #tpu.memory_space<vmem>>, %arg7: memref<1x512xf32, #tpu.memory_space<vmem>>, %arg8: memref<1000x512xf32, #tpu.memory_space<vmem>>, %arg9: memref<4x1000x128xf32, #tpu.memory_space<vmem>>) attributes {dimension_semantics = [#tpu.dimension_semantics<arbitrary>], iteration_bounds = array<i64: 10>, scalar_prefetch = 0 : i64, scratch_operands = 0 : i64, tpu.core_type = #tpu.core_type<tc>, window_params = [{transform_indices = @transform_0, window_bounds = array<i64: 4, 1000, 128>}, {transform_indices = @transform_1, window_bounds = array<i64: 1000, 512>}, {transform_indices = @transform_2, window_bounds = array<i64: 1000, 1>}, {pipeline_mode = #tpu.pipeline_mode<synchronous>, transform_indices = @transform_3, window_bounds = array<i64: 512, 512>}, {pipeline_mode = #tpu.pipeline_mode<synchronous>, transform_indices = @transform_4, window_bounds = array<i64: 1, 512>}, {pipeline_mode = #tpu.pipeline_mode<synchronous>, transform_indices = @transform_5, window_bounds = array<i64: 1, 512>}, {pipeline_mode = #tpu.pipeline_mode<synchronous>, transform_indices = @transform_6, window_bounds = array<i64: 1, 512>}, {transform_indices = @transform_7, window_bounds = array<i64: 1000, 512>}, {transform_indices = @transform_8, window_bounds = array<i64: 4, 1000, 128>}]} {
    %get3A = arith.constant 0 : index
    %get3A_0 = arith.constant 0 : index
    %get3A_1 = arith.constant 0 : index
    %get3A_2 = vector.load %arg1[%get3A, %get3A_0, %get3A_1] : memref<4x1000x128xf32, #tpu.memory_space<vmem>>, vector<4x1000x128xf32>
    %slice3A = vector.extract_strided_slice %get3A_2 {offsets = [0, 0, 0], sizes = [1, 1000, 128], strides = [1, 1, 1]} : vector<4x1000x128xf32> to vector<1x1000x128xf32>
    %squeeze3A = vector.shape_cast %slice3A : vector<1x1000x128xf32> to vector<1000x128xf32>
    %slice3A_3 = vector.extract_strided_slice %get3A_2 {offsets = [1, 0, 0], sizes = [1, 1000, 128], strides = [1, 1, 1]} : vector<4x1000x128xf32> to vector<1x1000x128xf32>
    %squeeze3A_4 = vector.shape_cast %slice3A_3 : vector<1x1000x128xf32> to vector<1000x128xf32>
    %slice3A_5 = vector.extract_strided_slice %get3A_2 {offsets = [2, 0, 0], sizes = [1, 1000, 128], strides = [1, 1, 1]} : vector<4x1000x128xf32> to vector<1x1000x128xf32>
    %squeeze3A_6 = vector.shape_cast %slice3A_5 : vector<1x1000x128xf32> to vector<1000x128xf32>
    %slice3A_7 = vector.extract_strided_slice %get3A_2 {offsets = [3, 0, 0], sizes = [1, 1000, 128], strides = [1, 1, 1]} : vector<4x1000x128xf32> to vector<1x1000x128xf32>
    %squeeze3A_8 = vector.shape_cast %slice3A_7 : vector<1x1000x128xf32> to vector<1000x128xf32>
    %concatenate3A = tpu.concatenate %squeeze3A, %squeeze3A_4, %squeeze3A_6, %squeeze3A_8 in 1 : vector<1000x128xf32>, vector<1000x128xf32>, vector<1000x128xf32>, vector<1000x128xf32> -> vector<1000x512xf32>
    %get3A_9 = arith.constant 0 : index
    %get3A_10 = arith.constant 0 : index
    %get3A_11 = vector.load %arg3[%get3A_9, %get3A_10] : memref<1000x1xf32, #tpu.memory_space<vmem>>, vector<1000x1xf32>
    %get3A_12 = arith.constant 0 : index
    %get3A_13 = arith.constant 0 : index
    %get3A_14 = vector.load %arg2[%get3A_12, %get3A_13] : memref<1000x512xf32, #tpu.memory_space<vmem>>, vector<1000x512xf32>
    %mul3A = vector.broadcast %get3A_11 : vector<1000x1xf32> to vector<1000x512xf32>
    %mul3A_15 = arith.mulf %mul3A, %concatenate3A : vector<1000x512xf32>
    %mul3A_16 = arith.mulf %get3A_11, %get3A_11 : vector<1000x1xf32>
    %mul3A_17 = vector.broadcast %mul3A_16 : vector<1000x1xf32> to vector<1000x512xf32>
    %mul3A_18 = arith.mulf %mul3A_17, %get3A_14 : vector<1000x512xf32>
    %add3A = arith.addf %mul3A_15, %mul3A_18 : vector<1000x512xf32>
    %get3A_19 = arith.constant 0 : index
    %get3A_20 = arith.constant 0 : index
    %get3A_21 = vector.load %arg4[%get3A_19, %get3A_20] : memref<512x512xf32, #tpu.memory_space<vmem>>, vector<512x512xf32>
    %dot_general3A = arith.constant dense<0.000000e+00> : vector<1000x512xf32>
    %dot_general3A_22 = tpu.matmul %add3A, %get3A_21, %dot_general3A {dimension_numbers = #tpu.dot_dimension_numbers<[1], [1], [0], [0], [0, 0, 1, 0], [], []>, transpose_lhs_hint = false} : vector<1000x512xf32>, vector<512x512xf32>, vector<1000x512xf32> -> vector<1000x512xf32>
    %get3A_23 = arith.constant 0 : index
    %get3A_24 = arith.constant 0 : index
    %get3A_25 = vector.load %arg5[%get3A_23, %get3A_24] : memref<1x512xf32, #tpu.memory_space<vmem>>, vector<1x512xf32>
    %add3A_26 = vector.broadcast %get3A_25 : vector<1x512xf32> to vector<1000x512xf32>
    %add3A_27 = arith.addf %dot_general3A_22, %add3A_26 : vector<1000x512xf32>
    %reduce_sum3A = arith.constant dense<0.000000e+00> : vector<1000xf32>
    %reduce_sum3A_28 = vector.multi_reduction <add>, %add3A_27, %reduce_sum3A [1] : vector<1000x512xf32> to vector<1000xf32>
    %broadcast_in_dim3A = vector.shape_cast %reduce_sum3A_28 : vector<1000xf32> to vector<1000x1xf32>
    %div3A = arith.constant 5.120000e+02 : f32
    %div3A_29 = vector.broadcast %div3A : f32 to vector<1000x1xf32>
    %div3A_30 = arith.divf %broadcast_in_dim3A, %div3A_29 : vector<1000x1xf32>
    %sub3A = vector.broadcast %div3A_30 : vector<1000x1xf32> to vector<1000x512xf32>
    %sub3A_31 = arith.subf %add3A_27, %sub3A : vector<1000x512xf32>
    %mul3A_32 = arith.mulf %sub3A_31, %sub3A_31 : vector<1000x512xf32>
    %reduce_sum3A_33 = arith.constant dense<0.000000e+00> : vector<1000xf32>
    %reduce_sum3A_34 = vector.multi_reduction <add>, %mul3A_32, %reduce_sum3A_33 [1] : vector<1000x512xf32> to vector<1000xf32>
    %broadcast_in_dim3A_35 = vector.shape_cast %reduce_sum3A_34 : vector<1000xf32> to vector<1000x1xf32>
    %div3A_36 = arith.constant 5.120000e+02 : f32
    %div3A_37 = vector.broadcast %div3A_36 : f32 to vector<1000x1xf32>
    %div3A_38 = arith.divf %broadcast_in_dim3A_35, %div3A_37 : vector<1000x1xf32>
    %add3A_39 = arith.constant 9.99999974E-6 : f32
    %add3A_40 = vector.broadcast %add3A_39 : f32 to vector<1000x1xf32>
    %add3A_41 = arith.addf %div3A_38, %add3A_40 : vector<1000x1xf32>
    %rsqrt3A = math.rsqrt %add3A_41 : vector<1000x1xf32>
    %mul3A_42 = vector.broadcast %rsqrt3A : vector<1000x1xf32> to vector<1000x512xf32>
    %mul3A_43 = arith.mulf %sub3A_31, %mul3A_42 : vector<1000x512xf32>
    %get3A_44 = arith.constant 0 : index
    %get3A_45 = arith.constant 0 : index
    %get3A_46 = vector.load %arg6[%get3A_44, %get3A_45] : memref<1x512xf32, #tpu.memory_space<vmem>>, vector<1x512xf32>
    %mul3A_47 = vector.broadcast %get3A_46 : vector<1x512xf32> to vector<1000x512xf32>
    %mul3A_48 = arith.mulf %mul3A_43, %mul3A_47 : vector<1000x512xf32>
    %get3A_49 = arith.constant 0 : index
    %get3A_50 = arith.constant 0 : index
    %get3A_51 = vector.load %arg7[%get3A_49, %get3A_50] : memref<1x512xf32, #tpu.memory_space<vmem>>, vector<1x512xf32>
    %add3A_52 = vector.broadcast %get3A_51 : vector<1x512xf32> to vector<1000x512xf32>
    %add3A_53 = arith.addf %mul3A_48, %add3A_52 : vector<1000x512xf32>
    %mul3A_54 = arith.constant 5.000000e-01 : f32
    %mul3A_55 = vector.broadcast %mul3A_54 : f32 to vector<1000x512xf32>
    %mul3A_56 = arith.mulf %mul3A_55, %add3A_53 : vector<1000x512xf32>
    %mul3A_57 = arith.constant 0.707106769 : f32
    %mul3A_58 = vector.broadcast %mul3A_57 : f32 to vector<1000x512xf32>
    %mul3A_59 = arith.mulf %add3A_53, %mul3A_58 : vector<1000x512xf32>
    %erf3A = math.erf %mul3A_59 : vector<1000x512xf32>
    %add3A_60 = arith.constant 1.000000e+00 : f32
    %add3A_61 = vector.broadcast %add3A_60 : f32 to vector<1000x512xf32>
    %add3A_62 = arith.addf %add3A_61, %erf3A : vector<1000x512xf32>
    %mul3A_63 = arith.mulf %mul3A_56, %add3A_62 : vector<1000x512xf32>
    %add3A_64 = arith.addf %mul3A_63, %get3A_14 : vector<1000x512xf32>
    %swap3A = arith.constant 0 : index
    %swap3A_65 = arith.constant 0 : index
    %swap3A_66 = vector.load %arg8[%swap3A, %swap3A_65] : memref<1000x512xf32, #tpu.memory_space<vmem>>, vector<1000x512xf32>
    tpu.vector_store %arg8[%swap3A, %swap3A_65], %add3A_64 {strides = array<i32>} : memref<1000x512xf32, #tpu.memory_space<vmem>>, vector<1000x512xf32>,
    %slice3A_67 = vector.extract_strided_slice %add3A_64 {offsets = [0, 0], sizes = [1000, 128], strides = [1, 1]} : vector<1000x512xf32> to vector<1000x128xf32>
    %swap3A_68 = arith.constant 0 : index
    %swap3A_69 = arith.constant 0 : index
    %swap3A_70 = arith.constant 0 : index
    %swap3A_71 = vector.load %arg9[%swap3A_68, %swap3A_69, %swap3A_70] : memref<4x1000x128xf32, #tpu.memory_space<vmem>>, vector<1x1000x128xf32>
    %swap3A_72 = vector.shape_cast %swap3A_71 : vector<1x1000x128xf32> to vector<1000x128xf32>
    %swap3A_73 = vector.shape_cast %slice3A_67 : vector<1000x128xf32> to vector<1x1000x128xf32>
    tpu.vector_store %arg9[%swap3A_68, %swap3A_69, %swap3A_70], %swap3A_73 {strides = array<i32>} : memref<4x1000x128xf32, #tpu.memory_space<vmem>>, vector<1x1000x128xf32>,
    %slice3A_74 = vector.extract_strided_slice %add3A_64 {offsets = [0, 128], sizes = [1000, 128], strides = [1, 1]} : vector<1000x512xf32> to vector<1000x128xf32>
    %swap3A_75 = arith.constant 1 : index
    %swap3A_76 = arith.constant 0 : index
    %swap3A_77 = arith.constant 0 : index
    %swap3A_78 = vector.load %arg9[%swap3A_75, %swap3A_76, %swap3A_77] : memref<4x1000x128xf32, #tpu.memory_space<vmem>>, vector<1x1000x128xf32>
    %swap3A_79 = vector.shape_cast %swap3A_78 : vector<1x1000x128xf32> to vector<1000x128xf32>
    %swap3A_80 = vector.shape_cast %slice3A_74 : vector<1000x128xf32> to vector<1x1000x128xf32>
    tpu.vector_store %arg9[%swap3A_75, %swap3A_76, %swap3A_77], %swap3A_80 {strides = array<i32>} : memref<4x1000x128xf32, #tpu.memory_space<vmem>>, vector<1x1000x128xf32>,
    %slice3A_81 = vector.extract_strided_slice %add3A_64 {offsets = [0, 256], sizes = [1000, 128], strides = [1, 1]} : vector<1000x512xf32> to vector<1000x128xf32>
    %swap3A_82 = arith.constant 2 : index
    %swap3A_83 = arith.constant 0 : index
    %swap3A_84 = arith.constant 0 : index
    %swap3A_85 = vector.load %arg9[%swap3A_82, %swap3A_83, %swap3A_84] : memref<4x1000x128xf32, #tpu.memory_space<vmem>>, vector<1x1000x128xf32>
    %swap3A_86 = vector.shape_cast %swap3A_85 : vector<1x1000x128xf32> to vector<1000x128xf32>
    %swap3A_87 = vector.shape_cast %slice3A_81 : vector<1000x128xf32> to vector<1x1000x128xf32>
    tpu.vector_store %arg9[%swap3A_82, %swap3A_83, %swap3A_84], %swap3A_87 {strides = array<i32>} : memref<4x1000x128xf32, #tpu.memory_space<vmem>>, vector<1x1000x128xf32>,
    %slice3A_88 = vector.extract_strided_slice %add3A_64 {offsets = [0, 384], sizes = [1000, 128], strides = [1, 1]} : vector<1000x512xf32> to vector<1000x128xf32>
    %swap3A_89 = arith.constant 3 : index
    %swap3A_90 = arith.constant 0 : index
    %swap3A_91 = arith.constant 0 : index
    %swap3A_92 = vector.load %arg9[%swap3A_89, %swap3A_90, %swap3A_91] : memref<4x1000x128xf32, #tpu.memory_space<vmem>>, vector<1x1000x128xf32>
    %swap3A_93 = vector.shape_cast %swap3A_92 : vector<1x1000x128xf32> to vector<1000x128xf32>
    %swap3A_94 = vector.shape_cast %slice3A_88 : vector<1000x128xf32> to vector<1x1000x128xf32>
    tpu.vector_store %arg9[%swap3A_89, %swap3A_90, %swap3A_91], %swap3A_94 {strides = array<i32>} : memref<4x1000x128xf32, #tpu.memory_space<vmem>>, vector<1x1000x128xf32>,
    return
  }
  func.func @transform_0(%arg0: i32) -> (i32, i32, i32) {
    %c0_i32 = arith.constant 0 : i32
    %c0_i32_0 = arith.constant 0 : i32
    %c0_i32_1 = arith.constant 0 : i32
    return %c0_i32, %arg0, %c0_i32_0 : i32, i32, i32
  }
  func.func @transform_1(%arg0: i32) -> (i32, i32) {
    %c0_i32 = arith.constant 0 : i32
    %c0_i32_0 = arith.constant 0 : i32
    return %arg0, %c0_i32 : i32, i32
  }
  func.func @transform_2(%arg0: i32) -> (i32, i32) {
    %c0_i32 = arith.constant 0 : i32
    %c0_i32_0 = arith.constant 0 : i32
    return %arg0, %c0_i32 : i32, i32
  }
  func.func @transform_3(%arg0: i32) -> (i32, i32) {
    %c0_i32 = arith.constant 0 : i32
    %c0_i32_0 = arith.constant 0 : i32
    %c0_i32_1 = arith.constant 0 : i32
    return %c0_i32, %c0_i32_0 : i32, i32
  }
  func.func @transform_4(%arg0: i32) -> (i32, i32) {
    %c0_i32 = arith.constant 0 : i32
    %c0_i32_0 = arith.constant 0 : i32
    %c0_i32_1 = arith.constant 0 : i32
    return %c0_i32, %c0_i32_0 : i32, i32
  }
  func.func @transform_5(%arg0: i32) -> (i32, i32) {
    %c0_i32 = arith.constant 0 : i32
    %c0_i32_0 = arith.constant 0 : i32
    %c0_i32_1 = arith.constant 0 : i32
    return %c0_i32, %c0_i32_0 : i32, i32
  }
  func.func @transform_6(%arg0: i32) -> (i32, i32) {
    %c0_i32 = arith.constant 0 : i32
    %c0_i32_0 = arith.constant 0 : i32
    %c0_i32_1 = arith.constant 0 : i32
    return %c0_i32, %c0_i32_0 : i32, i32
  }
  func.func @transform_7(%arg0: i32) -> (i32, i32) {
    %c0_i32 = arith.constant 0 : i32
    %c0_i32_0 = arith.constant 0 : i32
    return %arg0, %c0_i32 : i32, i32
  }
  func.func @transform_8(%arg0: i32) -> (i32, i32, i32) {
    %c0_i32 = arith.constant 0 : i32
    %c0_i32_0 = arith.constant 0 : i32
    %c0_i32_1 = arith.constant 0 : i32
    return %c0_i32, %arg0, %c0_i32_0 : i32, i32, i32
  }
}

module attributes {stable_mosaic.version = 14 : i64} {
  func.func @_colsum_body(%arg0: i32, %arg1: memref<4x1000x128xf32, #tpu.memory_space<vmem>>, %arg2: memref<1000x512xf32, #tpu.memory_space<vmem>>, %arg3: memref<1000x1xf32, #tpu.memory_space<vmem>>, %arg4: memref<2x512xf32, #tpu.memory_space<vmem>>) attributes {dimension_semantics = [#tpu.dimension_semantics<arbitrary>], iteration_bounds = array<i64: 10>, scalar_prefetch = 0 : i64, scratch_operands = 0 : i64, tpu.core_type = #tpu.core_type<tc>, window_params = [{transform_indices = @transform_0, window_bounds = array<i64: 4, 1000, 128>}, {transform_indices = @transform_1, window_bounds = array<i64: 1000, 512>}, {transform_indices = @transform_2, window_bounds = array<i64: 1000, 1>}, {pipeline_mode = #tpu.pipeline_mode<synchronous>, transform_indices = @transform_3, window_bounds = array<i64: 2, 512>}]} {
    %eq3A = arith.constant 0 : i32
    %eq3A_0 = arith.cmpi eq, %arg0, %eq3A : i32
    %convert_element_type3A = arith.extui %eq3A_0 : i1 to i32
    %cond3A = arith.constant 0 : i32
    %cond3A_1 = arith.cmpi ne, %convert_element_type3A, %cond3A : i32
    scf.if %cond3A_1 {
      %broadcast_in_dim3A_28 = arith.constant 0.000000e+00 : f32
      %broadcast_in_dim3A_29 = vector.broadcast %broadcast_in_dim3A_28 : f32 to vector<2x512xf32>
      %swap3A_30 = arith.constant 0 : index
      %swap3A_31 = arith.constant 0 : index
      %swap3A_32 = vector.load %arg4[%swap3A_30, %swap3A_31] : memref<2x512xf32, #tpu.memory_space<vmem>>, vector<2x512xf32>
      tpu.vector_store %arg4[%swap3A_30, %swap3A_31], %broadcast_in_dim3A_29 {strides = array<i32>} : memref<2x512xf32, #tpu.memory_space<vmem>>, vector<2x512xf32>,
    } else {
    }
    %get3A = arith.constant 0 : index
    %get3A_2 = arith.constant 0 : index
    %get3A_3 = arith.constant 0 : index
    %get3A_4 = vector.load %arg1[%get3A, %get3A_2, %get3A_3] : memref<4x1000x128xf32, #tpu.memory_space<vmem>>, vector<4x1000x128xf32>
    %slice3A = vector.extract_strided_slice %get3A_4 {offsets = [0, 0, 0], sizes = [1, 1000, 128], strides = [1, 1, 1]} : vector<4x1000x128xf32> to vector<1x1000x128xf32>
    %squeeze3A = vector.shape_cast %slice3A : vector<1x1000x128xf32> to vector<1000x128xf32>
    %slice3A_5 = vector.extract_strided_slice %get3A_4 {offsets = [1, 0, 0], sizes = [1, 1000, 128], strides = [1, 1, 1]} : vector<4x1000x128xf32> to vector<1x1000x128xf32>
    %squeeze3A_6 = vector.shape_cast %slice3A_5 : vector<1x1000x128xf32> to vector<1000x128xf32>
    %slice3A_7 = vector.extract_strided_slice %get3A_4 {offsets = [2, 0, 0], sizes = [1, 1000, 128], strides = [1, 1, 1]} : vector<4x1000x128xf32> to vector<1x1000x128xf32>
    %squeeze3A_8 = vector.shape_cast %slice3A_7 : vector<1x1000x128xf32> to vector<1000x128xf32>
    %slice3A_9 = vector.extract_strided_slice %get3A_4 {offsets = [3, 0, 0], sizes = [1, 1000, 128], strides = [1, 1, 1]} : vector<4x1000x128xf32> to vector<1x1000x128xf32>
    %squeeze3A_10 = vector.shape_cast %slice3A_9 : vector<1x1000x128xf32> to vector<1000x128xf32>
    %concatenate3A = tpu.concatenate %squeeze3A, %squeeze3A_6, %squeeze3A_8, %squeeze3A_10 in 1 : vector<1000x128xf32>, vector<1000x128xf32>, vector<1000x128xf32>, vector<1000x128xf32> -> vector<1000x512xf32>
    %get3A_11 = arith.constant 0 : index
    %get3A_12 = arith.constant 0 : index
    %get3A_13 = vector.load %arg3[%get3A_11, %get3A_12] : memref<1000x1xf32, #tpu.memory_space<vmem>>, vector<1000x1xf32>
    %div3A = vector.broadcast %get3A_13 : vector<1000x1xf32> to vector<1000x512xf32>
    %div3A_14 = arith.divf %concatenate3A, %div3A : vector<1000x512xf32>
    %reduce_sum3A = arith.constant dense<0.000000e+00> : vector<512xf32>
    %reduce_sum3A_15 = vector.multi_reduction <add>, %div3A_14, %reduce_sum3A [0] : vector<1000x512xf32> to vector<512xf32>
    %broadcast_in_dim3A = vector.shape_cast %reduce_sum3A_15 : vector<512xf32> to vector<1x512xf32>
    %get3A_16 = arith.constant 0 : index
    %get3A_17 = arith.constant 0 : index
    %get3A_18 = vector.load %arg2[%get3A_16, %get3A_17] : memref<1000x512xf32, #tpu.memory_space<vmem>>, vector<1000x512xf32>
    %reduce_sum3A_19 = arith.constant dense<0.000000e+00> : vector<512xf32>
    %reduce_sum3A_20 = vector.multi_reduction <add>, %get3A_18, %reduce_sum3A_19 [0] : vector<1000x512xf32> to vector<512xf32>
    %broadcast_in_dim3A_21 = vector.shape_cast %reduce_sum3A_20 : vector<512xf32> to vector<1x512xf32>
    %get3A_22 = arith.constant 0 : index
    %get3A_23 = arith.constant 0 : index
    %get3A_24 = vector.load %arg4[%get3A_22, %get3A_23] : memref<2x512xf32, #tpu.memory_space<vmem>>, vector<2x512xf32>
    %concatenate3A_25 = tpu.concatenate %broadcast_in_dim3A, %broadcast_in_dim3A_21 in 0 : vector<1x512xf32>, vector<1x512xf32> -> vector<2x512xf32>
    %add3A = arith.addf %get3A_24, %concatenate3A_25 : vector<2x512xf32>
    %swap3A = arith.constant 0 : index
    %swap3A_26 = arith.constant 0 : index
    %swap3A_27 = vector.load %arg4[%swap3A, %swap3A_26] : memref<2x512xf32, #tpu.memory_space<vmem>>, vector<2x512xf32>
    tpu.vector_store %arg4[%swap3A, %swap3A_26], %add3A {strides = array<i32>} : memref<2x512xf32, #tpu.memory_space<vmem>>, vector<2x512xf32>,
    return
  }
  func.func @transform_0(%arg0: i32) -> (i32, i32, i32) {
    %c0_i32 = arith.constant 0 : i32
    %c0_i32_0 = arith.constant 0 : i32
    %c0_i32_1 = arith.constant 0 : i32
    return %c0_i32, %arg0, %c0_i32_0 : i32, i32, i32
  }
  func.func @transform_1(%arg0: i32) -> (i32, i32) {
    %c0_i32 = arith.constant 0 : i32
    %c0_i32_0 = arith.constant 0 : i32
    return %arg0, %c0_i32 : i32, i32
  }
  func.func @transform_2(%arg0: i32) -> (i32, i32) {
    %c0_i32 = arith.constant 0 : i32
    %c0_i32_0 = arith.constant 0 : i32
    return %arg0, %c0_i32 : i32, i32
  }
  func.func @transform_3(%arg0: i32) -> (i32, i32) {
    %c0_i32 = arith.constant 0 : i32
    %c0_i32_0 = arith.constant 0 : i32
    %c0_i32_1 = arith.constant 0 : i32
    return %c0_i32, %c0_i32_0 : i32, i32
  }
}

module attributes {stable_mosaic.version = 14 : i64} {
  func.func @_final_body(%arg0: memref<2x512xf32, #tpu.memory_space<vmem>>, %arg1: memref<512x512xf32, #tpu.memory_space<vmem>>, %arg2: memref<1x512xf32, #tpu.memory_space<vmem>>, %arg3: memref<512x512xf32, #tpu.memory_space<vmem>>, %arg4: memref<256x512xf32, #tpu.memory_space<vmem>>, %arg5: memref<1x256xf32, #tpu.memory_space<vmem>>, %arg6: memref<2x256xf32, #tpu.memory_space<vmem>>, %arg7: memref<1x2xf32, #tpu.memory_space<vmem>>, %arg8: memref<1x2xf32, #tpu.memory_space<vmem>>) attributes {dimension_semantics = [], scalar_prefetch = 0 : i64, scratch_operands = 0 : i64, tpu.core_type = #tpu.core_type<tc>} {
    %get3A = arith.constant 0 : index
    %get3A_0 = arith.constant 0 : index
    %get3A_1 = vector.load %arg0[%get3A, %get3A_0] : memref<2x512xf32, #tpu.memory_space<vmem>>, vector<2x512xf32>
    %mul3A = arith.constant 9.99999974E-5 : f32
    %mul3A_2 = vector.broadcast %mul3A : f32 to vector<2x512xf32>
    %mul3A_3 = arith.mulf %get3A_1, %mul3A_2 : vector<2x512xf32>
    %slice3A = vector.extract_strided_slice %mul3A_3 {offsets = [0, 0], sizes = [1, 512], strides = [1, 1]} : vector<2x512xf32> to vector<1x512xf32>
    %get3A_4 = arith.constant 0 : index
    %get3A_5 = arith.constant 0 : index
    %get3A_6 = vector.load %arg1[%get3A_4, %get3A_5] : memref<512x512xf32, #tpu.memory_space<vmem>>, vector<512x512xf32>
    %dot_general3A = arith.constant dense<0.000000e+00> : vector<1x512xf32>
    %dot_general3A_7 = tpu.matmul %slice3A, %get3A_6, %dot_general3A {dimension_numbers = #tpu.dot_dimension_numbers<[1], [1], [0], [0], [0, 0, 1, 0], [], []>, transpose_lhs_hint = false} : vector<1x512xf32>, vector<512x512xf32>, vector<1x512xf32> -> vector<1x512xf32>
    %get3A_8 = arith.constant 0 : index
    %get3A_9 = arith.constant 0 : index
    %get3A_10 = vector.load %arg2[%get3A_8, %get3A_9] : memref<1x512xf32, #tpu.memory_space<vmem>>, vector<1x512xf32>
    %add3A = arith.addf %dot_general3A_7, %get3A_10 : vector<1x512xf32>
    %slice3A_11 = vector.extract_strided_slice %mul3A_3 {offsets = [1, 0], sizes = [1, 512], strides = [1, 1]} : vector<2x512xf32> to vector<1x512xf32>
    %get3A_12 = arith.constant 0 : index
    %get3A_13 = arith.constant 0 : index
    %get3A_14 = vector.load %arg3[%get3A_12, %get3A_13] : memref<512x512xf32, #tpu.memory_space<vmem>>, vector<512x512xf32>
    %dot_general3A_15 = arith.constant dense<0.000000e+00> : vector<1x512xf32>
    %dot_general3A_16 = tpu.matmul %slice3A_11, %get3A_14, %dot_general3A_15 {dimension_numbers = #tpu.dot_dimension_numbers<[1], [1], [0], [0], [0, 0, 1, 0], [], []>, transpose_lhs_hint = false} : vector<1x512xf32>, vector<512x512xf32>, vector<1x512xf32> -> vector<1x512xf32>
    %add3A_17 = arith.addf %add3A, %dot_general3A_16 : vector<1x512xf32>
    %get3A_18 = arith.constant 0 : index
    %get3A_19 = arith.constant 0 : index
    %get3A_20 = vector.load %arg4[%get3A_18, %get3A_19] : memref<256x512xf32, #tpu.memory_space<vmem>>, vector<256x512xf32>
    %dot_general3A_21 = arith.constant dense<0.000000e+00> : vector<1x256xf32>
    %dot_general3A_22 = tpu.matmul %add3A_17, %get3A_20, %dot_general3A_21 {dimension_numbers = #tpu.dot_dimension_numbers<[1], [1], [0], [0], [0, 0, 1, 0], [], []>, transpose_lhs_hint = false} : vector<1x512xf32>, vector<256x512xf32>, vector<1x256xf32> -> vector<1x256xf32>
    %get3A_23 = arith.constant 0 : index
    %get3A_24 = arith.constant 0 : index
    %get3A_25 = vector.load %arg5[%get3A_23, %get3A_24] : memref<1x256xf32, #tpu.memory_space<vmem>>, vector<1x256xf32>
    %add3A_26 = arith.addf %dot_general3A_22, %get3A_25 : vector<1x256xf32>
    %mul3A_27 = arith.constant 5.000000e-01 : f32
    %mul3A_28 = vector.broadcast %mul3A_27 : f32 to vector<1x256xf32>
    %mul3A_29 = arith.mulf %mul3A_28, %add3A_26 : vector<1x256xf32>
    %mul3A_30 = arith.constant 0.707106769 : f32
    %mul3A_31 = vector.broadcast %mul3A_30 : f32 to vector<1x256xf32>
    %mul3A_32 = arith.mulf %add3A_26, %mul3A_31 : vector<1x256xf32>
    %erf3A = math.erf %mul3A_32 : vector<1x256xf32>
    %add3A_33 = arith.constant 1.000000e+00 : f32
    %add3A_34 = vector.broadcast %add3A_33 : f32 to vector<1x256xf32>
    %add3A_35 = arith.addf %add3A_34, %erf3A : vector<1x256xf32>
    %mul3A_36 = arith.mulf %mul3A_29, %add3A_35 : vector<1x256xf32>
    %get3A_37 = arith.constant 0 : index
    %get3A_38 = arith.constant 0 : index
    %get3A_39 = vector.load %arg6[%get3A_37, %get3A_38] : memref<2x256xf32, #tpu.memory_space<vmem>>, vector<2x256xf32>
    %dot_general3A_40 = arith.constant dense<0.000000e+00> : vector<1x2xf32>
    %dot_general3A_41 = tpu.matmul %mul3A_36, %get3A_39, %dot_general3A_40 {dimension_numbers = #tpu.dot_dimension_numbers<[1], [1], [0], [0], [0, 0, 1, 0], [], []>, transpose_lhs_hint = false} : vector<1x256xf32>, vector<2x256xf32>, vector<1x2xf32> -> vector<1x2xf32>
    %get3A_42 = arith.constant 0 : index
    %get3A_43 = arith.constant 0 : index
    %get3A_44 = vector.load %arg7[%get3A_42, %get3A_43] : memref<1x2xf32, #tpu.memory_space<vmem>>, vector<1x2xf32>
    %add3A_45 = arith.addf %dot_general3A_41, %get3A_44 : vector<1x2xf32>
    %swap3A = arith.constant 0 : index
    %swap3A_46 = arith.constant 0 : index
    %swap3A_47 = vector.load %arg8[%swap3A, %swap3A_46] : memref<1x2xf32, #tpu.memory_space<vmem>>, vector<1x2xf32>
    tpu.vector_store %arg8[%swap3A, %swap3A_46], %add3A_45 {strides = array<i32>} : memref<1x2xf32, #tpu.memory_space<vmem>>, vector<1x2xf32>,
    return
  }
}

</mosaic_0001>

<sc_bundles>
// kernel: kernel.13.cloned.1.call-start
scs
__scs_entry_jumppad:
0x0: {  	(pc) =	sbr.rel $0x88, $3  }
0x1: {  	(tag) =	ssettag $0x0;
	lr =	simm.s32 $0x1  }
0x2: {  	[smem:$0x3F8C] =	sst lr;
	_ =	strace $0xD0000000  }
0x3: {  	_ = 	snop  }
0x4: {  	_ = 	snop  }
0x5: {  	_ = 	snop  }
0x6: {  	_ = 	snop  }
0x7: {  	_ = 	snop  }
__scs_overlays_trampoline_lowered:
0x8: {  	[smem:$0x3F9B] =	sst s0  }
0x9: {  	[smem:$0x3F9C] =	sst s1  }
0xa: {  	[smem:$0x3F9D] =	sst s2  }
0xb: {  	[smem:$0x3F9E] =	sst s3  }
0xc: {  	[smem:$0x3F9F] =	sst s4  }
0xd: {  	[smem:$0x3FA0] =	sst s5  }
0xe: {  	[smem:$0x3FA1] =	sst s6  }
0xf: {  	[smem:$0x3FA2] =	sst s7  }
0x10: {  	[smem:$0x3FA3] =	sst s8  }
0x11: {  	[smem:$0x3FA4] =	sst s9;
	s0 =	simm.s32 @!p0 $0x0  }
0x12: {  	s1 =	sld [smem:$0x3F8A];
	s0 =	simm.s32 @p0 $0x1  }
0x13: {  	[smem:$0x3FA5] =	sst s0;
	s0 =	simm.s32 @!p1 $0x0  }
0x14: {  	s2 =	sld [smem:$0x3F89];
	s0 =	simm.s32 @p1 $0x1  }
0x15: {  	[smem:$0x3FA6] =	sst s0;
	s0 =	simm.s32 @!p2 $0x0  }
0x16: {  	s3 =	sld [smem:$0x3FDB];
	s0 =	simm.s32 @p2 $0x1  }
0x17: {  	s4 =	simm.s32 $0x1BF5;
	[smem:$0x3FA8] =	sst s0  }
0x18: {  	s0 =	sld [smem:$0x3F8B];
	_ =	swait.ge [sflag:s4], $0x0  }
0x19: {  	s7 =	sld [smem:$0x3F8C]  }
0x1a: {  	s8 =	sadd.s32 $0xFFFFE003, lr  }
0x1b: {  	s9 =	sadd.s32 $0xFFFFFEF7, lr;
	s5 =	simm.s32 $0xFFFFFFFF;
	p2 =	slt.u32 s8, $0xFFFFF086  }
0x1c: {  	p1 =	slt.u32 s9, $0xF7A;
	s5 =	simm.s32 @!p2 $0x0  }
0x1d: {  	s5 =	simm.s32 @p1 $0x1;
	p0 =	seq.s32 s7, s2  }
0x1e: {  	s7 =	smul.u32 @!p0 $0xF7A, s2;
	p2 =	seq.s32 @!p0 s5, $0x0  }
0x1f: {  	s9 =	smul.u32 $0xF7A, s1;
	s8 =	simm.s32 @!p0 $0x1BF5;
	p2 =	por !p2, p0  }
0x20: {  	[sflag:s8] =	ssyncset.s32 @!p0 $0xFFFFF086;
	s6 =	sadd.s32 @!p0 s3, s7;
	s7 =	simm.s32 @!p0 $0x108  }
0x21: {  	s3 =	sadd.s32 s3, s9;
	s6 =	sadd.s32 @!p0 $0x88, s6;
	s7 =	simm.s32 @p2 $0x1082  }
0x22: {  	[simem:s7], [sflag:s8] =	dma.local @!p0 [hbm:s6], $0xF7A  }
0x23: {  	s9 =	sor.u32 $0xD0000000, s2;
	s6 =	simm.s32 $0x108;
	_ =	swait.ge @!p0 [sflag:s8], $0x0  }
0x24: {  	s3 =	sadd.s32 $0x88, s3;
	s6 =	simm.s32 @!p1 $0x1082;
	[sflag:s4] =	ssyncset.s32 $0xFFFFF086  }
0x25: {  	[simem:s6], [sflag:s4] =	dma.local [hbm:s3], $0xF7A  }
0x26: {  	[smem:$0x3F8C] =	sst s1;
	(tag) =	ssettag s2;
	_ =	strace s9  }
0x27: {  	s1 =	sld [smem:$0x3F9C]  }
0x28: {  	s2 =	sld [smem:$0x3F9D]  }
0x29: {  	s4 =	sld [smem:$0x3F9F]  }
0x2a: {  	p0 =	seq.s32 s5, $0x0;
	s5 =	sld [smem:$0x3FA0]  }
0x2b: {  	s6 =	sld [smem:$0x3FA1]  }
0x2c: {  	s7 =	sld [smem:$0x3FA2]  }
0x2d: {  	s3 =	simm.s32 $0x108;
	s8 =	sld [smem:$0x3FA3]  }
0x2e: {  	s3 =	simm.s32 @!p0 $0x1082;
	s9 =	sld [smem:$0x3FA4]  }
0x2f: {  	lr =	sadd.s32 s0, s3;
	s0 =	sld [smem:$0x3F9B]  }
0x30: {  	s3 =	sld [smem:$0x3F9E]  }
0x31: {  	[smem:$0x3FA7] =	sst s10  }
0x32: {  	s10 =	sld [smem:$0x3FA5];
	_ =	sdelay $0x3  }
0x33: {  	p0 =	seq.s32 s10, $0x1;
	s10 =	sld [smem:$0x3FA7];
	_ =	sdelay $0x3  }
0x34: {  	[smem:$0x3FA7] =	sst s10  }
0x35: {  	s10 =	sld [smem:$0x3FA6];
	_ =	sdelay $0x3  }
0x36: {  	p1 =	seq.s32 s10, $0x1;
	s10 =	sld [smem:$0x3FA7];
	_ =	sdelay $0x3  }
0x37: {  	[smem:$0x3FA7] =	sst s10  }
0x38: {  	s10 =	sld [smem:$0x3FA8]  }
0x39: {  	_ = 	snop;
	(pc) =	sbr.ind lr, $3  }
0x3a: {  	_ = 	snop  }
0x3b: {  	_ = 	snop  }
0x3c: {  	p2 =	seq.s32 s10, $0x1;
	s10 =	sld [smem:$0x3FA7]  }
0x3d: {  	_ =	shalt  }
0x3e: {  	_ =	shalt  }
0x3f: {  	_ =	shalt  }
0x40: {  	_ =	shalt  }
0x41: {  	_ =	shalt  }
0x42: {  	_ =	shalt  }
0x43: {  	_ =	shalt  }
0x44: {  	_ =	shalt  }
0x45: {  	_ =	shalt  }
0x46: {  	_ =	shalt  }
0x47: {  	_ =	shalt  }
0x48: {  	_ =	shalt  }
0x49: {  	_ =	shalt  }
0x4a: {  	_ =	shalt  }
0x4b: {  	_ =	shalt  }
0x4c: {  	_ =	shalt  }
0x4d: {  	_ =	shalt  }
0x4e: {  	_ =	shalt  }
0x4f: {  	_ =	shalt  }
0x50: {  	_ =	shalt  }
0x51: {  	_ =	shalt  }
0x52: {  	_ =	shalt  }
0x53: {  	_ =	shalt  }
0x54: {  	_ =	shalt  }
0x55: {  	_ =	shalt  }
0x56: {  	_ =	shalt  }
0x57: {  	_ =	shalt  }
0x58: {  	_ =	shalt  }
0x59: {  	_ =	shalt  }
0x5a: {  	_ =	shalt  }
0x5b: {  	_ =	shalt  }
0x5c: {  	_ =	shalt  }
0x5d: {  	_ =	shalt  }
0x5e: {  	_ =	shalt  }
0x5f: {  	_ =	shalt  }
0x60: {  	_ =	shalt  }
0x61: {  	_ =	shalt  }
0x62: {  	_ =	shalt  }
0x63: {  	_ =	shalt  }
0x64: {  	_ =	shalt  }
0x65: {  	_ =	shalt  }
0x66: {  	_ =	shalt  }
0x67: {  	_ =	shalt  }
0x68: {  	_ =	shalt  }
0x69: {  	_ =	shalt  }
0x6a: {  	_ =	shalt  }
0x6b: {  	_ =	shalt  }
0x6c: {  	_ =	shalt  }
0x6d: {  	_ =	shalt  }
0x6e: {  	_ =	shalt  }
0x6f: {  	_ =	shalt  }
0x70: {  	_ =	shalt  }
0x71: {  	_ =	shalt  }
0x72: {  	_ =	shalt  }
0x73: {  	_ =	shalt  }
0x74: {  	_ =	shalt  }
0x75: {  	_ =	shalt  }
0x76: {  	_ =	shalt  }
0x77: {  	_ =	shalt  }
0x78: {  	_ =	shalt  }
0x79: {  	_ =	shalt  }
0x7a: {  	_ =	shalt  }
0x7b: {  	_ =	shalt  }
0x7c: {  	_ =	shalt  }
0x7d: {  	_ =	shalt  }
0x7e: {  	_ =	shalt  }
0x7f: {  	_ =	shalt  }
0x80: {  	_ =	shalt  }
0x81: {  	_ =	shalt  }
0x82: {  	_ =	shalt  }
0x83: {  	_ =	shalt  }
0x84: {  	_ =	shalt  }
0x85: {  	_ =	shalt  }
0x86: {  	_ =	shalt  }
0x87: {  	_ =	shalt  }
.Lfunc_end0:
.L_simem_size_0:
called_computation_lowered:
.L_overlay_start_0:
0x88: {  	s2 =	sld [smem:$0x3FD9]  }
0x89: {  	s3 =	sld [smem:$0x3FFE];
	_ =	sdelay $0x1  }
0x8a: {  	s1 =	srdreg.scid  }
0x8b: {  	s0 =	sand.u32 $0x1, s1  }
0x8c: {  	s16 =	sshll.u32 s0, $0xA;
	s2 =	sadd.s32 s3, s2  }
0x8d: {  	s2 =	sadd.s32 s2, s16  }
0x8e: {  	[smem:$0x3FB3] =	sst s2  }
0x8f: {  	_ = 	snop  }
0x90: {  	(tm) =	ssettm $0x1  }
0x91: {  	s17 =	sld [smem:$0x3FFB];
	_ =	sdelay $0x3  }
0x92: {  	_ =	strace s17  }
0x93: {  	s2 =	sld [smem:$0x3FFC];
	_ =	sdelay $0x3  }
0x94: {  	_ =	strace s2  }
0x95: {  	s2 =	sld [smem:$0x3FFD];
	_ =	sdelay $0x3  }
0x96: {  	_ =	strace s2  }
0x97: {  	_ =	strace $0x8FFFFFFF  }
0x98: {  	s18 =	sld [smem:$0x3FDB];
	_ =	sdelay $0x1  }
0x99: {  	s19 =	simm.s32 $_scs_section_size  }
0x9a: {  	s4 =	simm.s32 $_size__tile_overlayer_lowered;
	s5 =	simm.s32 $_tile_overlayer_lowered  }
0x9b: {  	s22 =	simm.s32 $0x1BFF;
	s21 =	sshll.u32 s5, $0x1;
	s2 =	sadd.s32 s19, s18  }
0x9c: {  	s6 =	simm.s32 $0x0;
	s20 =	sshll.u32 s4, $0x1;
	s4 =	sadd.s32 s21, s2  }
0x9d: {  	[timem:s6], [sflag:s22] =	dma.local [hbm:s4], s20  }
0x9e: {  	_ =	swait.ge [sflag:s22], s20  }
0x9f: {  	s3 =	ssub.s32 $0x0, s20;
	[sflag:s22] =	ssyncset.done $0x0  }
0xa0: {  	[sflag:s22] =	ssyncadd.s32 s3;
	_ =	sdelay $0x1  }
0xa1: {  	s23 =	simm.s32 $0x1B8B  }
0xa2: {  	_ =	swait.ge [sflag:s23], $0x1  }
0xa3: {  	[sflag:s23] =	ssyncset.done $0x0  }
0xa4: {  	s25 =	simm.s32 $0x1B8E;
	s24 =	sld [smem:$0x3FFE];
	[sflag:s23] =	ssyncadd.s32 $0xFFFFFFFF  }
0xa5: {  	s26 =	simm.s32 $execute0_lowered;
	[smem:$0x3FD2] =	sst s25  }
0xa6: {  	s4 =	sshll.u32 s26, $0x1;
	_ =	strace $0x80000046;
	[dreg:$0x1] =	wrdreg $0xFFFFFFFF  }
0xa7: {  	s28 =	simm.s32 $_size_execute0_lowered;
	s2 =	sadd.s32 s2, s4;
	[dreg:$0x0] =	wrdreg $0x0  }
0xa8: {  	s4 =	sshll.u32 s28, $0x1;
	[dreg:$0x2] =	wrdreg s2  }
0xa9: {  	[dreg:$0x3] =	wrdreg s4  }
0xaa: {  	[dreg:$0x4] =	wrdreg $0xC0  }
0xab: {  	_ =	task [dreg:s6], $0x5FFFF  }
0xac: {  	[dreg:$0x1] =	wrdreg $0xFFFFFFFF  }
0xad: {  	[dreg:$0x0] =	wrdreg $0x60  }
0xae: {  	[dreg:$0x2] =	wrdreg s24  }
0xaf: {  	[dreg:$0x3] =	wrdreg $0x68000  }
0xb0: {  	[dreg:$0x4] =	wrdreg $0x9  }
0xb1: {  	_ =	task.clear_ibuf [dreg:s6], $0x5FFFF;
	_ =	strace $0x90000046  }
0xb2: {  	s29 =	simm.s32 $0x9;
	_ =	strace $0x80000048  }
0xb3: {  	_ =	swait.ge [sflag:s29], $0x1  }
0xb4: {  	[sflag:s29] =	ssyncadd.s32 $0xFFFFFFFF  }
0xb5: {  	_ =	strace $0x90000048  }
0xb6: {  	_ =	sfence  }
0xb7: {  	s30 =	sld [smem:$0x0];
	_ =	sdelay $0x2  }
0xb8: {  	s31 =	sshll.u32 s1, $0xD;
	s1 =	sshrl.u32 s1, $0x2  }
0xb9: {  	s3 =	sand.u32 $0x4000, s31;
	s1 =	sadd.s32 s1, s30  }
0xba: {  	s0 =	sor.u32 s3, s0;
	s1 =	sshll.u32 s1, $0x11  }
0xbb: {  	s0 =	sor.u32 s1, s0  }
0xbc: {  	s0 =	sadd.s32 $0x8F2B, s0  }
0xbd: {  	[sflag:s0] =	ssyncadd.remote.s32 $0x1  }
0xbe: {  	_ =	sfence.sel $0xFFFF  }
0xbf: {  	[dreg:$0x0] =	wrdreg $0xFFFFFFFF;
	(pc) =	sbr.abs _section_cstart, $3  }
0xc0: {  	[dreg:$0x1] =	wrdreg $0xFFFFFFFF  }
0xc1: {  	_ =	task.clear_ibuf [dreg:s6], $0x2FFFF;
	_ =	strace $0x9FFFFFFF  }
0xc2: {  	(tm) =	ssettm $0x7FFFFFFF  }
0xc3: {  	_ =	shalt  }
tec
execute0_lowered:
.L_overlay_start_1:
0x0: {  	(tag) =	ssettag $0x1  }
0x1: {  	s5 =	rddreg [dreg:$0x0]  }
0x2: {  	s1 =	rddreg [dreg:$0x1]  }
0x3: {  	s0 =	rddreg [dreg:$0x2];
	s3 =	simm.s32 $0x0;
	s2 =	stileid.u32  }
0x4: {  	s4 =	srdreg.scid;
	s10 =	simm.s32 $0x2;
	s11 =	simm.s32 $0x50  }
0x5: {  	s13 =	simm.s32 $0x1;
	[smem:$0x7FF] =	sst s3;
	s7 =	smul.u32 $0x2800, s2  }
0x6: {  	s6 =	sshll.u32 s2, $0xB;
	s12 =	sand.u32 $0x1, s4;
	s9 =	smul.u32 $0x50000, s2  }
0x7: {  	s4 =	sadd.s32 $0xD200, s5;
	s31 =	sshll.u32 s2, $0x6;
	_ =	strace $0x80000047  }
0x8: {  	s6 =	sadd.s32 s6, s5;
	s8 =	ssub.s32 $0x2, s12;
	p0 =	sne.s32 s12, $0x0  }
0x9: {  	s12 =	simm.s32 $0x4000;
	s7 =	sadd.s32 s7, s5;
	s29 =	sshrl.u32 s8, $0x1  }
0xa: {  	s30 =	sshrl.u32 s9, $0x2;
	s5 =	sor.u32 $0x1C02, s31;
	s6 =	sadd.s32 $0x5200, s6  }
0xb: {  	s8 =	ssub.s32 s8, s29;
	s14 =	sadd.s32 s30, s1;
	s7 =	sadd.s32 $0xFA00, s7  }
0xc: {  	v0 =	vimm.f32 $1.000000000e+00;
	s8 =	smax.u32 s8, $0x1;
	s9 =	sshrl.u32 s14, $0x3;
	s14 =	sshrl.u32 @!p0 s14, $0x3  }
.LBB2_1:
0xd: {  	s15 =	simm.s32 $0x200;
	s16 =	simm.s32 $0x0  }
.LBB2_2:
0xe: {  	p1 =	sne.s32 s15, $0x9E00;
	[tilespmem:s16+$0x4000] =	vst v0;
	s16 =	smov.u32 s15;
	s15 =	sadd.s32 $0x200, s15  }
.Ltmp0:
0xf: {  	(pc) =	sbr.rel @p1 .LBB2_2-.Ltmp0, $2  }
0x10: {  	_ =	sdelay $0x2  }
0x11: {  	s16 =	sshra.s32 s16, $0x2  }
0x12: {  	[tilespmem:s16+$0x4000] =	vst v0  }
0x13: {  	[spmem:s9], [sflag:s5] =	dma.local [hbm:s4], $0x2800  }
0x14: {  	_ =	swait.ge [sflag:s10], $0x2800  }
0x15: {  	[sflag:s10] =	ssyncset.done $0x0  }
0x16: {  	s15 =	simm.s32 $0x0;
	[sflag:s10] =	ssyncadd.s32 $0xFFFFD800  }
0x17: {  	[tilespmem:s15], [sflag:$0x2] =	stream.linear.gather [hbm4b:s6+s15], $0x3E80, $0x38;
	[tilespmem:$0x9000] =	vst v63  }
0x18: {  	_ =	swait.ge [sflag:s10], $0x3E80  }
0x19: {  	[sflag:s10] =	ssyncset.done $0x0  }
0x1a: {  	[sflag:s10] =	ssyncadd.s32 $0xFFFFC180  }
0x1b: {  	[bflag:$0x0] =	sbarrier.arrive $0xFFFF  }
.LBB2_4:
0x1c: {  	p1 =	sne.s32 s15, $0xF800  }
.Ltmp1:
0x1d: {  	_ = 	snop;
	(pc) =	sbr.rel @p1 .LBB2_4-.Ltmp1, $3  }
0x1e: {  	_ =	sdelay $0x1  }
0x1f: {  	s16 =	sshra.s32 s15, $0x2;
	s15 =	sadd.s32 $0x200, s15  }
0x20: {  	[spmem:s1] =	stream.indirect.scatter.add.f32 [tilespmem:s12], [sflag:$0x1], $0x10, s16, s11, $0xb8;
	[tilespmem:$0x9000] =	vst v63  }
0x21: {  	_ =	swait.ge [sflag:s13], $0x500  }
0x22: {  	s15 =	simm.s32 $0x7C;
	[sflag:s13] =	ssyncset.done $0x0  }
.LBB2_6:
0x23: {  	p1 =	sne.s32 s15, $0x1;
	s15 =	sadd.s32 $0xFFFFFFFF, s15;
	[sflag:s13] =	ssyncadd.s32 $0xFFFFFB00  }
.Ltmp2:
0x24: {  	(pc) =	sbr.rel @p1 .LBB2_6-.Ltmp2, $3  }
0x25: {  	_ =	sdelay $0x1  }
0x26: {  	_ =	swait.ge [sflag:s13], $0x500  }
0x27: {  	[sflag:s13] =	ssyncset.done $0x0  }
0x28: {  	s3 =	sadd.s32 $0x1, s3  }
0x29: {  	[sflag:s13] =	ssyncadd.s32 $0xFFFFFB00;
	p1 =	sne.s32 s3, s8  }
.Ltmp3:
0x2a: {  	s15 =	simm.s32 @!p0 $0x2;
	[bflag:$0x0] =	sbarrier.arrive $0xFFFF;
	(pc) =	sbr.rel @p1 .LBB2_1-.Ltmp3, $4  }
0x2b: {  	[hbm:s7], [sflag:s5] =	dma.local @!p0 [spmem:s14], $0x2800  }
0x2c: {  	_ =	swait.ge @!p0 [sflag:s15], $0x2800  }
0x2d: {  	[sflag:s15] =	ssyncset.done @!p0 $0x0  }
0x2e: {  	[sflag:s15] =	ssyncadd.s32 @!p0 $0xFFFFD800  }
0x2f: {  	_ =	sfence.sel $0x180000  }
0x30: {  	[bflag:$0x0] =	sbarrier.arrive $0xFFFF  }
0x31: {  	p0 =	sne.s32 s2, $0x0;
	_ =	strace $0x90000047  }
0x32: {  	s0 =	sadd.s32 @!p0 $0x100000, s0;
	[bflag:$0x2] =	sbarrier.arrive $0xFFFF  }
0x33: {  	[sflag:s0] =	ssyncadd.tile.s32 @!p0 $0x1;
	_ =	shalt  }
.Lfunc_end2:
_tile_overlayer_lowered:
.L_overlay_start_2:
0x34: {  	(tag) =	ssettag $0x2  }
0x35: {  	s0 =	rddreg [dreg:$0x0];
	s2 =	stileid.u32  }
0x36: {  	s1 =	rddreg [dreg:$0x1];
	p0 =	sne.s32 s2, $0x0  }
0x37: {  	s3 =	rddreg [dreg:$0x2];
	[bflag:$0x3] =	sbarrier.arrive $0xFFFF;
	s2 =	simm.s32 @!p0 $0x1C02  }
0x38: {  	[timem:s3], [sflag:s2] =	dma.local @!p0 [hbm:s0], s1  }
0x39: {  	s0 =	simm.s32 @!p0 $0x2  }
0x3a: {  	_ =	swait.ge @!p0 [sflag:s0], s1  }
0x3b: {  	s1 =	ssub.s32 @!p0 $0x0, s1;
	[sflag:s0] =	ssyncset.done @!p0 $0x0  }
0x3c: {  	[sflag:s0] =	ssyncadd.s32 @!p0 s1  }
0x3d: {  	[bflag:$0x3] =	sbarrier.arrive $0xFFFF  }
0x3e: {  	_ =	shalt  }

// kernel: kernel.16.cloned.1.call-start
scs
__scs_entry_jumppad:
0x0: {  	(pc) =	sbr.rel $0x88, $3  }
0x1: {  	(tag) =	ssettag $0x0;
	lr =	simm.s32 $0x1  }
0x2: {  	[smem:$0x3F8C] =	sst lr;
	_ =	strace $0xD0000000  }
0x3: {  	_ = 	snop  }
0x4: {  	_ = 	snop  }
0x5: {  	_ = 	snop  }
0x6: {  	_ = 	snop  }
0x7: {  	_ = 	snop  }
__scs_overlays_trampoline_lowered:
0x8: {  	[smem:$0x3F9B] =	sst s0  }
0x9: {  	[smem:$0x3F9C] =	sst s1  }
0xa: {  	[smem:$0x3F9D] =	sst s2  }
0xb: {  	[smem:$0x3F9E] =	sst s3  }
0xc: {  	[smem:$0x3F9F] =	sst s4  }
0xd: {  	[smem:$0x3FA0] =	sst s5  }
0xe: {  	[smem:$0x3FA1] =	sst s6  }
0xf: {  	[smem:$0x3FA2] =	sst s7  }
0x10: {  	[smem:$0x3FA3] =	sst s8  }
0x11: {  	[smem:$0x3FA4] =	sst s9;
	s0 =	simm.s32 @!p0 $0x0  }
0x12: {  	s1 =	sld [smem:$0x3F8A];
	s0 =	simm.s32 @p0 $0x1  }
0x13: {  	[smem:$0x3FA5] =	sst s0;
	s0 =	simm.s32 @!p1 $0x0  }
0x14: {  	s2 =	sld [smem:$0x3F89];
	s0 =	simm.s32 @p1 $0x1  }
0x15: {  	[smem:$0x3FA6] =	sst s0;
	s0 =	simm.s32 @!p2 $0x0  }
0x16: {  	s3 =	sld [smem:$0x3FDB];
	s0 =	simm.s32 @p2 $0x1  }
0x17: {  	s4 =	simm.s32 $0x1BF5;
	[smem:$0x3FA8] =	sst s0  }
0x18: {  	s0 =	sld [smem:$0x3F8B];
	_ =	swait.ge [sflag:s4], $0x0  }
0x19: {  	s7 =	sld [smem:$0x3F8C]  }
0x1a: {  	s8 =	sadd.s32 $0xFFFFE003, lr  }
0x1b: {  	s9 =	sadd.s32 $0xFFFFFEF7, lr;
	s5 =	simm.s32 $0xFFFFFFFF;
	p2 =	slt.u32 s8, $0xFFFFF086  }
0x1c: {  	p1 =	slt.u32 s9, $0xF7A;
	s5 =	simm.s32 @!p2 $0x0  }
0x1d: {  	s5 =	simm.s32 @p1 $0x1;
	p0 =	seq.s32 s7, s2  }
0x1e: {  	s7 =	smul.u32 @!p0 $0xF7A, s2;
	p2 =	seq.s32 @!p0 s5, $0x0  }
0x1f: {  	s9 =	smul.u32 $0xF7A, s1;
	s8 =	simm.s32 @!p0 $0x1BF5;
	p2 =	por !p2, p0  }
0x20: {  	[sflag:s8] =	ssyncset.s32 @!p0 $0xFFFFF086;
	s6 =	sadd.s32 @!p0 s3, s7;
	s7 =	simm.s32 @!p0 $0x108  }
0x21: {  	s3 =	sadd.s32 s3, s9;
	s6 =	sadd.s32 @!p0 $0x88, s6;
	s7 =	simm.s32 @p2 $0x1082  }
0x22: {  	[simem:s7], [sflag:s8] =	dma.local @!p0 [hbm:s6], $0xF7A  }
0x23: {  	s9 =	sor.u32 $0xD0000000, s2;
	s6 =	simm.s32 $0x108;
	_ =	swait.ge @!p0 [sflag:s8], $0x0  }
0x24: {  	s3 =	sadd.s32 $0x88, s3;
	s6 =	simm.s32 @!p1 $0x1082;
	[sflag:s4] =	ssyncset.s32 $0xFFFFF086  }
0x25: {  	[simem:s6], [sflag:s4] =	dma.local [hbm:s3], $0xF7A  }
0x26: {  	[smem:$0x3F8C] =	sst s1;
	(tag) =	ssettag s2;
	_ =	strace s9  }
0x27: {  	s1 =	sld [smem:$0x3F9C]  }
0x28: {  	s2 =	sld [smem:$0x3F9D]  }
0x29: {  	s4 =	sld [smem:$0x3F9F]  }
0x2a: {  	p0 =	seq.s32 s5, $0x0;
	s5 =	sld [smem:$0x3FA0]  }
0x2b: {  	s6 =	sld [smem:$0x3FA1]  }
0x2c: {  	s7 =	sld [smem:$0x3FA2]  }
0x2d: {  	s3 =	simm.s32 $0x108;
	s8 =	sld [smem:$0x3FA3]  }
0x2e: {  	s3 =	simm.s32 @!p0 $0x1082;
	s9 =	sld [smem:$0x3FA4]  }
0x2f: {  	lr =	sadd.s32 s0, s3;
	s0 =	sld [smem:$0x3F9B]  }
0x30: {  	s3 =	sld [smem:$0x3F9E]  }
0x31: {  	[smem:$0x3FA7] =	sst s10  }
0x32: {  	s10 =	sld [smem:$0x3FA5];
	_ =	sdelay $0x3  }
0x33: {  	p0 =	seq.s32 s10, $0x1;
	s10 =	sld [smem:$0x3FA7];
	_ =	sdelay $0x3  }
0x34: {  	[smem:$0x3FA7] =	sst s10  }
0x35: {  	s10 =	sld [smem:$0x3FA6];
	_ =	sdelay $0x3  }
0x36: {  	p1 =	seq.s32 s10, $0x1;
	s10 =	sld [smem:$0x3FA7];
	_ =	sdelay $0x3  }
0x37: {  	[smem:$0x3FA7] =	sst s10  }
0x38: {  	s10 =	sld [smem:$0x3FA8]  }
0x39: {  	_ = 	snop;
	(pc) =	sbr.ind lr, $3  }
0x3a: {  	_ = 	snop  }
0x3b: {  	_ = 	snop  }
0x3c: {  	p2 =	seq.s32 s10, $0x1;
	s10 =	sld [smem:$0x3FA7]  }
0x3d: {  	_ =	shalt  }
0x3e: {  	_ =	shalt  }
0x3f: {  	_ =	shalt  }
0x40: {  	_ =	shalt  }
0x41: {  	_ =	shalt  }
0x42: {  	_ =	shalt  }
0x43: {  	_ =	shalt  }
0x44: {  	_ =	shalt  }
0x45: {  	_ =	shalt  }
0x46: {  	_ =	shalt  }
0x47: {  	_ =	shalt  }
0x48: {  	_ =	shalt  }
0x49: {  	_ =	shalt  }
0x4a: {  	_ =	shalt  }
0x4b: {  	_ =	shalt  }
0x4c: {  	_ =	shalt  }
0x4d: {  	_ =	shalt  }
0x4e: {  	_ =	shalt  }
0x4f: {  	_ =	shalt  }
0x50: {  	_ =	shalt  }
0x51: {  	_ =	shalt  }
0x52: {  	_ =	shalt  }
0x53: {  	_ =	shalt  }
0x54: {  	_ =	shalt  }
0x55: {  	_ =	shalt  }
0x56: {  	_ =	shalt  }
0x57: {  	_ =	shalt  }
0x58: {  	_ =	shalt  }
0x59: {  	_ =	shalt  }
0x5a: {  	_ =	shalt  }
0x5b: {  	_ =	shalt  }
0x5c: {  	_ =	shalt  }
0x5d: {  	_ =	shalt  }
0x5e: {  	_ =	shalt  }
0x5f: {  	_ =	shalt  }
0x60: {  	_ =	shalt  }
0x61: {  	_ =	shalt  }
0x62: {  	_ =	shalt  }
0x63: {  	_ =	shalt  }
0x64: {  	_ =	shalt  }
0x65: {  	_ =	shalt  }
0x66: {  	_ =	shalt  }
0x67: {  	_ =	shalt  }
0x68: {  	_ =	shalt  }
0x69: {  	_ =	shalt  }
0x6a: {  	_ =	shalt  }
0x6b: {  	_ =	shalt  }
0x6c: {  	_ =	shalt  }
0x6d: {  	_ =	shalt  }
0x6e: {  	_ =	shalt  }
0x6f: {  	_ =	shalt  }
0x70: {  	_ =	shalt  }
0x71: {  	_ =	shalt  }
0x72: {  	_ =	shalt  }
0x73: {  	_ =	shalt  }
0x74: {  	_ =	shalt  }
0x75: {  	_ =	shalt  }
0x76: {  	_ =	shalt  }
0x77: {  	_ =	shalt  }
0x78: {  	_ =	shalt  }
0x79: {  	_ =	shalt  }
0x7a: {  	_ =	shalt  }
0x7b: {  	_ =	shalt  }
0x7c: {  	_ =	shalt  }
0x7d: {  	_ =	shalt  }
0x7e: {  	_ =	shalt  }
0x7f: {  	_ =	shalt  }
0x80: {  	_ =	shalt  }
0x81: {  	_ =	shalt  }
0x82: {  	_ =	shalt  }
0x83: {  	_ =	shalt  }
0x84: {  	_ =	shalt  }
0x85: {  	_ =	shalt  }
0x86: {  	_ =	shalt  }
0x87: {  	_ =	shalt  }
.Lfunc_end0:
.L_simem_size_0:
called_computation.1_lowered:
.L_overlay_start_0:
0x88: {  	s2 =	sld [smem:$0x3FD9]  }
0x89: {  	s3 =	sld [smem:$0x3FFE];
	_ =	sdelay $0x1  }
0x8a: {  	s1 =	srdreg.scid  }
0x8b: {  	s0 =	sand.u32 $0x1, s1  }
0x8c: {  	s16 =	sshll.u32 s0, $0xA;
	s2 =	sadd.s32 s3, s2  }
0x8d: {  	s2 =	sadd.s32 s2, s16  }
0x8e: {  	[smem:$0x3FB3] =	sst s2  }
0x8f: {  	_ = 	snop  }
0x90: {  	(tm) =	ssettm $0x1  }
0x91: {  	s17 =	sld [smem:$0x3FFB];
	_ =	sdelay $0x3  }
0x92: {  	_ =	strace s17  }
0x93: {  	s2 =	sld [smem:$0x3FFC];
	_ =	sdelay $0x3  }
0x94: {  	_ =	strace s2  }
0x95: {  	s2 =	sld [smem:$0x3FFD];
	_ =	sdelay $0x3  }
0x96: {  	_ =	strace s2  }
0x97: {  	_ =	strace $0x8FFFFFFF  }
0x98: {  	s18 =	sld [smem:$0x3FDB];
	_ =	sdelay $0x1  }
0x99: {  	s19 =	simm.s32 $_scs_section_size  }
0x9a: {  	s4 =	simm.s32 $_size__tile_overlayer_lowered;
	s5 =	simm.s32 $_tile_overlayer_lowered  }
0x9b: {  	s22 =	simm.s32 $0x1BFF;
	s21 =	sshll.u32 s5, $0x1;
	s2 =	sadd.s32 s19, s18  }
0x9c: {  	s6 =	simm.s32 $0x0;
	s20 =	sshll.u32 s4, $0x1;
	s4 =	sadd.s32 s21, s2  }
0x9d: {  	[timem:s6], [sflag:s22] =	dma.local [hbm:s4], s20  }
0x9e: {  	_ =	swait.ge [sflag:s22], s20  }
0x9f: {  	s3 =	ssub.s32 $0x0, s20;
	[sflag:s22] =	ssyncset.done $0x0  }
0xa0: {  	[sflag:s22] =	ssyncadd.s32 s3;
	_ =	sdelay $0x1  }
0xa1: {  	s23 =	simm.s32 $0x1B8B  }
0xa2: {  	_ =	swait.ge [sflag:s23], $0x1  }
0xa3: {  	[sflag:s23] =	ssyncset.done $0x0  }
0xa4: {  	s25 =	simm.s32 $0x1B8E;
	s24 =	sld [smem:$0x3FFE];
	[sflag:s23] =	ssyncadd.s32 $0xFFFFFFFF  }
0xa5: {  	s26 =	simm.s32 $execute0_lowered;
	[smem:$0x3FD2] =	sst s25  }
0xa6: {  	s4 =	sshll.u32 s26, $0x1;
	_ =	strace $0x80000049;
	[dreg:$0x1] =	wrdreg $0xFFFFFFFF  }
0xa7: {  	s28 =	simm.s32 $_size_execute0_lowered;
	s2 =	sadd.s32 s2, s4;
	[dreg:$0x0] =	wrdreg $0x0  }
0xa8: {  	s4 =	sshll.u32 s28, $0x1;
	[dreg:$0x2] =	wrdreg s2  }
0xa9: {  	[dreg:$0x3] =	wrdreg s4  }
0xaa: {  	[dreg:$0x4] =	wrdreg $0xC0  }
0xab: {  	_ =	task [dreg:s6], $0x5FFFF  }
0xac: {  	[dreg:$0x1] =	wrdreg $0xFFFFFFFF  }
0xad: {  	[dreg:$0x0] =	wrdreg $0x60  }
0xae: {  	[dreg:$0x2] =	wrdreg s24  }
0xaf: {  	[dreg:$0x3] =	wrdreg $0x8F800  }
0xb0: {  	[dreg:$0x4] =	wrdreg $0x9  }
0xb1: {  	_ =	task.clear_ibuf [dreg:s6], $0x5FFFF;
	_ =	strace $0x90000049  }
0xb2: {  	s29 =	simm.s32 $0x9;
	_ =	strace $0x8000004B  }
0xb3: {  	_ =	swait.ge [sflag:s29], $0x1  }
0xb4: {  	[sflag:s29] =	ssyncadd.s32 $0xFFFFFFFF  }
0xb5: {  	_ =	strace $0x9000004B  }
0xb6: {  	_ =	sfence  }
0xb7: {  	s30 =	sld [smem:$0x0];
	_ =	sdelay $0x2  }
0xb8: {  	s31 =	sshll.u32 s1, $0xD;
	s1 =	sshrl.u32 s1, $0x2  }
0xb9: {  	s3 =	sand.u32 $0x4000, s31;
	s1 =	sadd.s32 s1, s30  }
0xba: {  	s0 =	sor.u32 s3, s0;
	s1 =	sshll.u32 s1, $0x11  }
0xbb: {  	s0 =	sor.u32 s1, s0  }
0xbc: {  	s0 =	sadd.s32 $0x8F2B, s0  }
0xbd: {  	[sflag:s0] =	ssyncadd.remote.s32 $0x1  }
0xbe: {  	_ =	sfence.sel $0xFFFF  }
0xbf: {  	[dreg:$0x0] =	wrdreg $0xFFFFFFFF;
	(pc) =	sbr.abs _section_cstart, $3  }
0xc0: {  	[dreg:$0x1] =	wrdreg $0xFFFFFFFF  }
0xc1: {  	_ =	task.clear_ibuf [dreg:s6], $0x2FFFF;
	_ =	strace $0x9FFFFFFF  }
0xc2: {  	(tm) =	ssettm $0x7FFFFFFF  }
0xc3: {  	_ =	shalt  }
tec
execute0_lowered:
.L_overlay_start_1:
0x0: {  	(tag) =	ssettag $0x1  }
0x1: {  	s1 =	srdreg.scid;
	s6 =	rddreg [dreg:$0x0]  }
0x2: {  	s0 =	stileid.u32;
	s2 =	rddreg [dreg:$0x1]  }
0x3: {  	s3 =	simm.s32 $0x0;
	s13 =	simm.s32 $0x80;
	s14 =	simm.s32 $0x400  }
0x4: {  	s15 =	simm.s32 $0x50;
	s16 =	simm.s32 $0x6780;
	s17 =	simm.s32 $0x1  }
0x5: {  	s18 =	simm.s32 $0x0;
	s5 =	sand.u32 $0x1, s1;
	s28 =	smul.u32 $0x2800, s0  }
0x6: {  	s25 =	sshrl.u32 s0, $0x3;
	s1 =	rddreg [dreg:$0x2];
	s12 =	smul.u32 $0x50000, s0  }
0x7: {  	s8 =	sshll.u32 s0, $0x7;
	[smem:$0x7FF] =	sst s3;
	s4 =	smul.u32 $0x27800, s5  }
0x8: {  	s9 =	sshll.u32 s0, $0xB;
	s31 =	sshll.u32 s0, $0x6;
	s7 =	smul.u32 $0x13C00, s25  }
0x9: {  	s26 =	sand.u32 $0x380, s8;
	_ =	strace $0x8000004A;
	s10 =	smul.u32 $0x28000, s5  }
0xa: {  	s9 =	sadd.s32 s9, s6;
	s11 =	ssub.s32 $0x2, s5;
	s5 =	sadd.s32 $0x34400, s6  }
0xb: {  	s29 =	sshrl.u32 s11, $0x1;
	s30 =	sshrl.u32 s12, $0x2;
	s4 =	sadd.s32 s4, s7  }
0xc: {  	s8 =	sadd.s32 s28, s10;
	s10 =	ssub.s32 s11, s29;
	s12 =	sadd.s32 s30, s2  }
0xd: {  	s11 =	sor.u32 $0x1C02, s31;
	s7 =	sor.u32 s26, s4;
	s4 =	sadd.s32 $0x41800, s6  }
0xe: {  	s8 =	sadd.s32 s8, s6;
	s12 =	sshrl.u32 s12, $0x3;
	s7 =	sshrl.u32 s7, $0x3  }
0xf: {  	s8 =	sadd.s32 $0x8FA00, s8;
	s7 =	sadd.s32 s7, s6;
	s6 =	sadd.s32 $0x5200, s9  }
0x10: {  	s9 =	smax.u32 s10, $0x1;
	s10 =	simm.s32 $0x2;
	s7 =	sadd.s32 $0x37A00, s7  }
.LBB2_1:
0x11: {  	s19 =	simm.s32 $0x2780  }
0x12: {  	[tilespmem:s19], [sflag:$0x2] =	stream.linear.gather [hbm4b:s6+s3], $0x3E80, $0x38;
	[tilespmem:$0x1CF80] =	vst v63  }
0x13: {  	_ =	swait.ge [sflag:s10], $0x3E80  }
0x14: {  	[sflag:s10] =	ssyncset.done $0x0  }
0x15: {  	[sflag:s10] =	ssyncadd.s32 $0xFFFFC180  }
0x16: {  	[spmem:s12], [sflag:s11] =	dma.local [hbm:s5], $0x2800  }
0x17: {  	_ =	swait.ge [sflag:s10], $0x2800  }
0x18: {  	[sflag:s10] =	ssyncset.done $0x0  }
0x19: {  	[sflag:s10] =	ssyncadd.s32 $0xFFFFD800  }
0x1a: {  	[tilespmem:s3], [sflag:$0x2] =	stream.strided.gather [hbm4b:s7+s13], $0x2780, s14, s13, $0x38;
	[tilespmem:$0x1CF80] =	vst v63  }
0x1b: {  	_ =	swait.ge [sflag:s10], $0x2780  }
0x1c: {  	[sflag:s10] =	ssyncset.done $0x0  }
0x1d: {  	[sflag:s10] =	ssyncadd.s32 $0xFFFFD880  }
0x1e: {  	s20 =	simm.s32 $0x0;
	[bflag:$0x0] =	sbarrier.arrive $0xFFFF  }
0x1f: {  	[tilespmem:s16], [sflag:$0x1] =	stream.indirect.gather [hbm4b:s4+s15], $0x80, s20, s15, $0xb8;
	[tilespmem:$0x1CF80] =	vst v63  }
0x20: {  	_ =	swait.ge [sflag:s17], $0x2800  }
0x21: {  	[sflag:s17] =	ssyncset.done $0x0  }
0x22: {  	[sflag:s17] =	ssyncadd.s32 $0xFFFFD800  }
0x23: {  	[spmem:s2] =	stream.indirect.scatter.add.f32 [tilespmem:s16], [sflag:$0x2], $0x80, s19, s15, $0xb8;
	[tilespmem:$0x1CF80] =	vst v63  }
0x24: {  	s21 =	simm.s32 $0x280;
	_ =	swait.ge [sflag:s10], $0x2800  }
0x25: {  	s20 =	simm.s32 $0x140;
	s19 =	simm.s32 $0x2800;
	[sflag:s10] =	ssyncset.done $0x0  }
.LBB2_2:
0x26: {  	s22 =	sshra.s32 s20, $0x2  }
0x27: {  	[sflag:s10] =	ssyncadd.s32 $0xFFFFD800;
	s20 =	smov.u32 s21;
	s23 =	sadd.s32 $0x140, s21  }
0x28: {  	[tilespmem:s16], [sflag:$0x1] =	stream.indirect.gather [hbm4b:s4+s15], $0x80, s22, s15, $0xb8;
	[tilespmem:$0x1CF80] =	vst v63  }
0x29: {  	p0 =	sne.s32 s21, $0x9B00;
	_ =	swait.ge [sflag:s17], $0x2800  }
.Ltmp0:
0x2a: {  	[sflag:s17] =	ssyncset.done $0x0;
	(pc) =	sbr.rel @p0 .LBB2_2-.Ltmp0, $4  }
0x2b: {  	[sflag:s17] =	ssyncadd.s32 $0xFFFFD800  }
0x2c: {  	[spmem:s2] =	stream.indirect.scatter.add.f32 [tilespmem:s16], [sflag:$0x2], $0x80, s19, s15, $0xb8;
	[tilespmem:$0x1CF80] =	vst v63  }
0x2d: {  	_ =	swait.ge [sflag:s10], $0x2800  }
0x2e: {  	s21 =	smov.u32 s23;
	s19 =	sadd.s32 $0x80, s19;
	[sflag:s10] =	ssyncset.done $0x0  }
0x2f: {  	s20 =	sshra.s32 s20, $0x2;
	[sflag:s10] =	ssyncadd.s32 $0xFFFFD800  }
0x30: {  	[tilespmem:s16], [sflag:$0x1] =	stream.indirect.gather [hbm4b:s4+s15], $0x80, s20, s15, $0xb8;
	[tilespmem:$0x1CF80] =	vst v63  }
0x31: {  	_ =	swait.ge [sflag:s17], $0x2800  }
0x32: {  	[sflag:s17] =	ssyncset.done $0x0  }
0x33: {  	[sflag:s17] =	ssyncadd.s32 $0xFFFFD800  }
0x34: {  	[spmem:s2] =	stream.indirect.scatter.add.f32 [tilespmem:s16], [sflag:$0x2], $0x80, s19, s15, $0xb8;
	[tilespmem:$0x1CF80] =	vst v63  }
0x35: {  	_ =	swait.ge [sflag:s10], $0x2800  }
0x36: {  	s18 =	sadd.s32 $0x1, s18;
	[sflag:s10] =	ssyncset.done $0x0  }
0x37: {  	p0 =	sne.s32 s18, s9;
	[sflag:s10] =	ssyncadd.s32 $0xFFFFD800  }
.Ltmp1:
0x38: {  	[bflag:$0x0] =	sbarrier.arrive $0xFFFF;
	(pc) =	sbr.rel @p0 .LBB2_1-.Ltmp1, $4  }
0x39: {  	[hbm:s8], [sflag:s11] =	dma.local [spmem:s12], $0x2800  }
0x3a: {  	_ =	swait.ge [sflag:s10], $0x2800  }
0x3b: {  	[sflag:s10] =	ssyncset.done $0x0  }
0x3c: {  	[sflag:s10] =	ssyncadd.s32 $0xFFFFD800  }
0x3d: {  	_ =	sfence.sel $0x180000  }
0x3e: {  	[bflag:$0x0] =	sbarrier.arrive $0xFFFF  }
0x3f: {  	p0 =	sne.s32 s0, $0x0;
	_ =	strace $0x9000004A  }
0x40: {  	s0 =	sadd.s32 @!p0 $0x100000, s1;
	[bflag:$0x2] =	sbarrier.arrive $0xFFFF  }
0x41: {  	[sflag:s0] =	ssyncadd.tile.s32 @!p0 $0x1;
	_ =	shalt  }
.Lfunc_end2:
_tile_overlayer_lowered:
.L_overlay_start_2:
0x42: {  	(tag) =	ssettag $0x2  }
0x43: {  	s0 =	rddreg [dreg:$0x0];
	s2 =	stileid.u32  }
0x44: {  	s1 =	rddreg [dreg:$0x1];
	p0 =	sne.s32 s2, $0x0  }
0x45: {  	s3 =	rddreg [dreg:$0x2];
	[bflag:$0x3] =	sbarrier.arrive $0xFFFF;
	s2 =	simm.s32 @!p0 $0x1C02  }
0x46: {  	[timem:s3], [sflag:s2] =	dma.local @!p0 [hbm:s0], s1  }
0x47: {  	s0 =	simm.s32 @!p0 $0x2  }
0x48: {  	_ =	swait.ge @!p0 [sflag:s0], s1  }
0x49: {  	s1 =	ssub.s32 @!p0 $0x0, s1;
	[sflag:s0] =	ssyncset.done @!p0 $0x0  }
0x4a: {  	[sflag:s0] =	ssyncadd.s32 @!p0 s1  }
0x4b: {  	[bflag:$0x3] =	sbarrier.arrive $0xFFFF  }
0x4c: {  	_ =	shalt  }

// kernel: kernel.19.cloned.1.call-start
scs
__scs_entry_jumppad:
0x0: {  	(pc) =	sbr.rel $0x88, $3  }
0x1: {  	(tag) =	ssettag $0x0;
	lr =	simm.s32 $0x1  }
0x2: {  	[smem:$0x3F8C] =	sst lr;
	_ =	strace $0xD0000000  }
0x3: {  	_ = 	snop  }
0x4: {  	_ = 	snop  }
0x5: {  	_ = 	snop  }
0x6: {  	_ = 	snop  }
0x7: {  	_ = 	snop  }
__scs_overlays_trampoline_lowered:
0x8: {  	[smem:$0x3F9B] =	sst s0  }
0x9: {  	[smem:$0x3F9C] =	sst s1  }
0xa: {  	[smem:$0x3F9D] =	sst s2  }
0xb: {  	[smem:$0x3F9E] =	sst s3  }
0xc: {  	[smem:$0x3F9F] =	sst s4  }
0xd: {  	[smem:$0x3FA0] =	sst s5  }
0xe: {  	[smem:$0x3FA1] =	sst s6  }
0xf: {  	[smem:$0x3FA2] =	sst s7  }
0x10: {  	[smem:$0x3FA3] =	sst s8  }
0x11: {  	[smem:$0x3FA4] =	sst s9;
	s0 =	simm.s32 @!p0 $0x0  }
0x12: {  	s1 =	sld [smem:$0x3F8A];
	s0 =	simm.s32 @p0 $0x1  }
0x13: {  	[smem:$0x3FA5] =	sst s0;
	s0 =	simm.s32 @!p1 $0x0  }
0x14: {  	s2 =	sld [smem:$0x3F89];
	s0 =	simm.s32 @p1 $0x1  }
0x15: {  	[smem:$0x3FA6] =	sst s0;
	s0 =	simm.s32 @!p2 $0x0  }
0x16: {  	s3 =	sld [smem:$0x3FDB];
	s0 =	simm.s32 @p2 $0x1  }
0x17: {  	s4 =	simm.s32 $0x1BF5;
	[smem:$0x3FA8] =	sst s0  }
0x18: {  	s0 =	sld [smem:$0x3F8B];
	_ =	swait.ge [sflag:s4], $0x0  }
0x19: {  	s7 =	sld [smem:$0x3F8C]  }
0x1a: {  	s8 =	sadd.s32 $0xFFFFE003, lr  }
0x1b: {  	s9 =	sadd.s32 $0xFFFFFEF7, lr;
	s5 =	simm.s32 $0xFFFFFFFF;
	p2 =	slt.u32 s8, $0xFFFFF086  }
0x1c: {  	p1 =	slt.u32 s9, $0xF7A;
	s5 =	simm.s32 @!p2 $0x0  }
0x1d: {  	s5 =	simm.s32 @p1 $0x1;
	p0 =	seq.s32 s7, s2  }
0x1e: {  	s7 =	smul.u32 @!p0 $0xF7A, s2;
	p2 =	seq.s32 @!p0 s5, $0x0  }
0x1f: {  	s9 =	smul.u32 $0xF7A, s1;
	s8 =	simm.s32 @!p0 $0x1BF5;
	p2 =	por !p2, p0  }
0x20: {  	[sflag:s8] =	ssyncset.s32 @!p0 $0xFFFFF086;
	s6 =	sadd.s32 @!p0 s3, s7;
	s7 =	simm.s32 @!p0 $0x108  }
0x21: {  	s3 =	sadd.s32 s3, s9;
	s6 =	sadd.s32 @!p0 $0x88, s6;
	s7 =	simm.s32 @p2 $0x1082  }
0x22: {  	[simem:s7], [sflag:s8] =	dma.local @!p0 [hbm:s6], $0xF7A  }
0x23: {  	s9 =	sor.u32 $0xD0000000, s2;
	s6 =	simm.s32 $0x108;
	_ =	swait.ge @!p0 [sflag:s8], $0x0  }
0x24: {  	s3 =	sadd.s32 $0x88, s3;
	s6 =	simm.s32 @!p1 $0x1082;
	[sflag:s4] =	ssyncset.s32 $0xFFFFF086  }
0x25: {  	[simem:s6], [sflag:s4] =	dma.local [hbm:s3], $0xF7A  }
0x26: {  	[smem:$0x3F8C] =	sst s1;
	(tag) =	ssettag s2;
	_ =	strace s9  }
0x27: {  	s1 =	sld [smem:$0x3F9C]  }
0x28: {  	s2 =	sld [smem:$0x3F9D]  }
0x29: {  	s4 =	sld [smem:$0x3F9F]  }
0x2a: {  	p0 =	seq.s32 s5, $0x0;
	s5 =	sld [smem:$0x3FA0]  }
0x2b: {  	s6 =	sld [smem:$0x3FA1]  }
0x2c: {  	s7 =	sld [smem:$0x3FA2]  }
0x2d: {  	s3 =	simm.s32 $0x108;
	s8 =	sld [smem:$0x3FA3]  }
0x2e: {  	s3 =	simm.s32 @!p0 $0x1082;
	s9 =	sld [smem:$0x3FA4]  }
0x2f: {  	lr =	sadd.s32 s0, s3;
	s0 =	sld [smem:$0x3F9B]  }
0x30: {  	s3 =	sld [smem:$0x3F9E]  }
0x31: {  	[smem:$0x3FA7] =	sst s10  }
0x32: {  	s10 =	sld [smem:$0x3FA5];
	_ =	sdelay $0x3  }
0x33: {  	p0 =	seq.s32 s10, $0x1;
	s10 =	sld [smem:$0x3FA7];
	_ =	sdelay $0x3  }
0x34: {  	[smem:$0x3FA7] =	sst s10  }
0x35: {  	s10 =	sld [smem:$0x3FA6];
	_ =	sdelay $0x3  }
0x36: {  	p1 =	seq.s32 s10, $0x1;
	s10 =	sld [smem:$0x3FA7];
	_ =	sdelay $0x3  }
0x37: {  	[smem:$0x3FA7] =	sst s10  }
0x38: {  	s10 =	sld [smem:$0x3FA8]  }
0x39: {  	_ = 	snop;
	(pc) =	sbr.ind lr, $3  }
0x3a: {  	_ = 	snop  }
0x3b: {  	_ = 	snop  }
0x3c: {  	p2 =	seq.s32 s10, $0x1;
	s10 =	sld [smem:$0x3FA7]  }
0x3d: {  	_ =	shalt  }
0x3e: {  	_ =	shalt  }
0x3f: {  	_ =	shalt  }
0x40: {  	_ =	shalt  }
0x41: {  	_ =	shalt  }
0x42: {  	_ =	shalt  }
0x43: {  	_ =	shalt  }
0x44: {  	_ =	shalt  }
0x45: {  	_ =	shalt  }
0x46: {  	_ =	shalt  }
0x47: {  	_ =	shalt  }
0x48: {  	_ =	shalt  }
0x49: {  	_ =	shalt  }
0x4a: {  	_ =	shalt  }
0x4b: {  	_ =	shalt  }
0x4c: {  	_ =	shalt  }
0x4d: {  	_ =	shalt  }
0x4e: {  	_ =	shalt  }
0x4f: {  	_ =	shalt  }
0x50: {  	_ =	shalt  }
0x51: {  	_ =	shalt  }
0x52: {  	_ =	shalt  }
0x53: {  	_ =	shalt  }
0x54: {  	_ =	shalt  }
0x55: {  	_ =	shalt  }
0x56: {  	_ =	shalt  }
0x57: {  	_ =	shalt  }
0x58: {  	_ =	shalt  }
0x59: {  	_ =	shalt  }
0x5a: {  	_ =	shalt  }
0x5b: {  	_ =	shalt  }
0x5c: {  	_ =	shalt  }
0x5d: {  	_ =	shalt  }
0x5e: {  	_ =	shalt  }
0x5f: {  	_ =	shalt  }
0x60: {  	_ =	shalt  }
0x61: {  	_ =	shalt  }
0x62: {  	_ =	shalt  }
0x63: {  	_ =	shalt  }
0x64: {  	_ =	shalt  }
0x65: {  	_ =	shalt  }
0x66: {  	_ =	shalt  }
0x67: {  	_ =	shalt  }
0x68: {  	_ =	shalt  }
0x69: {  	_ =	shalt  }
0x6a: {  	_ =	shalt  }
0x6b: {  	_ =	shalt  }
0x6c: {  	_ =	shalt  }
0x6d: {  	_ =	shalt  }
0x6e: {  	_ =	shalt  }
0x6f: {  	_ =	shalt  }
0x70: {  	_ =	shalt  }
0x71: {  	_ =	shalt  }
0x72: {  	_ =	shalt  }
0x73: {  	_ =	shalt  }
0x74: {  	_ =	shalt  }
0x75: {  	_ =	shalt  }
0x76: {  	_ =	shalt  }
0x77: {  	_ =	shalt  }
0x78: {  	_ =	shalt  }
0x79: {  	_ =	shalt  }
0x7a: {  	_ =	shalt  }
0x7b: {  	_ =	shalt  }
0x7c: {  	_ =	shalt  }
0x7d: {  	_ =	shalt  }
0x7e: {  	_ =	shalt  }
0x7f: {  	_ =	shalt  }
0x80: {  	_ =	shalt  }
0x81: {  	_ =	shalt  }
0x82: {  	_ =	shalt  }
0x83: {  	_ =	shalt  }
0x84: {  	_ =	shalt  }
0x85: {  	_ =	shalt  }
0x86: {  	_ =	shalt  }
0x87: {  	_ =	shalt  }
.Lfunc_end0:
.L_simem_size_0:
called_computation.2_lowered:
.L_overlay_start_0:
0x88: {  	s2 =	sld [smem:$0x3FD9]  }
0x89: {  	s3 =	sld [smem:$0x3FFE];
	_ =	sdelay $0x1  }
0x8a: {  	s1 =	srdreg.scid  }
0x8b: {  	s0 =	sand.u32 $0x1, s1  }
0x8c: {  	s16 =	sshll.u32 s0, $0xA;
	s2 =	sadd.s32 s3, s2  }
0x8d: {  	s2 =	sadd.s32 s2, s16  }
0x8e: {  	[smem:$0x3FB3] =	sst s2  }
0x8f: {  	_ = 	snop  }
0x90: {  	(tm) =	ssettm $0x1  }
0x91: {  	s17 =	sld [smem:$0x3FFB];
	_ =	sdelay $0x3  }
0x92: {  	_ =	strace s17  }
0x93: {  	s2 =	sld [smem:$0x3FFC];
	_ =	sdelay $0x3  }
0x94: {  	_ =	strace s2  }
0x95: {  	s2 =	sld [smem:$0x3FFD];
	_ =	sdelay $0x3  }
0x96: {  	_ =	strace s2  }
0x97: {  	_ =	strace $0x8FFFFFFF  }
0x98: {  	s18 =	sld [smem:$0x3FDB];
	_ =	sdelay $0x1  }
0x99: {  	s19 =	simm.s32 $_scs_section_size  }
0x9a: {  	s4 =	simm.s32 $_size__tile_overlayer_lowered;
	s5 =	simm.s32 $_tile_overlayer_lowered  }
0x9b: {  	s22 =	simm.s32 $0x1BFF;
	s21 =	sshll.u32 s5, $0x1;
	s2 =	sadd.s32 s19, s18  }
0x9c: {  	s6 =	simm.s32 $0x0;
	s20 =	sshll.u32 s4, $0x1;
	s4 =	sadd.s32 s21, s2  }
0x9d: {  	[timem:s6], [sflag:s22] =	dma.local [hbm:s4], s20  }
0x9e: {  	_ =	swait.ge [sflag:s22], s20  }
0x9f: {  	s3 =	ssub.s32 $0x0, s20;
	[sflag:s22] =	ssyncset.done $0x0  }
0xa0: {  	[sflag:s22] =	ssyncadd.s32 s3;
	_ =	sdelay $0x1  }
0xa1: {  	s23 =	simm.s32 $0x1B8B  }
0xa2: {  	_ =	swait.ge [sflag:s23], $0x1  }
0xa3: {  	[sflag:s23] =	ssyncset.done $0x0  }
0xa4: {  	s25 =	simm.s32 $0x1B8E;
	s24 =	sld [smem:$0x3FFE];
	[sflag:s23] =	ssyncadd.s32 $0xFFFFFFFF  }
0xa5: {  	s26 =	simm.s32 $execute0_lowered;
	[smem:$0x3FD2] =	sst s25  }
0xa6: {  	s4 =	sshll.u32 s26, $0x1;
	_ =	strace $0x8000004C;
	[dreg:$0x1] =	wrdreg $0xFFFFFFFF  }
0xa7: {  	s28 =	simm.s32 $_size_execute0_lowered;
	s2 =	sadd.s32 s2, s4;
	[dreg:$0x0] =	wrdreg $0x0  }
0xa8: {  	s4 =	sshll.u32 s28, $0x1;
	[dreg:$0x2] =	wrdreg s2  }
0xa9: {  	[dreg:$0x3] =	wrdreg s4  }
0xaa: {  	[dreg:$0x4] =	wrdreg $0xC0  }
0xab: {  	_ =	task [dreg:s6], $0x5FFFF  }
0xac: {  	[dreg:$0x1] =	wrdreg $0xFFFFFFFF  }
0xad: {  	[dreg:$0x0] =	wrdreg $0x60  }
0xae: {  	[dreg:$0x2] =	wrdreg s24  }
0xaf: {  	[dreg:$0x3] =	wrdreg $0x8F800  }
0xb0: {  	[dreg:$0x4] =	wrdreg $0x9  }
0xb1: {  	_ =	task.clear_ibuf [dreg:s6], $0x5FFFF;
	_ =	strace $0x9000004C  }
0xb2: {  	s29 =	simm.s32 $0x9;
	_ =	strace $0x8000004E  }
0xb3: {  	_ =	swait.ge [sflag:s29], $0x1  }
0xb4: {  	[sflag:s29] =	ssyncadd.s32 $0xFFFFFFFF  }
0xb5: {  	_ =	strace $0x9000004E  }
0xb6: {  	_ =	sfence  }
0xb7: {  	s30 =	sld [smem:$0x0];
	_ =	sdelay $0x2  }
0xb8: {  	s31 =	sshll.u32 s1, $0xD;
	s1 =	sshrl.u32 s1, $0x2  }
0xb9: {  	s3 =	sand.u32 $0x4000, s31;
	s1 =	sadd.s32 s1, s30  }
0xba: {  	s0 =	sor.u32 s3, s0;
	s1 =	sshll.u32 s1, $0x11  }
0xbb: {  	s0 =	sor.u32 s1, s0  }
0xbc: {  	s0 =	sadd.s32 $0x8F2B, s0  }
0xbd: {  	[sflag:s0] =	ssyncadd.remote.s32 $0x1  }
0xbe: {  	_ =	sfence.sel $0xFFFF  }
0xbf: {  	[dreg:$0x0] =	wrdreg $0xFFFFFFFF;
	(pc) =	sbr.abs _section_cstart, $3  }
0xc0: {  	[dreg:$0x1] =	wrdreg $0xFFFFFFFF  }
0xc1: {  	_ =	task.clear_ibuf [dreg:s6], $0x2FFFF;
	_ =	strace $0x9FFFFFFF  }
0xc2: {  	(tm) =	ssettm $0x7FFFFFFF  }
0xc3: {  	_ =	shalt  }
tec
execute0_lowered:
.L_overlay_start_1:
0x0: {  	(tag) =	ssettag $0x1  }
0x1: {  	s6 =	rddreg [dreg:$0x0]  }
0x2: {  	s2 =	rddreg [dreg:$0x1]  }
0x3: {  	s0 =	rddreg [dreg:$0x2]  }
0x4: {  	s3 =	simm.s32 $0x0;
	s1 =	stileid.u32;
	s8 =	srdreg.scid  }
0x5: {  	s19 =	simm.s32 $0x1;
	s20 =	simm.s32 $0x0;
	[smem:$0x7FF] =	sst s3  }
0x6: {  	s4 =	sadd.s32 $0xF3600, s6;
	s5 =	sshll.u32 s1, $0xB;
	s10 =	smul.u32 $0x280, s1  }
0x7: {  	s9 =	sadd.s32 $0xDFA00, s6;
	s8 =	sand.u32 $0x1, s8;
	s12 =	smul.u32 $0x50000, s1  }
0x8: {  	s13 =	sshrl.u32 s1, $0x3;
	s14 =	sadd.s32 $0x36C00, s6;
	s15 =	sshll.u32 s1, $0x7  }
0x9: {  	s31 =	sshll.u32 s1, $0x6;
	_ =	strace $0x8000004D;
	s13 =	smul.u32 $0x13C00, s13  }
0xa: {  	s7 =	sadd.s32 s5, s6;
	s5 =	sadd.s32 $0x34400, s6;
	s28 =	smul.u32 $0x4F000, s8  }
0xb: {  	s11 =	ssub.s32 $0x2, s8;
	s16 =	sshllo.u32 s8, $0x1;
	s8 =	smul.u32 $0x5000, s8  }
0xc: {  	s15 =	sand.u32 $0x380, s15;
	s26 =	sshrl.u32 s11, $0x1;
	s17 =	smul.u32 $0x27800, s16  }
0xd: {  	s6 =	sadd.s32 $0x5200, s7;
	s12 =	sshrl.u32 s12, $0x2;
	s30 =	smul.u32 $0x2800, s16  }
0xe: {  	s16 =	simm.s32 $0x400;
	s11 =	ssub.s32 s11, s26;
	s7 =	sadd.s32 s28, s13  }
0xf: {  	s18 =	sadd.s32 s12, s2;
	s8 =	sadd.s32 s10, s8;
	s7 =	sor.u32 s15, s7  }
0x10: {  	s29 =	sadd.s32 s13, s17;
	s8 =	sshll.u32 s8, $0x4;
	s10 =	sadd.s32 s10, s30  }
0x11: {  	s11 =	smax.u32 s11, $0x1;
	s13 =	sor.u32 $0x1C02, s31;
	s17 =	simm.s32 $0x50  }
0x12: {  	s7 =	sshrl.u32 s7, $0x3;
	s12 =	sor.u32 s15, s29;
	s8 =	sadd.s32 s14, s8  }
0x13: {  	s10 =	sshll.u32 s10, $0x4;
	s15 =	simm.s32 $0x80;
	s7 =	sadd.s32 s9, s7  }
0x14: {  	s12 =	sshrl.u32 s12, $0x3;
	s10 =	sadd.s32 s14, s10;
	s14 =	sshrl.u32 s18, $0x3  }
0x15: {  	s18 =	simm.s32 $0x6780;
	s9 =	sadd.s32 s9, s12;
	s12 =	simm.s32 $0x2  }
.LBB2_1:
0x16: {  	s21 =	simm.s32 $0x2780  }
0x17: {  	[tilespmem:s21], [sflag:$0x2] =	stream.linear.gather [hbm4b:s6+s3], $0x3E80, $0x38;
	[tilespmem:$0x1CF80] =	vst v63  }
0x18: {  	_ =	swait.ge [sflag:s12], $0x3E80  }
0x19: {  	[sflag:s12] =	ssyncset.done $0x0  }
0x1a: {  	[sflag:s12] =	ssyncadd.s32 $0xFFFFC180  }
0x1b: {  	[spmem:s14], [sflag:s13] =	dma.local [hbm:s5], $0x2800  }
0x1c: {  	_ =	swait.ge [sflag:s12], $0x2800  }
0x1d: {  	[sflag:s12] =	ssyncset.done $0x0  }
0x1e: {  	[sflag:s12] =	ssyncadd.s32 $0xFFFFD800  }
0x1f: {  	[tilespmem:s3], [sflag:$0x2] =	stream.strided.gather [hbm4b:s7+s15], $0x2780, s16, s15, $0x38;
	[tilespmem:$0x1CF80] =	vst v63  }
0x20: {  	_ =	swait.ge [sflag:s12], $0x2780  }
0x21: {  	[sflag:s12] =	ssyncset.done $0x0  }
0x22: {  	[sflag:s12] =	ssyncadd.s32 $0xFFFFD880  }
0x23: {  	s22 =	simm.s32 $0x0;
	[bflag:$0x0] =	sbarrier.arrive $0xFFFF  }
0x24: {  	[tilespmem:s18], [sflag:$0x1] =	stream.indirect.gather [hbm4b:s4+s17], $0x80, s22, s17, $0xb8;
	[tilespmem:$0x1CF80] =	vst v63  }
0x25: {  	_ =	swait.ge [sflag:s19], $0x2800  }
0x26: {  	[sflag:s19] =	ssyncset.done $0x0  }
0x27: {  	[sflag:s19] =	ssyncadd.s32 $0xFFFFD800  }
0x28: {  	[spmem:s2] =	stream.indirect.scatter.add.f32 [tilespmem:s18], [sflag:$0x2], $0x80, s21, s17, $0xb8;
	[tilespmem:$0x1CF80] =	vst v63  }
0x29: {  	s23 =	simm.s32 $0x280;
	_ =	swait.ge [sflag:s12], $0x2800  }
0x2a: {  	s22 =	simm.s32 $0x140;
	s21 =	simm.s32 $0x2800;
	[sflag:s12] =	ssyncset.done $0x0  }
.LBB2_2:
0x2b: {  	s24 =	sshra.s32 s22, $0x2  }
0x2c: {  	[sflag:s12] =	ssyncadd.s32 $0xFFFFD800;
	s22 =	smov.u32 s23;
	s25 =	sadd.s32 $0x140, s23  }
0x2d: {  	[tilespmem:s18], [sflag:$0x1] =	stream.indirect.gather [hbm4b:s4+s17], $0x80, s24, s17, $0xb8;
	[tilespmem:$0x1CF80] =	vst v63  }
0x2e: {  	p0 =	sne.s32 s23, $0x9B00;
	_ =	swait.ge [sflag:s19], $0x2800  }
.Ltmp0:
0x2f: {  	[sflag:s19] =	ssyncset.done $0x0;
	(pc) =	sbr.rel @p0 .LBB2_2-.Ltmp0, $4  }
0x30: {  	[sflag:s19] =	ssyncadd.s32 $0xFFFFD800  }
0x31: {  	[spmem:s2] =	stream.indirect.scatter.add.f32 [tilespmem:s18], [sflag:$0x2], $0x80, s21, s17, $0xb8;
	[tilespmem:$0x1CF80] =	vst v63  }
0x32: {  	_ =	swait.ge [sflag:s12], $0x2800  }
0x33: {  	s23 =	smov.u32 s25;
	s21 =	sadd.s32 $0x80, s21;
	[sflag:s12] =	ssyncset.done $0x0  }
0x34: {  	s22 =	sshra.s32 s22, $0x2;
	[sflag:s12] =	ssyncadd.s32 $0xFFFFD800  }
0x35: {  	[tilespmem:s18], [sflag:$0x1] =	stream.indirect.gather [hbm4b:s4+s17], $0x80, s22, s17, $0xb8;
	[tilespmem:$0x1CF80] =	vst v63  }
0x36: {  	_ =	swait.ge [sflag:s19], $0x2800  }
0x37: {  	[sflag:s19] =	ssyncset.done $0x0  }
0x38: {  	[sflag:s19] =	ssyncadd.s32 $0xFFFFD800  }
0x39: {  	[spmem:s2] =	stream.indirect.scatter.add.f32 [tilespmem:s18], [sflag:$0x2], $0x80, s21, s17, $0xb8;
	[tilespmem:$0x1CF80] =	vst v63  }
0x3a: {  	_ =	swait.ge [sflag:s12], $0x2800  }
0x3b: {  	[sflag:s12] =	ssyncset.done $0x0  }
0x3c: {  	[sflag:s12] =	ssyncadd.s32 $0xFFFFD800  }
0x3d: {  	[bflag:$0x0] =	sbarrier.arrive $0xFFFF  }
0x3e: {  	[hbm:s8], [sflag:s13] =	dma.local [spmem:s14], $0x2800  }
0x3f: {  	_ =	swait.ge [sflag:s12], $0x2800  }
0x40: {  	[sflag:s12] =	ssyncset.done $0x0  }
0x41: {  	[sflag:s12] =	ssyncadd.s32 $0xFFFFD800  }
0x42: {  	[spmem:s14], [sflag:s13] =	dma.local [hbm:s5], $0x2800  }
0x43: {  	_ =	swait.ge [sflag:s12], $0x2800  }
0x44: {  	[sflag:s12] =	ssyncset.done $0x0  }
0x45: {  	s29 =	simm.s32 $0x0;
	[sflag:s12] =	ssyncadd.s32 $0xFFFFD800  }
0x46: {  	[tilespmem:s29], [sflag:$0x2] =	stream.strided.gather [hbm4b:s9+s15], $0x2780, s16, s15, $0x38;
	[tilespmem:$0x1CF80] =	vst v63  }
0x47: {  	_ =	swait.ge [sflag:s12], $0x2780  }
0x48: {  	[sflag:s12] =	ssyncset.done $0x0  }
0x49: {  	[sflag:s12] =	ssyncadd.s32 $0xFFFFD880  }
0x4a: {  	s30 =	simm.s32 $0x0;
	[bflag:$0x0] =	sbarrier.arrive $0xFFFF  }
0x4b: {  	[tilespmem:s18], [sflag:$0x1] =	stream.indirect.gather [hbm4b:s4+s17], $0x80, s30, s17, $0xb8;
	[tilespmem:$0x1CF80] =	vst v63  }
0x4c: {  	_ =	swait.ge [sflag:s19], $0x2800  }
0x4d: {  	[sflag:s19] =	ssyncset.done $0x0  }
0x4e: {  	s31 =	simm.s32 $0x2780;
	[sflag:s19] =	ssyncadd.s32 $0xFFFFD800  }
0x4f: {  	[spmem:s2] =	stream.indirect.scatter.add.f32 [tilespmem:s18], [sflag:$0x2], $0x80, s31, s17, $0xb8;
	[tilespmem:$0x1CF80] =	vst v63  }
0x50: {  	s23 =	simm.s32 $0x280;
	_ =	swait.ge [sflag:s12], $0x2800  }
0x51: {  	s22 =	simm.s32 $0x140;
	s21 =	simm.s32 $0x2800;
	[sflag:s12] =	ssyncset.done $0x0  }
.LBB2_4:
0x52: {  	s24 =	sshra.s32 s22, $0x2  }
0x53: {  	[sflag:s12] =	ssyncadd.s32 $0xFFFFD800;
	s22 =	smov.u32 s23;
	s25 =	sadd.s32 $0x140, s23  }
0x54: {  	[tilespmem:s18], [sflag:$0x1] =	stream.indirect.gather [hbm4b:s4+s17], $0x80, s24, s17, $0xb8;
	[tilespmem:$0x1CF80] =	vst v63  }
0x55: {  	p0 =	sne.s32 s23, $0x9B00;
	_ =	swait.ge [sflag:s19], $0x2800  }
.Ltmp1:
0x56: {  	[sflag:s19] =	ssyncset.done $0x0;
	(pc) =	sbr.rel @p0 .LBB2_4-.Ltmp1, $4  }
0x57: {  	[sflag:s19] =	ssyncadd.s32 $0xFFFFD800  }
0x58: {  	[spmem:s2] =	stream.indirect.scatter.add.f32 [tilespmem:s18], [sflag:$0x2], $0x80, s21, s17, $0xb8;
	[tilespmem:$0x1CF80] =	vst v63  }
0x59: {  	_ =	swait.ge [sflag:s12], $0x2800  }
0x5a: {  	s23 =	smov.u32 s25;
	s21 =	sadd.s32 $0x80, s21;
	[sflag:s12] =	ssyncset.done $0x0  }
0x5b: {  	s22 =	sshra.s32 s22, $0x2;
	[sflag:s12] =	ssyncadd.s32 $0xFFFFD800  }
0x5c: {  	[tilespmem:s18], [sflag:$0x1] =	stream.indirect.gather [hbm4b:s4+s17], $0x80, s22, s17, $0xb8;
	[tilespmem:$0x1CF80] =	vst v63  }
0x5d: {  	_ =	swait.ge [sflag:s19], $0x2800  }
0x5e: {  	[sflag:s19] =	ssyncset.done $0x0  }
0x5f: {  	[sflag:s19] =	ssyncadd.s32 $0xFFFFD800  }
0x60: {  	[spmem:s2] =	stream.indirect.scatter.add.f32 [tilespmem:s18], [sflag:$0x2], $0x80, s21, s17, $0xb8;
	[tilespmem:$0x1CF80] =	vst v63  }
0x61: {  	_ =	swait.ge [sflag:s12], $0x2800  }
0x62: {  	s20 =	sadd.s32 $0x1, s20;
	[sflag:s12] =	ssyncset.done $0x0  }
0x63: {  	p0 =	sne.s32 s20, s11;
	[sflag:s12] =	ssyncadd.s32 $0xFFFFD800  }
.Ltmp2:
0x64: {  	[bflag:$0x0] =	sbarrier.arrive $0xFFFF;
	(pc) =	sbr.rel @p0 .LBB2_1-.Ltmp2, $4  }
0x65: {  	[hbm:s10], [sflag:s13] =	dma.local [spmem:s14], $0x2800  }
0x66: {  	_ =	swait.ge [sflag:s12], $0x2800  }
0x67: {  	[sflag:s12] =	ssyncset.done $0x0  }
0x68: {  	[sflag:s12] =	ssyncadd.s32 $0xFFFFD800  }
0x69: {  	_ =	sfence.sel $0x180000  }
0x6a: {  	[bflag:$0x0] =	sbarrier.arrive $0xFFFF  }
0x6b: {  	p0 =	sne.s32 s1, $0x0;
	_ =	strace $0x9000004D  }
0x6c: {  	s0 =	sadd.s32 @!p0 $0x100000, s0;
	[bflag:$0x2] =	sbarrier.arrive $0xFFFF  }
0x6d: {  	[sflag:s0] =	ssyncadd.tile.s32 @!p0 $0x1;
	_ =	shalt  }
.Lfunc_end2:
_tile_overlayer_lowered:
.L_overlay_start_2:
0x6e: {  	(tag) =	ssettag $0x2  }
0x6f: {  	s0 =	rddreg [dreg:$0x0];
	s2 =	stileid.u32  }
0x70: {  	s1 =	rddreg [dreg:$0x1];
	p0 =	sne.s32 s2, $0x0  }
0x71: {  	s3 =	rddreg [dreg:$0x2];
	[bflag:$0x3] =	sbarrier.arrive $0xFFFF;
	s2 =	simm.s32 @!p0 $0x1C02  }
0x72: {  	[timem:s3], [sflag:s2] =	dma.local @!p0 [hbm:s0], s1  }
0x73: {  	s0 =	simm.s32 @!p0 $0x2  }
0x74: {  	_ =	swait.ge @!p0 [sflag:s0], s1  }
0x75: {  	s1 =	ssub.s32 @!p0 $0x0, s1;
	[sflag:s0] =	ssyncset.done @!p0 $0x0  }
0x76: {  	[sflag:s0] =	ssyncadd.s32 @!p0 s1  }
0x77: {  	[bflag:$0x3] =	sbarrier.arrive $0xFFFF  }
0x78: {  	_ =	shalt  }

// kernel: kernel.22.cloned.1.call-start
scs
__scs_entry_jumppad:
0x0: {  	(pc) =	sbr.rel $0x88, $3  }
0x1: {  	(tag) =	ssettag $0x0;
	lr =	simm.s32 $0x1  }
0x2: {  	[smem:$0x3F8C] =	sst lr;
	_ =	strace $0xD0000000  }
0x3: {  	_ = 	snop  }
0x4: {  	_ = 	snop  }
0x5: {  	_ = 	snop  }
0x6: {  	_ = 	snop  }
0x7: {  	_ = 	snop  }
__scs_overlays_trampoline_lowered:
0x8: {  	[smem:$0x3F9B] =	sst s0  }
0x9: {  	[smem:$0x3F9C] =	sst s1  }
0xa: {  	[smem:$0x3F9D] =	sst s2  }
0xb: {  	[smem:$0x3F9E] =	sst s3  }
0xc: {  	[smem:$0x3F9F] =	sst s4  }
0xd: {  	[smem:$0x3FA0] =	sst s5  }
0xe: {  	[smem:$0x3FA1] =	sst s6  }
0xf: {  	[smem:$0x3FA2] =	sst s7  }
0x10: {  	[smem:$0x3FA3] =	sst s8  }
0x11: {  	[smem:$0x3FA4] =	sst s9;
	s0 =	simm.s32 @!p0 $0x0  }
0x12: {  	s1 =	sld [smem:$0x3F8A];
	s0 =	simm.s32 @p0 $0x1  }
0x13: {  	[smem:$0x3FA5] =	sst s0;
	s0 =	simm.s32 @!p1 $0x0  }
0x14: {  	s2 =	sld [smem:$0x3F89];
	s0 =	simm.s32 @p1 $0x1  }
0x15: {  	[smem:$0x3FA6] =	sst s0;
	s0 =	simm.s32 @!p2 $0x0  }
0x16: {  	s3 =	sld [smem:$0x3FDB];
	s0 =	simm.s32 @p2 $0x1  }
0x17: {  	s4 =	simm.s32 $0x1BF5;
	[smem:$0x3FA8] =	sst s0  }
0x18: {  	s0 =	sld [smem:$0x3F8B];
	_ =	swait.ge [sflag:s4], $0x0  }
0x19: {  	s7 =	sld [smem:$0x3F8C]  }
0x1a: {  	s8 =	sadd.s32 $0xFFFFE003, lr  }
0x1b: {  	s9 =	sadd.s32 $0xFFFFFEF7, lr;
	s5 =	simm.s32 $0xFFFFFFFF;
	p2 =	slt.u32 s8, $0xFFFFF086  }
0x1c: {  	p1 =	slt.u32 s9, $0xF7A;
	s5 =	simm.s32 @!p2 $0x0  }
0x1d: {  	s5 =	simm.s32 @p1 $0x1;
	p0 =	seq.s32 s7, s2  }
0x1e: {  	s7 =	smul.u32 @!p0 $0xF7A, s2;
	p2 =	seq.s32 @!p0 s5, $0x0  }
0x1f: {  	s9 =	smul.u32 $0xF7A, s1;
	s8 =	simm.s32 @!p0 $0x1BF5;
	p2 =	por !p2, p0  }
0x20: {  	[sflag:s8] =	ssyncset.s32 @!p0 $0xFFFFF086;
	s6 =	sadd.s32 @!p0 s3, s7;
	s7 =	simm.s32 @!p0 $0x108  }
0x21: {  	s3 =	sadd.s32 s3, s9;
	s6 =	sadd.s32 @!p0 $0x88, s6;
	s7 =	simm.s32 @p2 $0x1082  }
0x22: {  	[simem:s7], [sflag:s8] =	dma.local @!p0 [hbm:s6], $0xF7A  }
0x23: {  	s9 =	sor.u32 $0xD0000000, s2;
	s6 =	simm.s32 $0x108;
	_ =	swait.ge @!p0 [sflag:s8], $0x0  }
0x24: {  	s3 =	sadd.s32 $0x88, s3;
	s6 =	simm.s32 @!p1 $0x1082;
	[sflag:s4] =	ssyncset.s32 $0xFFFFF086  }
0x25: {  	[simem:s6], [sflag:s4] =	dma.local [hbm:s3], $0xF7A  }
0x26: {  	[smem:$0x3F8C] =	sst s1;
	(tag) =	ssettag s2;
	_ =	strace s9  }
0x27: {  	s1 =	sld [smem:$0x3F9C]  }
0x28: {  	s2 =	sld [smem:$0x3F9D]  }
0x29: {  	s4 =	sld [smem:$0x3F9F]  }
0x2a: {  	p0 =	seq.s32 s5, $0x0;
	s5 =	sld [smem:$0x3FA0]  }
0x2b: {  	s6 =	sld [smem:$0x3FA1]  }
0x2c: {  	s7 =	sld [smem:$0x3FA2]  }
0x2d: {  	s3 =	simm.s32 $0x108;
	s8 =	sld [smem:$0x3FA3]  }
0x2e: {  	s3 =	simm.s32 @!p0 $0x1082;
	s9 =	sld [smem:$0x3FA4]  }
0x2f: {  	lr =	sadd.s32 s0, s3;
	s0 =	sld [smem:$0x3F9B]  }
0x30: {  	s3 =	sld [smem:$0x3F9E]  }
0x31: {  	[smem:$0x3FA7] =	sst s10  }
0x32: {  	s10 =	sld [smem:$0x3FA5];
	_ =	sdelay $0x3  }
0x33: {  	p0 =	seq.s32 s10, $0x1;
	s10 =	sld [smem:$0x3FA7];
	_ =	sdelay $0x3  }
0x34: {  	[smem:$0x3FA7] =	sst s10  }
0x35: {  	s10 =	sld [smem:$0x3FA6];
	_ =	sdelay $0x3  }
0x36: {  	p1 =	seq.s32 s10, $0x1;
	s10 =	sld [smem:$0x3FA7];
	_ =	sdelay $0x3  }
0x37: {  	[smem:$0x3FA7] =	sst s10  }
0x38: {  	s10 =	sld [smem:$0x3FA8]  }
0x39: {  	_ = 	snop;
	(pc) =	sbr.ind lr, $3  }
0x3a: {  	_ = 	snop  }
0x3b: {  	_ = 	snop  }
0x3c: {  	p2 =	seq.s32 s10, $0x1;
	s10 =	sld [smem:$0x3FA7]  }
0x3d: {  	_ =	shalt  }
0x3e: {  	_ =	shalt  }
0x3f: {  	_ =	shalt  }
0x40: {  	_ =	shalt  }
0x41: {  	_ =	shalt  }
0x42: {  	_ =	shalt  }
0x43: {  	_ =	shalt  }
0x44: {  	_ =	shalt  }
0x45: {  	_ =	shalt  }
0x46: {  	_ =	shalt  }
0x47: {  	_ =	shalt  }
0x48: {  	_ =	shalt  }
0x49: {  	_ =	shalt  }
0x4a: {  	_ =	shalt  }
0x4b: {  	_ =	shalt  }
0x4c: {  	_ =	shalt  }
0x4d: {  	_ =	shalt  }
0x4e: {  	_ =	shalt  }
0x4f: {  	_ =	shalt  }
0x50: {  	_ =	shalt  }
0x51: {  	_ =	shalt  }
0x52: {  	_ =	shalt  }
0x53: {  	_ =	shalt  }
0x54: {  	_ =	shalt  }
0x55: {  	_ =	shalt  }
0x56: {  	_ =	shalt  }
0x57: {  	_ =	shalt  }
0x58: {  	_ =	shalt  }
0x59: {  	_ =	shalt  }
0x5a: {  	_ =	shalt  }
0x5b: {  	_ =	shalt  }
0x5c: {  	_ =	shalt  }
0x5d: {  	_ =	shalt  }
0x5e: {  	_ =	shalt  }
0x5f: {  	_ =	shalt  }
0x60: {  	_ =	shalt  }
0x61: {  	_ =	shalt  }
0x62: {  	_ =	shalt  }
0x63: {  	_ =	shalt  }
0x64: {  	_ =	shalt  }
0x65: {  	_ =	shalt  }
0x66: {  	_ =	shalt  }
0x67: {  	_ =	shalt  }
0x68: {  	_ =	shalt  }
0x69: {  	_ =	shalt  }
0x6a: {  	_ =	shalt  }
0x6b: {  	_ =	shalt  }
0x6c: {  	_ =	shalt  }
0x6d: {  	_ =	shalt  }
0x6e: {  	_ =	shalt  }
0x6f: {  	_ =	shalt  }
0x70: {  	_ =	shalt  }
0x71: {  	_ =	shalt  }
0x72: {  	_ =	shalt  }
0x73: {  	_ =	shalt  }
0x74: {  	_ =	shalt  }
0x75: {  	_ =	shalt  }
0x76: {  	_ =	shalt  }
0x77: {  	_ =	shalt  }
0x78: {  	_ =	shalt  }
0x79: {  	_ =	shalt  }
0x7a: {  	_ =	shalt  }
0x7b: {  	_ =	shalt  }
0x7c: {  	_ =	shalt  }
0x7d: {  	_ =	shalt  }
0x7e: {  	_ =	shalt  }
0x7f: {  	_ =	shalt  }
0x80: {  	_ =	shalt  }
0x81: {  	_ =	shalt  }
0x82: {  	_ =	shalt  }
0x83: {  	_ =	shalt  }
0x84: {  	_ =	shalt  }
0x85: {  	_ =	shalt  }
0x86: {  	_ =	shalt  }
0x87: {  	_ =	shalt  }
.Lfunc_end0:
.L_simem_size_0:
called_computation.3_lowered:
.L_overlay_start_0:
0x88: {  	s2 =	sld [smem:$0x3FD9]  }
0x89: {  	s3 =	sld [smem:$0x3FFE];
	_ =	sdelay $0x1  }
0x8a: {  	s1 =	srdreg.scid  }
0x8b: {  	s0 =	sand.u32 $0x1, s1  }
0x8c: {  	s16 =	sshll.u32 s0, $0xA;
	s2 =	sadd.s32 s3, s2  }
0x8d: {  	s2 =	sadd.s32 s2, s16  }
0x8e: {  	[smem:$0x3FB3] =	sst s2  }
0x8f: {  	_ = 	snop  }
0x90: {  	(tm) =	ssettm $0x1  }
0x91: {  	s17 =	sld [smem:$0x3FFB];
	_ =	sdelay $0x3  }
0x92: {  	_ =	strace s17  }
0x93: {  	s2 =	sld [smem:$0x3FFC];
	_ =	sdelay $0x3  }
0x94: {  	_ =	strace s2  }
0x95: {  	s2 =	sld [smem:$0x3FFD];
	_ =	sdelay $0x3  }
0x96: {  	_ =	strace s2  }
0x97: {  	_ =	strace $0x8FFFFFFF  }
0x98: {  	s18 =	sld [smem:$0x3FDB];
	_ =	sdelay $0x1  }
0x99: {  	s19 =	simm.s32 $_scs_section_size  }
0x9a: {  	s4 =	simm.s32 $_size__tile_overlayer_lowered;
	s5 =	simm.s32 $_tile_overlayer_lowered  }
0x9b: {  	s22 =	simm.s32 $0x1BFF;
	s21 =	sshll.u32 s5, $0x1;
	s2 =	sadd.s32 s19, s18  }
0x9c: {  	s6 =	simm.s32 $0x0;
	s20 =	sshll.u32 s4, $0x1;
	s4 =	sadd.s32 s21, s2  }
0x9d: {  	[timem:s6], [sflag:s22] =	dma.local [hbm:s4], s20  }
0x9e: {  	_ =	swait.ge [sflag:s22], s20  }
0x9f: {  	s3 =	ssub.s32 $0x0, s20;
	[sflag:s22] =	ssyncset.done $0x0  }
0xa0: {  	[sflag:s22] =	ssyncadd.s32 s3;
	_ =	sdelay $0x1  }
0xa1: {  	s23 =	simm.s32 $0x1B8B  }
0xa2: {  	_ =	swait.ge [sflag:s23], $0x1  }
0xa3: {  	[sflag:s23] =	ssyncset.done $0x0  }
0xa4: {  	s25 =	simm.s32 $0x1B8E;
	s24 =	sld [smem:$0x3FFE];
	[sflag:s23] =	ssyncadd.s32 $0xFFFFFFFF  }
0xa5: {  	s26 =	simm.s32 $execute0_lowered;
	[smem:$0x3FD2] =	sst s25  }
0xa6: {  	s4 =	sshll.u32 s26, $0x1;
	_ =	strace $0x8000004F;
	[dreg:$0x1] =	wrdreg $0xFFFFFFFF  }
0xa7: {  	s28 =	simm.s32 $_size_execute0_lowered;
	s2 =	sadd.s32 s2, s4;
	[dreg:$0x0] =	wrdreg $0x0  }
0xa8: {  	s4 =	sshll.u32 s28, $0x1;
	[dreg:$0x2] =	wrdreg s2  }
0xa9: {  	[dreg:$0x3] =	wrdreg s4  }
0xaa: {  	[dreg:$0x4] =	wrdreg $0xC0  }
0xab: {  	_ =	task [dreg:s6], $0x5FFFF  }
0xac: {  	[dreg:$0x1] =	wrdreg $0xFFFFFFFF  }
0xad: {  	[dreg:$0x0] =	wrdreg $0x60  }
0xae: {  	[dreg:$0x2] =	wrdreg s24  }
0xaf: {  	[dreg:$0x3] =	wrdreg $0x8F800  }
0xb0: {  	[dreg:$0x4] =	wrdreg $0x9  }
0xb1: {  	_ =	task.clear_ibuf [dreg:s6], $0x5FFFF;
	_ =	strace $0x9000004F  }
0xb2: {  	s29 =	simm.s32 $0x9;
	_ =	strace $0x80000051  }
0xb3: {  	_ =	swait.ge [sflag:s29], $0x1  }
0xb4: {  	[sflag:s29] =	ssyncadd.s32 $0xFFFFFFFF  }
0xb5: {  	_ =	strace $0x90000051  }
0xb6: {  	_ =	sfence  }
0xb7: {  	s30 =	sld [smem:$0x0];
	_ =	sdelay $0x2  }
0xb8: {  	s31 =	sshll.u32 s1, $0xD;
	s1 =	sshrl.u32 s1, $0x2  }
0xb9: {  	s3 =	sand.u32 $0x4000, s31;
	s1 =	sadd.s32 s1, s30  }
0xba: {  	s0 =	sor.u32 s3, s0;
	s1 =	sshll.u32 s1, $0x11  }
0xbb: {  	s0 =	sor.u32 s1, s0  }
0xbc: {  	s0 =	sadd.s32 $0x8F2B, s0  }
0xbd: {  	[sflag:s0] =	ssyncadd.remote.s32 $0x1  }
0xbe: {  	_ =	sfence.sel $0xFFFF  }
0xbf: {  	[dreg:$0x0] =	wrdreg $0xFFFFFFFF;
	(pc) =	sbr.abs _section_cstart, $3  }
0xc0: {  	[dreg:$0x1] =	wrdreg $0xFFFFFFFF  }
0xc1: {  	_ =	task.clear_ibuf [dreg:s6], $0x2FFFF;
	_ =	strace $0x9FFFFFFF  }
0xc2: {  	(tm) =	ssettm $0x7FFFFFFF  }
0xc3: {  	_ =	shalt  }
tec
execute0_lowered:
.L_overlay_start_1:
0x0: {  	(tag) =	ssettag $0x1  }
0x1: {  	s6 =	rddreg [dreg:$0x0]  }
0x2: {  	s2 =	rddreg [dreg:$0x1]  }
0x3: {  	s0 =	rddreg [dreg:$0x2]  }
0x4: {  	s3 =	simm.s32 $0x0;
	s1 =	stileid.u32;
	s8 =	srdreg.scid  }
0x5: {  	s19 =	simm.s32 $0x1;
	s20 =	simm.s32 $0x0;
	[smem:$0x7FF] =	sst s3  }
0x6: {  	s4 =	sadd.s32 $0xF3600, s6;
	s5 =	sshll.u32 s1, $0xB;
	s10 =	smul.u32 $0x280, s1  }
0x7: {  	s9 =	sadd.s32 $0xDFA00, s6;
	s8 =	sand.u32 $0x1, s8;
	s12 =	smul.u32 $0x50000, s1  }
0x8: {  	s13 =	sshrl.u32 s1, $0x3;
	s14 =	sadd.s32 $0x36C00, s6;
	s15 =	sshll.u32 s1, $0x7  }
0x9: {  	s31 =	sshll.u32 s1, $0x6;
	_ =	strace $0x80000050;
	s13 =	smul.u32 $0x13C00, s13  }
0xa: {  	s7 =	sadd.s32 s5, s6;
	s5 =	sadd.s32 $0x34400, s6;
	s28 =	smul.u32 $0x4F000, s8  }
0xb: {  	s11 =	ssub.s32 $0x2, s8;
	s16 =	sshllo.u32 s8, $0x1;
	s8 =	smul.u32 $0x5000, s8  }
0xc: {  	s15 =	sand.u32 $0x380, s15;
	s26 =	sshrl.u32 s11, $0x1;
	s17 =	smul.u32 $0x27800, s16  }
0xd: {  	s6 =	sadd.s32 $0x5200, s7;
	s12 =	sshrl.u32 s12, $0x2;
	s30 =	smul.u32 $0x2800, s16  }
0xe: {  	s16 =	simm.s32 $0x400;
	s11 =	ssub.s32 s11, s26;
	s7 =	sadd.s32 s28, s13  }
0xf: {  	s18 =	sadd.s32 s12, s2;
	s8 =	sadd.s32 s10, s8;
	s7 =	sor.u32 s15, s7  }
0x10: {  	s29 =	sadd.s32 s13, s17;
	s8 =	sshll.u32 s8, $0x4;
	s10 =	sadd.s32 s10, s30  }
0x11: {  	s11 =	smax.u32 s11, $0x1;
	s13 =	sor.u32 $0x1C02, s31;
	s17 =	simm.s32 $0x50  }
0x12: {  	s7 =	sshrl.u32 s7, $0x3;
	s12 =	sor.u32 s15, s29;
	s8 =	sadd.s32 s14, s8  }
0x13: {  	s10 =	sshll.u32 s10, $0x4;
	s15 =	simm.s32 $0x80;
	s7 =	sadd.s32 s9, s7  }
0x14: {  	s12 =	sshrl.u32 s12, $0x3;
	s10 =	sadd.s32 s14, s10;
	s14 =	sshrl.u32 s18, $0x3  }
0x15: {  	s18 =	simm.s32 $0x6780;
	s9 =	sadd.s32 s9, s12;
	s12 =	simm.s32 $0x2  }
.LBB2_1:
0x16: {  	s21 =	simm.s32 $0x2780  }
0x17: {  	[tilespmem:s21], [sflag:$0x2] =	stream.linear.gather [hbm4b:s6+s3], $0x3E80, $0x38;
	[tilespmem:$0x1CF80] =	vst v63  }
0x18: {  	_ =	swait.ge [sflag:s12], $0x3E80  }
0x19: {  	[sflag:s12] =	ssyncset.done $0x0  }
0x1a: {  	[sflag:s12] =	ssyncadd.s32 $0xFFFFC180  }
0x1b: {  	[spmem:s14], [sflag:s13] =	dma.local [hbm:s5], $0x2800  }
0x1c: {  	_ =	swait.ge [sflag:s12], $0x2800  }
0x1d: {  	[sflag:s12] =	ssyncset.done $0x0  }
0x1e: {  	[sflag:s12] =	ssyncadd.s32 $0xFFFFD800  }
0x1f: {  	[tilespmem:s3], [sflag:$0x2] =	stream.strided.gather [hbm4b:s7+s15], $0x2780, s16, s15, $0x38;
	[tilespmem:$0x1CF80] =	vst v63  }
0x20: {  	_ =	swait.ge [sflag:s12], $0x2780  }
0x21: {  	[sflag:s12] =	ssyncset.done $0x0  }
0x22: {  	[sflag:s12] =	ssyncadd.s32 $0xFFFFD880  }
0x23: {  	s22 =	simm.s32 $0x0;
	[bflag:$0x0] =	sbarrier.arrive $0xFFFF  }
0x24: {  	[tilespmem:s18], [sflag:$0x1] =	stream.indirect.gather [hbm4b:s4+s17], $0x80, s22, s17, $0xb8;
	[tilespmem:$0x1CF80] =	vst v63  }
0x25: {  	_ =	swait.ge [sflag:s19], $0x2800  }
0x26: {  	[sflag:s19] =	ssyncset.done $0x0  }
0x27: {  	[sflag:s19] =	ssyncadd.s32 $0xFFFFD800  }
0x28: {  	[spmem:s2] =	stream.indirect.scatter.add.f32 [tilespmem:s18], [sflag:$0x2], $0x80, s21, s17, $0xb8;
	[tilespmem:$0x1CF80] =	vst v63  }
0x29: {  	s23 =	simm.s32 $0x280;
	_ =	swait.ge [sflag:s12], $0x2800  }
0x2a: {  	s22 =	simm.s32 $0x140;
	s21 =	simm.s32 $0x2800;
	[sflag:s12] =	ssyncset.done $0x0  }
.LBB2_2:
0x2b: {  	s24 =	sshra.s32 s22, $0x2  }
0x2c: {  	[sflag:s12] =	ssyncadd.s32 $0xFFFFD800;
	s22 =	smov.u32 s23;
	s25 =	sadd.s32 $0x140, s23  }
0x2d: {  	[tilespmem:s18], [sflag:$0x1] =	stream.indirect.gather [hbm4b:s4+s17], $0x80, s24, s17, $0xb8;
	[tilespmem:$0x1CF80] =	vst v63  }
0x2e: {  	p0 =	sne.s32 s23, $0x9B00;
	_ =	swait.ge [sflag:s19], $0x2800  }
.Ltmp0:
0x2f: {  	[sflag:s19] =	ssyncset.done $0x0;
	(pc) =	sbr.rel @p0 .LBB2_2-.Ltmp0, $4  }
0x30: {  	[sflag:s19] =	ssyncadd.s32 $0xFFFFD800  }
0x31: {  	[spmem:s2] =	stream.indirect.scatter.add.f32 [tilespmem:s18], [sflag:$0x2], $0x80, s21, s17, $0xb8;
	[tilespmem:$0x1CF80] =	vst v63  }
0x32: {  	_ =	swait.ge [sflag:s12], $0x2800  }
0x33: {  	s23 =	smov.u32 s25;
	s21 =	sadd.s32 $0x80, s21;
	[sflag:s12] =	ssyncset.done $0x0  }
0x34: {  	s22 =	sshra.s32 s22, $0x2;
	[sflag:s12] =	ssyncadd.s32 $0xFFFFD800  }
0x35: {  	[tilespmem:s18], [sflag:$0x1] =	stream.indirect.gather [hbm4b:s4+s17], $0x80, s22, s17, $0xb8;
	[tilespmem:$0x1CF80] =	vst v63  }
0x36: {  	_ =	swait.ge [sflag:s19], $0x2800  }
0x37: {  	[sflag:s19] =	ssyncset.done $0x0  }
0x38: {  	[sflag:s19] =	ssyncadd.s32 $0xFFFFD800  }
0x39: {  	[spmem:s2] =	stream.indirect.scatter.add.f32 [tilespmem:s18], [sflag:$0x2], $0x80, s21, s17, $0xb8;
	[tilespmem:$0x1CF80] =	vst v63  }
0x3a: {  	_ =	swait.ge [sflag:s12], $0x2800  }
0x3b: {  	[sflag:s12] =	ssyncset.done $0x0  }
0x3c: {  	[sflag:s12] =	ssyncadd.s32 $0xFFFFD800  }
0x3d: {  	[bflag:$0x0] =	sbarrier.arrive $0xFFFF  }
0x3e: {  	[hbm:s8], [sflag:s13] =	dma.local [spmem:s14], $0x2800  }
0x3f: {  	_ =	swait.ge [sflag:s12], $0x2800  }
0x40: {  	[sflag:s12] =	ssyncset.done $0x0  }
0x41: {  	[sflag:s12] =	ssyncadd.s32 $0xFFFFD800  }
0x42: {  	[spmem:s14], [sflag:s13] =	dma.local [hbm:s5], $0x2800  }
0x43: {  	_ =	swait.ge [sflag:s12], $0x2800  }
0x44: {  	[sflag:s12] =	ssyncset.done $0x0  }
0x45: {  	s29 =	simm.s32 $0x0;
	[sflag:s12] =	ssyncadd.s32 $0xFFFFD800  }
0x46: {  	[tilespmem:s29], [sflag:$0x2] =	stream.strided.gather [hbm4b:s9+s15], $0x2780, s16, s15, $0x38;
	[tilespmem:$0x1CF80] =	vst v63  }
0x47: {  	_ =	swait.ge [sflag:s12], $0x2780  }
0x48: {  	[sflag:s12] =	ssyncset.done $0x0  }
0x49: {  	[sflag:s12] =	ssyncadd.s32 $0xFFFFD880  }
0x4a: {  	s30 =	simm.s32 $0x0;
	[bflag:$0x0] =	sbarrier.arrive $0xFFFF  }
0x4b: {  	[tilespmem:s18], [sflag:$0x1] =	stream.indirect.gather [hbm4b:s4+s17], $0x80, s30, s17, $0xb8;
	[tilespmem:$0x1CF80] =	vst v63  }
0x4c: {  	_ =	swait.ge [sflag:s19], $0x2800  }
0x4d: {  	[sflag:s19] =	ssyncset.done $0x0  }
0x4e: {  	s31 =	simm.s32 $0x2780;
	[sflag:s19] =	ssyncadd.s32 $0xFFFFD800  }
0x4f: {  	[spmem:s2] =	stream.indirect.scatter.add.f32 [tilespmem:s18], [sflag:$0x2], $0x80, s31, s17, $0xb8;
	[tilespmem:$0x1CF80] =	vst v63  }
0x50: {  	s23 =	simm.s32 $0x280;
	_ =	swait.ge [sflag:s12], $0x2800  }
0x51: {  	s22 =	simm.s32 $0x140;
	s21 =	simm.s32 $0x2800;
	[sflag:s12] =	ssyncset.done $0x0  }
.LBB2_4:
0x52: {  	s24 =	sshra.s32 s22, $0x2  }
0x53: {  	[sflag:s12] =	ssyncadd.s32 $0xFFFFD800;
	s22 =	smov.u32 s23;
	s25 =	sadd.s32 $0x140, s23  }
0x54: {  	[tilespmem:s18], [sflag:$0x1] =	stream.indirect.gather [hbm4b:s4+s17], $0x80, s24, s17, $0xb8;
	[tilespmem:$0x1CF80] =	vst v63  }
0x55: {  	p0 =	sne.s32 s23, $0x9B00;
	_ =	swait.ge [sflag:s19], $0x2800  }
.Ltmp1:
0x56: {  	[sflag:s19] =	ssyncset.done $0x0;
	(pc) =	sbr.rel @p0 .LBB2_4-.Ltmp1, $4  }
0x57: {  	[sflag:s19] =	ssyncadd.s32 $0xFFFFD800  }
0x58: {  	[spmem:s2] =	stream.indirect.scatter.add.f32 [tilespmem:s18], [sflag:$0x2], $0x80, s21, s17, $0xb8;
	[tilespmem:$0x1CF80] =	vst v63  }
0x59: {  	_ =	swait.ge [sflag:s12], $0x2800  }
0x5a: {  	s23 =	smov.u32 s25;
	s21 =	sadd.s32 $0x80, s21;
	[sflag:s12] =	ssyncset.done $0x0  }
0x5b: {  	s22 =	sshra.s32 s22, $0x2;
	[sflag:s12] =	ssyncadd.s32 $0xFFFFD800  }
0x5c: {  	[tilespmem:s18], [sflag:$0x1] =	stream.indirect.gather [hbm4b:s4+s17], $0x80, s22, s17, $0xb8;
	[tilespmem:$0x1CF80] =	vst v63  }
0x5d: {  	_ =	swait.ge [sflag:s19], $0x2800  }
0x5e: {  	[sflag:s19] =	ssyncset.done $0x0  }
0x5f: {  	[sflag:s19] =	ssyncadd.s32 $0xFFFFD800  }
0x60: {  	[spmem:s2] =	stream.indirect.scatter.add.f32 [tilespmem:s18], [sflag:$0x2], $0x80, s21, s17, $0xb8;
	[tilespmem:$0x1CF80] =	vst v63  }
0x61: {  	_ =	swait.ge [sflag:s12], $0x2800  }
0x62: {  	s20 =	sadd.s32 $0x1, s20;
	[sflag:s12] =	ssyncset.done $0x0  }
0x63: {  	p0 =	sne.s32 s20, s11;
	[sflag:s12] =	ssyncadd.s32 $0xFFFFD800  }
.Ltmp2:
0x64: {  	[bflag:$0x0] =	sbarrier.arrive $0xFFFF;
	(pc) =	sbr.rel @p0 .LBB2_1-.Ltmp2, $4  }
0x65: {  	[hbm:s10], [sflag:s13] =	dma.local [spmem:s14], $0x2800  }
0x66: {  	_ =	swait.ge [sflag:s12], $0x2800  }
0x67: {  	[sflag:s12] =	ssyncset.done $0x0  }
0x68: {  	[sflag:s12] =	ssyncadd.s32 $0xFFFFD800  }
0x69: {  	_ =	sfence.sel $0x180000  }
0x6a: {  	[bflag:$0x0] =	sbarrier.arrive $0xFFFF  }
0x6b: {  	p0 =	sne.s32 s1, $0x0;
	_ =	strace $0x90000050  }
0x6c: {  	s0 =	sadd.s32 @!p0 $0x100000, s0;
	[bflag:$0x2] =	sbarrier.arrive $0xFFFF  }
0x6d: {  	[sflag:s0] =	ssyncadd.tile.s32 @!p0 $0x1;
	_ =	shalt  }
.Lfunc_end2:
_tile_overlayer_lowered:
.L_overlay_start_2:
0x6e: {  	(tag) =	ssettag $0x2  }
0x6f: {  	s0 =	rddreg [dreg:$0x0];
	s2 =	stileid.u32  }
0x70: {  	s1 =	rddreg [dreg:$0x1];
	p0 =	sne.s32 s2, $0x0  }
0x71: {  	s3 =	rddreg [dreg:$0x2];
	[bflag:$0x3] =	sbarrier.arrive $0xFFFF;
	s2 =	simm.s32 @!p0 $0x1C02  }
0x72: {  	[timem:s3], [sflag:s2] =	dma.local @!p0 [hbm:s0], s1  }
0x73: {  	s0 =	simm.s32 @!p0 $0x2  }
0x74: {  	_ =	swait.ge @!p0 [sflag:s0], s1  }
0x75: {  	s1 =	ssub.s32 @!p0 $0x0, s1;
	[sflag:s0] =	ssyncset.done @!p0 $0x0  }
0x76: {  	[sflag:s0] =	ssyncadd.s32 @!p0 s1  }
0x77: {  	[bflag:$0x3] =	sbarrier.arrive $0xFFFF  }
0x78: {  	_ =	shalt  }

// kernel: kernel.25.cloned.1.call-start
scs
__scs_entry_jumppad:
0x0: {  	(pc) =	sbr.rel $0x88, $3  }
0x1: {  	(tag) =	ssettag $0x0;
	lr =	simm.s32 $0x1  }
0x2: {  	[smem:$0x3F8C] =	sst lr;
	_ =	strace $0xD0000000  }
0x3: {  	_ = 	snop  }
0x4: {  	_ = 	snop  }
0x5: {  	_ = 	snop  }
0x6: {  	_ = 	snop  }
0x7: {  	_ = 	snop  }
__scs_overlays_trampoline_lowered:
0x8: {  	[smem:$0x3F9B] =	sst s0  }
0x9: {  	[smem:$0x3F9C] =	sst s1  }
0xa: {  	[smem:$0x3F9D] =	sst s2  }
0xb: {  	[smem:$0x3F9E] =	sst s3  }
0xc: {  	[smem:$0x3F9F] =	sst s4  }
0xd: {  	[smem:$0x3FA0] =	sst s5  }
0xe: {  	[smem:$0x3FA1] =	sst s6  }
0xf: {  	[smem:$0x3FA2] =	sst s7  }
0x10: {  	[smem:$0x3FA3] =	sst s8  }
0x11: {  	[smem:$0x3FA4] =	sst s9;
	s0 =	simm.s32 @!p0 $0x0  }
0x12: {  	s1 =	sld [smem:$0x3F8A];
	s0 =	simm.s32 @p0 $0x1  }
0x13: {  	[smem:$0x3FA5] =	sst s0;
	s0 =	simm.s32 @!p1 $0x0  }
0x14: {  	s2 =	sld [smem:$0x3F89];
	s0 =	simm.s32 @p1 $0x1  }
0x15: {  	[smem:$0x3FA6] =	sst s0;
	s0 =	simm.s32 @!p2 $0x0  }
0x16: {  	s3 =	sld [smem:$0x3FDB];
	s0 =	simm.s32 @p2 $0x1  }
0x17: {  	s4 =	simm.s32 $0x1BF5;
	[smem:$0x3FA8] =	sst s0  }
0x18: {  	s0 =	sld [smem:$0x3F8B];
	_ =	swait.ge [sflag:s4], $0x0  }
0x19: {  	s7 =	sld [smem:$0x3F8C]  }
0x1a: {  	s8 =	sadd.s32 $0xFFFFE003, lr  }
0x1b: {  	s9 =	sadd.s32 $0xFFFFFEF7, lr;
	s5 =	simm.s32 $0xFFFFFFFF;
	p2 =	slt.u32 s8, $0xFFFFF086  }
0x1c: {  	p1 =	slt.u32 s9, $0xF7A;
	s5 =	simm.s32 @!p2 $0x0  }
0x1d: {  	s5 =	simm.s32 @p1 $0x1;
	p0 =	seq.s32 s7, s2  }
0x1e: {  	s7 =	smul.u32 @!p0 $0xF7A, s2;
	p2 =	seq.s32 @!p0 s5, $0x0  }
0x1f: {  	s9 =	smul.u32 $0xF7A, s1;
	s8 =	simm.s32 @!p0 $0x1BF5;
	p2 =	por !p2, p0  }
0x20: {  	[sflag:s8] =	ssyncset.s32 @!p0 $0xFFFFF086;
	s6 =	sadd.s32 @!p0 s3, s7;
	s7 =	simm.s32 @!p0 $0x108  }
0x21: {  	s3 =	sadd.s32 s3, s9;
	s6 =	sadd.s32 @!p0 $0x88, s6;
	s7 =	simm.s32 @p2 $0x1082  }
0x22: {  	[simem:s7], [sflag:s8] =	dma.local @!p0 [hbm:s6], $0xF7A  }
0x23: {  	s9 =	sor.u32 $0xD0000000, s2;
	s6 =	simm.s32 $0x108;
	_ =	swait.ge @!p0 [sflag:s8], $0x0  }
0x24: {  	s3 =	sadd.s32 $0x88, s3;
	s6 =	simm.s32 @!p1 $0x1082;
	[sflag:s4] =	ssyncset.s32 $0xFFFFF086  }
0x25: {  	[simem:s6], [sflag:s4] =	dma.local [hbm:s3], $0xF7A  }
0x26: {  	[smem:$0x3F8C] =	sst s1;
	(tag) =	ssettag s2;
	_ =	strace s9  }
0x27: {  	s1 =	sld [smem:$0x3F9C]  }
0x28: {  	s2 =	sld [smem:$0x3F9D]  }
0x29: {  	s4 =	sld [smem:$0x3F9F]  }
0x2a: {  	p0 =	seq.s32 s5, $0x0;
	s5 =	sld [smem:$0x3FA0]  }
0x2b: {  	s6 =	sld [smem:$0x3FA1]  }
0x2c: {  	s7 =	sld [smem:$0x3FA2]  }
0x2d: {  	s3 =	simm.s32 $0x108;
	s8 =	sld [smem:$0x3FA3]  }
0x2e: {  	s3 =	simm.s32 @!p0 $0x1082;
	s9 =	sld [smem:$0x3FA4]  }
0x2f: {  	lr =	sadd.s32 s0, s3;
	s0 =	sld [smem:$0x3F9B]  }
0x30: {  	s3 =	sld [smem:$0x3F9E]  }
0x31: {  	[smem:$0x3FA7] =	sst s10  }
0x32: {  	s10 =	sld [smem:$0x3FA5];
	_ =	sdelay $0x3  }
0x33: {  	p0 =	seq.s32 s10, $0x1;
	s10 =	sld [smem:$0x3FA7];
	_ =	sdelay $0x3  }
0x34: {  	[smem:$0x3FA7] =	sst s10  }
0x35: {  	s10 =	sld [smem:$0x3FA6];
	_ =	sdelay $0x3  }
0x36: {  	p1 =	seq.s32 s10, $0x1;
	s10 =	sld [smem:$0x3FA7];
	_ =	sdelay $0x3  }
0x37: {  	[smem:$0x3FA7] =	sst s10  }
0x38: {  	s10 =	sld [smem:$0x3FA8]  }
0x39: {  	_ = 	snop;
	(pc) =	sbr.ind lr, $3  }
0x3a: {  	_ = 	snop  }
0x3b: {  	_ = 	snop  }
0x3c: {  	p2 =	seq.s32 s10, $0x1;
	s10 =	sld [smem:$0x3FA7]  }
0x3d: {  	_ =	shalt  }
0x3e: {  	_ =	shalt  }
0x3f: {  	_ =	shalt  }
0x40: {  	_ =	shalt  }
0x41: {  	_ =	shalt  }
0x42: {  	_ =	shalt  }
0x43: {  	_ =	shalt  }
0x44: {  	_ =	shalt  }
0x45: {  	_ =	shalt  }
0x46: {  	_ =	shalt  }
0x47: {  	_ =	shalt  }
0x48: {  	_ =	shalt  }
0x49: {  	_ =	shalt  }
0x4a: {  	_ =	shalt  }
0x4b: {  	_ =	shalt  }
0x4c: {  	_ =	shalt  }
0x4d: {  	_ =	shalt  }
0x4e: {  	_ =	shalt  }
0x4f: {  	_ =	shalt  }
0x50: {  	_ =	shalt  }
0x51: {  	_ =	shalt  }
0x52: {  	_ =	shalt  }
0x53: {  	_ =	shalt  }
0x54: {  	_ =	shalt  }
0x55: {  	_ =	shalt  }
0x56: {  	_ =	shalt  }
0x57: {  	_ =	shalt  }
0x58: {  	_ =	shalt  }
0x59: {  	_ =	shalt  }
0x5a: {  	_ =	shalt  }
0x5b: {  	_ =	shalt  }
0x5c: {  	_ =	shalt  }
0x5d: {  	_ =	shalt  }
0x5e: {  	_ =	shalt  }
0x5f: {  	_ =	shalt  }
0x60: {  	_ =	shalt  }
0x61: {  	_ =	shalt  }
0x62: {  	_ =	shalt  }
0x63: {  	_ =	shalt  }
0x64: {  	_ =	shalt  }
0x65: {  	_ =	shalt  }
0x66: {  	_ =	shalt  }
0x67: {  	_ =	shalt  }
0x68: {  	_ =	shalt  }
0x69: {  	_ =	shalt  }
0x6a: {  	_ =	shalt  }
0x6b: {  	_ =	shalt  }
0x6c: {  	_ =	shalt  }
0x6d: {  	_ =	shalt  }
0x6e: {  	_ =	shalt  }
0x6f: {  	_ =	shalt  }
0x70: {  	_ =	shalt  }
0x71: {  	_ =	shalt  }
0x72: {  	_ =	shalt  }
0x73: {  	_ =	shalt  }
0x74: {  	_ =	shalt  }
0x75: {  	_ =	shalt  }
0x76: {  	_ =	shalt  }
0x77: {  	_ =	shalt  }
0x78: {  	_ =	shalt  }
0x79: {  	_ =	shalt  }
0x7a: {  	_ =	shalt  }
0x7b: {  	_ =	shalt  }
0x7c: {  	_ =	shalt  }
0x7d: {  	_ =	shalt  }
0x7e: {  	_ =	shalt  }
0x7f: {  	_ =	shalt  }
0x80: {  	_ =	shalt  }
0x81: {  	_ =	shalt  }
0x82: {  	_ =	shalt  }
0x83: {  	_ =	shalt  }
0x84: {  	_ =	shalt  }
0x85: {  	_ =	shalt  }
0x86: {  	_ =	shalt  }
0x87: {  	_ =	shalt  }
.Lfunc_end0:
.L_simem_size_0:
called_computation.4_lowered:
.L_overlay_start_0:
0x88: {  	s2 =	sld [smem:$0x3FD9]  }
0x89: {  	s3 =	sld [smem:$0x3FFE];
	_ =	sdelay $0x1  }
0x8a: {  	s1 =	srdreg.scid  }
0x8b: {  	s0 =	sand.u32 $0x1, s1  }
0x8c: {  	s16 =	sshll.u32 s0, $0xA;
	s2 =	sadd.s32 s3, s2  }
0x8d: {  	s2 =	sadd.s32 s2, s16  }
0x8e: {  	[smem:$0x3FB3] =	sst s2  }
0x8f: {  	_ = 	snop  }
0x90: {  	(tm) =	ssettm $0x1  }
0x91: {  	s17 =	sld [smem:$0x3FFB];
	_ =	sdelay $0x3  }
0x92: {  	_ =	strace s17  }
0x93: {  	s2 =	sld [smem:$0x3FFC];
	_ =	sdelay $0x3  }
0x94: {  	_ =	strace s2  }
0x95: {  	s2 =	sld [smem:$0x3FFD];
	_ =	sdelay $0x3  }
0x96: {  	_ =	strace s2  }
0x97: {  	_ =	strace $0x8FFFFFFF  }
0x98: {  	s18 =	sld [smem:$0x3FDB];
	_ =	sdelay $0x1  }
0x99: {  	s19 =	simm.s32 $_scs_section_size  }
0x9a: {  	s4 =	simm.s32 $_size__tile_overlayer_lowered;
	s5 =	simm.s32 $_tile_overlayer_lowered  }
0x9b: {  	s22 =	simm.s32 $0x1BFF;
	s21 =	sshll.u32 s5, $0x1;
	s2 =	sadd.s32 s19, s18  }
0x9c: {  	s6 =	simm.s32 $0x0;
	s20 =	sshll.u32 s4, $0x1;
	s4 =	sadd.s32 s21, s2  }
0x9d: {  	[timem:s6], [sflag:s22] =	dma.local [hbm:s4], s20  }
0x9e: {  	_ =	swait.ge [sflag:s22], s20  }
0x9f: {  	s3 =	ssub.s32 $0x0, s20;
	[sflag:s22] =	ssyncset.done $0x0  }
0xa0: {  	[sflag:s22] =	ssyncadd.s32 s3;
	_ =	sdelay $0x1  }
0xa1: {  	s23 =	simm.s32 $0x1B8B  }
0xa2: {  	_ =	swait.ge [sflag:s23], $0x1  }
0xa3: {  	[sflag:s23] =	ssyncset.done $0x0  }
0xa4: {  	s25 =	simm.s32 $0x1B8E;
	s24 =	sld [smem:$0x3FFE];
	[sflag:s23] =	ssyncadd.s32 $0xFFFFFFFF  }
0xa5: {  	s26 =	simm.s32 $execute0_lowered;
	[smem:$0x3FD2] =	sst s25  }
0xa6: {  	s4 =	sshll.u32 s26, $0x1;
	_ =	strace $0x80000052;
	[dreg:$0x1] =	wrdreg $0xFFFFFFFF  }
0xa7: {  	s28 =	simm.s32 $_size_execute0_lowered;
	s2 =	sadd.s32 s2, s4;
	[dreg:$0x0] =	wrdreg $0x0  }
0xa8: {  	s4 =	sshll.u32 s28, $0x1;
	[dreg:$0x2] =	wrdreg s2  }
0xa9: {  	[dreg:$0x3] =	wrdreg s4  }
0xaa: {  	[dreg:$0x4] =	wrdreg $0xC0  }
0xab: {  	_ =	task [dreg:s6], $0x5FFFF  }
0xac: {  	[dreg:$0x1] =	wrdreg $0xFFFFFFFF  }
0xad: {  	[dreg:$0x0] =	wrdreg $0x60  }
0xae: {  	[dreg:$0x2] =	wrdreg s24  }
0xaf: {  	[dreg:$0x3] =	wrdreg $0x8F800  }
0xb0: {  	[dreg:$0x4] =	wrdreg $0x9  }
0xb1: {  	_ =	task.clear_ibuf [dreg:s6], $0x5FFFF;
	_ =	strace $0x90000052  }
0xb2: {  	s29 =	simm.s32 $0x9;
	_ =	strace $0x80000054  }
0xb3: {  	_ =	swait.ge [sflag:s29], $0x1  }
0xb4: {  	[sflag:s29] =	ssyncadd.s32 $0xFFFFFFFF  }
0xb5: {  	_ =	strace $0x90000054  }
0xb6: {  	_ =	sfence  }
0xb7: {  	s30 =	sld [smem:$0x0];
	_ =	sdelay $0x2  }
0xb8: {  	s31 =	sshll.u32 s1, $0xD;
	s1 =	sshrl.u32 s1, $0x2  }
0xb9: {  	s3 =	sand.u32 $0x4000, s31;
	s1 =	sadd.s32 s1, s30  }
0xba: {  	s0 =	sor.u32 s3, s0;
	s1 =	sshll.u32 s1, $0x11  }
0xbb: {  	s0 =	sor.u32 s1, s0  }
0xbc: {  	s0 =	sadd.s32 $0x8F2B, s0  }
0xbd: {  	[sflag:s0] =	ssyncadd.remote.s32 $0x1  }
0xbe: {  	_ =	sfence.sel $0xFFFF  }
0xbf: {  	[dreg:$0x0] =	wrdreg $0xFFFFFFFF;
	(pc) =	sbr.abs _section_cstart, $3  }
0xc0: {  	[dreg:$0x1] =	wrdreg $0xFFFFFFFF  }
0xc1: {  	_ =	task.clear_ibuf [dreg:s6], $0x2FFFF;
	_ =	strace $0x9FFFFFFF  }
0xc2: {  	(tm) =	ssettm $0x7FFFFFFF  }
0xc3: {  	_ =	shalt  }
tec
execute0_lowered:
.L_overlay_start_1:
0x0: {  	(tag) =	ssettag $0x1  }
0x1: {  	s6 =	rddreg [dreg:$0x0]  }
0x2: {  	s2 =	rddreg [dreg:$0x1]  }
0x3: {  	s0 =	rddreg [dreg:$0x2]  }
0x4: {  	s3 =	simm.s32 $0x0;
	s1 =	stileid.u32;
	s8 =	srdreg.scid  }
0x5: {  	s19 =	simm.s32 $0x1;
	s20 =	simm.s32 $0x0;
	[smem:$0x7FF] =	sst s3  }
0x6: {  	s4 =	sadd.s32 $0xF3600, s6;
	s5 =	sshll.u32 s1, $0xB;
	s10 =	smul.u32 $0x280, s1  }
0x7: {  	s9 =	sadd.s32 $0xDFA00, s6;
	s8 =	sand.u32 $0x1, s8;
	s12 =	smul.u32 $0x50000, s1  }
0x8: {  	s13 =	sshrl.u32 s1, $0x3;
	s14 =	sadd.s32 $0x36C00, s6;
	s15 =	sshll.u32 s1, $0x7  }
0x9: {  	s31 =	sshll.u32 s1, $0x6;
	_ =	strace $0x80000053;
	s13 =	smul.u32 $0x13C00, s13  }
0xa: {  	s7 =	sadd.s32 s5, s6;
	s5 =	sadd.s32 $0x34400, s6;
	s28 =	smul.u32 $0x4F000, s8  }
0xb: {  	s11 =	ssub.s32 $0x2, s8;
	s16 =	sshllo.u32 s8, $0x1;
	s8 =	smul.u32 $0x5000, s8  }
0xc: {  	s15 =	sand.u32 $0x380, s15;
	s26 =	sshrl.u32 s11, $0x1;
	s17 =	smul.u32 $0x27800, s16  }
0xd: {  	s6 =	sadd.s32 $0x5200, s7;
	s12 =	sshrl.u32 s12, $0x2;
	s30 =	smul.u32 $0x2800, s16  }
0xe: {  	s16 =	simm.s32 $0x400;
	s11 =	ssub.s32 s11, s26;
	s7 =	sadd.s32 s28, s13  }
0xf: {  	s18 =	sadd.s32 s12, s2;
	s8 =	sadd.s32 s10, s8;
	s7 =	sor.u32 s15, s7  }
0x10: {  	s29 =	sadd.s32 s13, s17;
	s8 =	sshll.u32 s8, $0x4;
	s10 =	sadd.s32 s10, s30  }
0x11: {  	s11 =	smax.u32 s11, $0x1;
	s13 =	sor.u32 $0x1C02, s31;
	s17 =	simm.s32 $0x50  }
0x12: {  	s7 =	sshrl.u32 s7, $0x3;
	s12 =	sor.u32 s15, s29;
	s8 =	sadd.s32 s14, s8  }
0x13: {  	s10 =	sshll.u32 s10, $0x4;
	s15 =	simm.s32 $0x80;
	s7 =	sadd.s32 s9, s7  }
0x14: {  	s12 =	sshrl.u32 s12, $0x3;
	s10 =	sadd.s32 s14, s10;
	s14 =	sshrl.u32 s18, $0x3  }
0x15: {  	s18 =	simm.s32 $0x6780;
	s9 =	sadd.s32 s9, s12;
	s12 =	simm.s32 $0x2  }
.LBB2_1:
0x16: {  	s21 =	simm.s32 $0x2780  }
0x17: {  	[tilespmem:s21], [sflag:$0x2] =	stream.linear.gather [hbm4b:s6+s3], $0x3E80, $0x38;
	[tilespmem:$0x1CF80] =	vst v63  }
0x18: {  	_ =	swait.ge [sflag:s12], $0x3E80  }
0x19: {  	[sflag:s12] =	ssyncset.done $0x0  }
0x1a: {  	[sflag:s12] =	ssyncadd.s32 $0xFFFFC180  }
0x1b: {  	[spmem:s14], [sflag:s13] =	dma.local [hbm:s5], $0x2800  }
0x1c: {  	_ =	swait.ge [sflag:s12], $0x2800  }
0x1d: {  	[sflag:s12] =	ssyncset.done $0x0  }
0x1e: {  	[sflag:s12] =	ssyncadd.s32 $0xFFFFD800  }
0x1f: {  	[tilespmem:s3], [sflag:$0x2] =	stream.strided.gather [hbm4b:s7+s15], $0x2780, s16, s15, $0x38;
	[tilespmem:$0x1CF80] =	vst v63  }
0x20: {  	_ =	swait.ge [sflag:s12], $0x2780  }
0x21: {  	[sflag:s12] =	ssyncset.done $0x0  }
0x22: {  	[sflag:s12] =	ssyncadd.s32 $0xFFFFD880  }
0x23: {  	s22 =	simm.s32 $0x0;
	[bflag:$0x0] =	sbarrier.arrive $0xFFFF  }
0x24: {  	[tilespmem:s18], [sflag:$0x1] =	stream.indirect.gather [hbm4b:s4+s17], $0x80, s22, s17, $0xb8;
	[tilespmem:$0x1CF80] =	vst v63  }
0x25: {  	_ =	swait.ge [sflag:s19], $0x2800  }
0x26: {  	[sflag:s19] =	ssyncset.done $0x0  }
0x27: {  	[sflag:s19] =	ssyncadd.s32 $0xFFFFD800  }
0x28: {  	[spmem:s2] =	stream.indirect.scatter.add.f32 [tilespmem:s18], [sflag:$0x2], $0x80, s21, s17, $0xb8;
	[tilespmem:$0x1CF80] =	vst v63  }
0x29: {  	s23 =	simm.s32 $0x280;
	_ =	swait.ge [sflag:s12], $0x2800  }
0x2a: {  	s22 =	simm.s32 $0x140;
	s21 =	simm.s32 $0x2800;
	[sflag:s12] =	ssyncset.done $0x0  }
.LBB2_2:
0x2b: {  	s24 =	sshra.s32 s22, $0x2  }
0x2c: {  	[sflag:s12] =	ssyncadd.s32 $0xFFFFD800;
	s22 =	smov.u32 s23;
	s25 =	sadd.s32 $0x140, s23  }
0x2d: {  	[tilespmem:s18], [sflag:$0x1] =	stream.indirect.gather [hbm4b:s4+s17], $0x80, s24, s17, $0xb8;
	[tilespmem:$0x1CF80] =	vst v63  }
0x2e: {  	p0 =	sne.s32 s23, $0x9B00;
	_ =	swait.ge [sflag:s19], $0x2800  }
.Ltmp0:
0x2f: {  	[sflag:s19] =	ssyncset.done $0x0;
	(pc) =	sbr.rel @p0 .LBB2_2-.Ltmp0, $4  }
0x30: {  	[sflag:s19] =	ssyncadd.s32 $0xFFFFD800  }
0x31: {  	[spmem:s2] =	stream.indirect.scatter.add.f32 [tilespmem:s18], [sflag:$0x2], $0x80, s21, s17, $0xb8;
	[tilespmem:$0x1CF80] =	vst v63  }
0x32: {  	_ =	swait.ge [sflag:s12], $0x2800  }
0x33: {  	s23 =	smov.u32 s25;
	s21 =	sadd.s32 $0x80, s21;
	[sflag:s12] =	ssyncset.done $0x0  }
0x34: {  	s22 =	sshra.s32 s22, $0x2;
	[sflag:s12] =	ssyncadd.s32 $0xFFFFD800  }
0x35: {  	[tilespmem:s18], [sflag:$0x1] =	stream.indirect.gather [hbm4b:s4+s17], $0x80, s22, s17, $0xb8;
	[tilespmem:$0x1CF80] =	vst v63  }
0x36: {  	_ =	swait.ge [sflag:s19], $0x2800  }
0x37: {  	[sflag:s19] =	ssyncset.done $0x0  }
0x38: {  	[sflag:s19] =	ssyncadd.s32 $0xFFFFD800  }
0x39: {  	[spmem:s2] =	stream.indirect.scatter.add.f32 [tilespmem:s18], [sflag:$0x2], $0x80, s21, s17, $0xb8;
	[tilespmem:$0x1CF80] =	vst v63  }
0x3a: {  	_ =	swait.ge [sflag:s12], $0x2800  }
0x3b: {  	[sflag:s12] =	ssyncset.done $0x0  }
0x3c: {  	[sflag:s12] =	ssyncadd.s32 $0xFFFFD800  }
0x3d: {  	[bflag:$0x0] =	sbarrier.arrive $0xFFFF  }
0x3e: {  	[hbm:s8], [sflag:s13] =	dma.local [spmem:s14], $0x2800  }
0x3f: {  	_ =	swait.ge [sflag:s12], $0x2800  }
0x40: {  	[sflag:s12] =	ssyncset.done $0x0  }
0x41: {  	[sflag:s12] =	ssyncadd.s32 $0xFFFFD800  }
0x42: {  	[spmem:s14], [sflag:s13] =	dma.local [hbm:s5], $0x2800  }
0x43: {  	_ =	swait.ge [sflag:s12], $0x2800  }
0x44: {  	[sflag:s12] =	ssyncset.done $0x0  }
0x45: {  	s29 =	simm.s32 $0x0;
	[sflag:s12] =	ssyncadd.s32 $0xFFFFD800  }
0x46: {  	[tilespmem:s29], [sflag:$0x2] =	stream.strided.gather [hbm4b:s9+s15], $0x2780, s16, s15, $0x38;
	[tilespmem:$0x1CF80] =	vst v63  }
0x47: {  	_ =	swait.ge [sflag:s12], $0x2780  }
0x48: {  	[sflag:s12] =	ssyncset.done $0x0  }
0x49: {  	[sflag:s12] =	ssyncadd.s32 $0xFFFFD880  }
0x4a: {  	s30 =	simm.s32 $0x0;
	[bflag:$0x0] =	sbarrier.arrive $0xFFFF  }
0x4b: {  	[tilespmem:s18], [sflag:$0x1] =	stream.indirect.gather [hbm4b:s4+s17], $0x80, s30, s17, $0xb8;
	[tilespmem:$0x1CF80] =	vst v63  }
0x4c: {  	_ =	swait.ge [sflag:s19], $0x2800  }
0x4d: {  	[sflag:s19] =	ssyncset.done $0x0  }
0x4e: {  	s31 =	simm.s32 $0x2780;
	[sflag:s19] =	ssyncadd.s32 $0xFFFFD800  }
0x4f: {  	[spmem:s2] =	stream.indirect.scatter.add.f32 [tilespmem:s18], [sflag:$0x2], $0x80, s31, s17, $0xb8;
	[tilespmem:$0x1CF80] =	vst v63  }
0x50: {  	s23 =	simm.s32 $0x280;
	_ =	swait.ge [sflag:s12], $0x2800  }
0x51: {  	s22 =	simm.s32 $0x140;
	s21 =	simm.s32 $0x2800;
	[sflag:s12] =	ssyncset.done $0x0  }
.LBB2_4:
0x52: {  	s24 =	sshra.s32 s22, $0x2  }
0x53: {  	[sflag:s12] =	ssyncadd.s32 $0xFFFFD800;
	s22 =	smov.u32 s23;
	s25 =	sadd.s32 $0x140, s23  }
0x54: {  	[tilespmem:s18], [sflag:$0x1] =	stream.indirect.gather [hbm4b:s4+s17], $0x80, s24, s17, $0xb8;
	[tilespmem:$0x1CF80] =	vst v63  }
0x55: {  	p0 =	sne.s32 s23, $0x9B00;
	_ =	swait.ge [sflag:s19], $0x2800  }
.Ltmp1:
0x56: {  	[sflag:s19] =	ssyncset.done $0x0;
	(pc) =	sbr.rel @p0 .LBB2_4-.Ltmp1, $4  }
0x57: {  	[sflag:s19] =	ssyncadd.s32 $0xFFFFD800  }
0x58: {  	[spmem:s2] =	stream.indirect.scatter.add.f32 [tilespmem:s18], [sflag:$0x2], $0x80, s21, s17, $0xb8;
	[tilespmem:$0x1CF80] =	vst v63  }
0x59: {  	_ =	swait.ge [sflag:s12], $0x2800  }
0x5a: {  	s23 =	smov.u32 s25;
	s21 =	sadd.s32 $0x80, s21;
	[sflag:s12] =	ssyncset.done $0x0  }
0x5b: {  	s22 =	sshra.s32 s22, $0x2;
	[sflag:s12] =	ssyncadd.s32 $0xFFFFD800  }
0x5c: {  	[tilespmem:s18], [sflag:$0x1] =	stream.indirect.gather [hbm4b:s4+s17], $0x80, s22, s17, $0xb8;
	[tilespmem:$0x1CF80] =	vst v63  }
0x5d: {  	_ =	swait.ge [sflag:s19], $0x2800  }
0x5e: {  	[sflag:s19] =	ssyncset.done $0x0  }
0x5f: {  	[sflag:s19] =	ssyncadd.s32 $0xFFFFD800  }
0x60: {  	[spmem:s2] =	stream.indirect.scatter.add.f32 [tilespmem:s18], [sflag:$0x2], $0x80, s21, s17, $0xb8;
	[tilespmem:$0x1CF80] =	vst v63  }
0x61: {  	_ =	swait.ge [sflag:s12], $0x2800  }
0x62: {  	s20 =	sadd.s32 $0x1, s20;
	[sflag:s12] =	ssyncset.done $0x0  }
0x63: {  	p0 =	sne.s32 s20, s11;
	[sflag:s12] =	ssyncadd.s32 $0xFFFFD800  }
.Ltmp2:
0x64: {  	[bflag:$0x0] =	sbarrier.arrive $0xFFFF;
	(pc) =	sbr.rel @p0 .LBB2_1-.Ltmp2, $4  }
0x65: {  	[hbm:s10], [sflag:s13] =	dma.local [spmem:s14], $0x2800  }
0x66: {  	_ =	swait.ge [sflag:s12], $0x2800  }
0x67: {  	[sflag:s12] =	ssyncset.done $0x0  }
0x68: {  	[sflag:s12] =	ssyncadd.s32 $0xFFFFD800  }
0x69: {  	_ =	sfence.sel $0x180000  }
0x6a: {  	[bflag:$0x0] =	sbarrier.arrive $0xFFFF  }
0x6b: {  	p0 =	sne.s32 s1, $0x0;
	_ =	strace $0x90000053  }
0x6c: {  	s0 =	sadd.s32 @!p0 $0x100000, s0;
	[bflag:$0x2] =	sbarrier.arrive $0xFFFF  }
0x6d: {  	[sflag:s0] =	ssyncadd.tile.s32 @!p0 $0x1;
	_ =	shalt  }
.Lfunc_end2:
_tile_overlayer_lowered:
.L_overlay_start_2:
0x6e: {  	(tag) =	ssettag $0x2  }
0x6f: {  	s0 =	rddreg [dreg:$0x0];
	s2 =	stileid.u32  }
0x70: {  	s1 =	rddreg [dreg:$0x1];
	p0 =	sne.s32 s2, $0x0  }
0x71: {  	s3 =	rddreg [dreg:$0x2];
	[bflag:$0x3] =	sbarrier.arrive $0xFFFF;
	s2 =	simm.s32 @!p0 $0x1C02  }
0x72: {  	[timem:s3], [sflag:s2] =	dma.local @!p0 [hbm:s0], s1  }
0x73: {  	s0 =	simm.s32 @!p0 $0x2  }
0x74: {  	_ =	swait.ge @!p0 [sflag:s0], s1  }
0x75: {  	s1 =	ssub.s32 @!p0 $0x0, s1;
	[sflag:s0] =	ssyncset.done @!p0 $0x0  }
0x76: {  	[sflag:s0] =	ssyncadd.s32 @!p0 s1  }
0x77: {  	[bflag:$0x3] =	sbarrier.arrive $0xFFFF  }
0x78: {  	_ =	shalt  }

</sc_bundles>
